<compile_context>
chip_gen: v7x
topology: tpu7x:2x2x1
jax: 0.10.2.dev20260603
libtpu: 0.0.44.dev20260713+nightly
codegen_flags: <defaults>
</compile_context>

<pallas_src>
import functools

import jax
import jax.numpy as jnp
from jax import lax
from jax.experimental import pallas as pl
from jax.experimental.pallas import tpu as pltpu
from jax.experimental.pallas import tpu_sc as plsc

N = 10000
NP = 10240
E = 160000
EP = 163840
EP2 = EP + 1024
B = 128
RT = NP // 16
NB1 = EP // 32 // B
NB2 = EP // 16 // B

_mesh = plsc.VectorSubcoreMesh(core_axis_name="c", subcore_axis_name="s")



def _sc_l1_body(x_hbm, src2_hbm, dst2_hbm, zacc_hbm, zdeg_hbm,
                agg_out, deg_out,
                srcall, dstall, r0buf, r1buf, ones, acc, dacc,
                sem0, sem1):
  c = lax.axis_index("c")
  s = lax.axis_index("s")
  row0 = s * RT
  pltpu.sync_copy(zacc_hbm.at[pl.ds(row0, RT), :], acc.at[pl.ds(row0, RT), :])
  pltpu.sync_copy(zdeg_hbm.at[pl.ds(row0, RT)], dacc.at[pl.ds(row0, RT)])
  for i in range(B // 16):
    ones[pl.ds(i * 16, 16)] = jnp.full((16,), 1.0, jnp.float32)
  bb0 = (c * 16 + s) * NB1
  pltpu.sync_copy(src2_hbm.at[pl.ds(bb0, NB1 + 8), :], srcall)
  pltpu.sync_copy(dst2_hbm.at[pl.ds(bb0, NB1), :], dstall)
  plsc.subcore_barrier()

  pltpu.async_copy(x_hbm.at[srcall.at[0]], r0buf, sem0)

  def body(jj, carry):
    j0 = 2 * jj
    pltpu.async_copy(x_hbm.at[srcall.at[j0 + 1]], r1buf, sem1)
    pltpu.make_async_copy(x_hbm.at[srcall.at[j0]], r0buf, sem0).wait()
    pltpu.sync_copy(r0buf, acc.at[dstall.at[j0]], add=True)
    pltpu.sync_copy(ones, dacc.at[dstall.at[j0]], add=True)
    pltpu.async_copy(x_hbm.at[srcall.at[j0 + 2]], r0buf, sem0)
    pltpu.make_async_copy(x_hbm.at[srcall.at[j0 + 1]], r1buf, sem1).wait()
    pltpu.sync_copy(r1buf, acc.at[dstall.at[j0 + 1]], add=True)
    pltpu.sync_copy(ones, dacc.at[dstall.at[j0 + 1]], add=True)
    return carry

  lax.fori_loop(0, NB1 // 2, body, 0)
  pltpu.make_async_copy(x_hbm.at[srcall.at[0]], r0buf, sem0).wait()
  plsc.subcore_barrier()
  pltpu.sync_copy(acc.at[pl.ds(row0, RT), :], agg_out.at[c, pl.ds(row0, RT), :])
  pltpu.sync_copy(dacc.at[pl.ds(row0, RT)], deg_out.at[c, pl.ds(row0, RT)])


_sc_l1 = functools.partial(
    pl.kernel,
    out_type=(jax.ShapeDtypeStruct((2, NP, 128), jnp.float32),
              jax.ShapeDtypeStruct((2, NP), jnp.float32)),
    mesh=_mesh,
    scratch_types=[
        pltpu.VMEM((NB1 + 8, B), jnp.int32),
        pltpu.VMEM((NB1, B), jnp.int32),
        pltpu.VMEM((B, 128), jnp.float32),
        pltpu.VMEM((B, 128), jnp.float32),
        pltpu.VMEM((B,), jnp.float32),
        pltpu.VMEM_SHARED((NP, 128), jnp.float32),
        pltpu.VMEM_SHARED((NP,), jnp.float32),
        pltpu.SemaphoreType.DMA,
        pltpu.SemaphoreType.DMA,
    ],
)(_sc_l1_body)


def _sc_l2_body(h14_hbm, src2_hbm, dst2_hbm, zacc_hbm,
                agg_out,
                idxall, dstall, r0buf, r1buf, acc,
                sem0, sem1):
  c = lax.axis_index("c")
  s = lax.axis_index("s")
  row0 = s * RT
  for r in range(2):
    fb = c * 2 + r
    pltpu.sync_copy(zacc_hbm.at[pl.ds(row0, RT), :], acc.at[pl.ds(row0, RT), :])
    plsc.subcore_barrier()
    for half in range(2):
      bb0 = s * NB2 + half * NB1
      pltpu.sync_copy(src2_hbm.at[pl.ds(bb0, NB1 + 8), :], idxall)
      pltpu.sync_copy(dst2_hbm.at[pl.ds(bb0, NB1), :], dstall)

      def idxbody(jj, carry):
        for i in range(B // 16):
          sl = pl.ds(i * 16, 16)
          idxall[jj, sl] = idxall[jj, sl] * 4 + fb
        return carry

      lax.fori_loop(0, NB1 + 8, idxbody, 0)

      pltpu.async_copy(h14_hbm.at[idxall.at[0]], r0buf, sem0)

      def body(jj, carry):
        j0 = 2 * jj
        pltpu.async_copy(h14_hbm.at[idxall.at[j0 + 1]], r1buf, sem1)
        pltpu.make_async_copy(h14_hbm.at[idxall.at[j0]], r0buf, sem0).wait()
        pltpu.sync_copy(r0buf, acc.at[dstall.at[j0]], add=True)
        pltpu.async_copy(h14_hbm.at[idxall.at[j0 + 2]], r0buf, sem0)
        pltpu.make_async_copy(h14_hbm.at[idxall.at[j0 + 1]], r1buf, sem1).wait()
        pltpu.sync_copy(r1buf, acc.at[dstall.at[j0 + 1]], add=True)
        return carry

      lax.fori_loop(0, NB1 // 2, body, 0)
      pltpu.make_async_copy(h14_hbm.at[idxall.at[0]], r0buf, sem0).wait()
    plsc.subcore_barrier()
    pltpu.sync_copy(acc.at[pl.ds(row0, RT), :],
                    agg_out.at[fb, pl.ds(row0, RT), :])
    plsc.subcore_barrier()


_sc_l2 = functools.partial(
    pl.kernel,
    out_type=jax.ShapeDtypeStruct((4, NP, 128), jnp.float32),
    mesh=_mesh,
    scratch_types=[
        pltpu.VMEM((NB1 + 8, B), jnp.int32),
        pltpu.VMEM((NB1, B), jnp.int32),
        pltpu.VMEM((B, 128), jnp.float32),
        pltpu.VMEM((B, 128), jnp.float32),
        pltpu.VMEM_SHARED((NP, 128), jnp.float32),
        pltpu.SemaphoreType.DMA,
        pltpu.SemaphoreType.DMA,
    ],
)(_sc_l2_body)


def _sc_l3_body(p_hbm, src2_hbm, dst2_hbm, zacc_hbm,
                agg_out,
                srcall, dstall, r0buf, r1buf, acc,
                sem0, sem1):
  c = lax.axis_index("c")
  s = lax.axis_index("s")
  row0 = s * RT
  pltpu.sync_copy(zacc_hbm.at[pl.ds(row0, RT), :], acc.at[pl.ds(row0, RT), :])
  bb0 = (c * 16 + s) * NB1
  pltpu.sync_copy(src2_hbm.at[pl.ds(bb0, NB1 + 8), :], srcall)
  pltpu.sync_copy(dst2_hbm.at[pl.ds(bb0, NB1), :], dstall)
  plsc.subcore_barrier()

  pltpu.async_copy(p_hbm.at[srcall.at[0]], r0buf, sem0)

  def body(jj, carry):
    j0 = 2 * jj
    pltpu.async_copy(p_hbm.at[srcall.at[j0 + 1]], r1buf, sem1)
    pltpu.make_async_copy(p_hbm.at[srcall.at[j0]], r0buf, sem0).wait()
    pltpu.sync_copy(r0buf, acc.at[dstall.at[j0]], add=True)
    pltpu.async_copy(p_hbm.at[srcall.at[j0 + 2]], r0buf, sem0)
    pltpu.make_async_copy(p_hbm.at[srcall.at[j0 + 1]], r1buf, sem1).wait()
    pltpu.sync_copy(r1buf, acc.at[dstall.at[j0 + 1]], add=True)
    return carry

  lax.fori_loop(0, NB1 // 2, body, 0)
  pltpu.make_async_copy(p_hbm.at[srcall.at[0]], r0buf, sem0).wait()
  plsc.subcore_barrier()
  pltpu.sync_copy(acc.at[pl.ds(row0, RT), :], agg_out.at[c, pl.ds(row0, RT), :])


_sc_l3 = functools.partial(
    pl.kernel,
    out_type=jax.ShapeDtypeStruct((2, NP, 128), jnp.float32),
    mesh=_mesh,
    scratch_types=[
        pltpu.VMEM((NB1 + 8, B), jnp.int32),
        pltpu.VMEM((NB1, B), jnp.int32),
        pltpu.VMEM((B, 128), jnp.float32),
        pltpu.VMEM((B, 128), jnp.float32),
        pltpu.VMEM_SHARED((NP, 128), jnp.float32),
        pltpu.SemaphoreType.DMA,
        pltpu.SemaphoreType.DMA,
    ],
)(_sc_l3_body)



MB = 512
MB3 = 1024


def _tc1_body(aggp, degp, x, wl, wr, b1, o):
  d = jnp.maximum(degp[0] + degp[1], 1.0)
  a = (aggp[0] + aggp[1]) / d
  h = jnp.dot(a, wl[...], preferred_element_type=jnp.float32)
  h = h + jnp.dot(x[...], wr[...], preferred_element_type=jnp.float32)
  o[...] = jnp.maximum(h + b1[...], 0.0)


def _tc2_body(agg4, degp, h1, wl4, wr, b2, wcat, h2o, pro):
  d = jnp.maximum(degp[0] + degp[1], 1.0)
  acc = jnp.dot(h1[...], wr[...], preferred_element_type=jnp.float32)
  for b in range(4):
    acc = acc + jnp.dot(agg4[b] / d, wl4[b],
                        preferred_element_type=jnp.float32)
  h2 = jnp.maximum(acc + b2[...], 0.0)
  h2o[...] = h2
  pro[...] = jnp.dot(h2, wcat[...], preferred_element_type=jnp.float32)


def _tc3_body(a3p, degp, prj, b3, o):
  d = jnp.maximum(degp[0] + degp[1], 1.0)
  sm = (a3p[0, :, 0:2] + a3p[1, :, 0:2]) / d
  o[...] = jnp.maximum(sm + prj[:, 2:4] + b3[...], 0.0)



@jax.jit
def kernel(x, edge_index, batch, W1_l, W1_r, b1, W2_l, W2_r, b2,
           W3_l, W3_r, b3):
  del batch
  f32 = jnp.float32
  x_p = jnp.pad(x, ((0, NP - N), (0, 0)))
  src2 = jnp.pad(edge_index[0], (0, EP2 - E)).reshape(EP2 // B, B)
  pad_dst = N + jnp.arange(EP - E, dtype=jnp.int32) % (NP - N)
  dst2 = jnp.concatenate([edge_index[1], pad_dst]).reshape(EP // B, B)
  zacc = jnp.zeros((NP, 128), f32)
  zdeg = jnp.zeros((NP,), f32)
  wcat = jnp.concatenate([W3_l, W3_r, jnp.zeros((1024, 124), f32)], axis=1)

  agg1p, degp = _sc_l1(x_p, src2, dst2, zacc, zdeg)
  degp3 = degp.reshape(2, NP, 1)

  h1 = pl.pallas_call(
      _tc1_body,
      grid=(NP // MB,),
      in_specs=[
          pl.BlockSpec((2, MB, 128), lambda i: (0, i, 0)),
          pl.BlockSpec((2, MB, 1), lambda i: (0, i, 0)),
          pl.BlockSpec((MB, 128), lambda i: (i, 0)),
          pl.BlockSpec((128, 512), lambda i: (0, 0)),
          pl.BlockSpec((128, 512), lambda i: (0, 0)),
          pl.BlockSpec((1, 512), lambda i: (0, 0)),
      ],
      out_specs=pl.BlockSpec((MB, 512), lambda i: (i, 0)),
      out_shape=jax.ShapeDtypeStruct((NP, 512), f32),
  )(agg1p, degp3, x_p, W1_l, W1_r, b1.reshape(1, 512))

  agg2 = _sc_l2(h1.reshape(NP * 4, 128), src2, dst2, zacc)

  h2, pr = pl.pallas_call(
      _tc2_body,
      grid=(NP // MB,),
      in_specs=[
          pl.BlockSpec((4, MB, 128), lambda i: (0, i, 0)),
          pl.BlockSpec((2, MB, 1), lambda i: (0, i, 0)),
          pl.BlockSpec((MB, 512), lambda i: (i, 0)),
          pl.BlockSpec((4, 128, 1024), lambda i: (0, 0, 0)),
          pl.BlockSpec((512, 1024), lambda i: (0, 0)),
          pl.BlockSpec((1, 1024), lambda i: (0, 0)),
          pl.BlockSpec((1024, 128), lambda i: (0, 0)),
      ],
      out_specs=[
          pl.BlockSpec((MB, 1024), lambda i: (i, 0)),
          pl.BlockSpec((MB, 128), lambda i: (i, 0)),
      ],
      out_shape=[
          jax.ShapeDtypeStruct((NP, 1024), f32),
          jax.ShapeDtypeStruct((NP, 128), f32),
      ],
  )(agg2, degp3, h1, W2_l.reshape(4, 128, 1024), W2_r,
    b2.reshape(1, 1024), wcat)
  del h2

  agg3p = _sc_l3(pr, src2, dst2, zacc)

  out = pl.pallas_call(
      _tc3_body,
      grid=(NP // MB3,),
      in_specs=[
          pl.BlockSpec((2, MB3, 128), lambda i: (0, i, 0)),
          pl.BlockSpec((2, MB3, 1), lambda i: (0, i, 0)),
          pl.BlockSpec((MB3, 128), lambda i: (i, 0)),
          pl.BlockSpec((1, 2), lambda i: (0, 0)),
      ],
      out_specs=pl.BlockSpec((MB3, 2), lambda i: (i, 0)),
      out_shape=jax.ShapeDtypeStruct((NP, 2), f32),
  )(agg3p, degp3, pr, b3.reshape(1, 2))

  return out[:N]

# --- scband reference (transcript-rebuilt; emitter-appended) ---
"""Pipeline reference for scband-improved-triple-graph-model-8246337209015 (READ-ONLY COPY).

The authoritative reference and input builder live on the scoring server;
editing this copy changes nothing except your own understanding.
"""

import jax, jax.numpy as jnp
import numpy as np

N_NODES = 10000
N_EDGES = 160000
D_IN = 128


def _glorot(key, fan_in, fan_out):
    return jax.random.normal(key, (fan_in, fan_out), dtype=jnp.float32) * (1.0 / np.sqrt(fan_in))


def setup_inputs(seed: int = 0) -> dict:
    key = jax.random.key(seed)
    ks = jax.random.split(key, 12)
    x = jax.random.normal(ks[0], (N_NODES, D_IN), dtype=jnp.float32)
    edge_index = jax.random.randint(ks[1], (2, N_EDGES), 0, N_NODES, dtype=jnp.int64 if jax.config.jax_enable_x64 else jnp.int32).astype(jnp.int32)
    batch = jnp.sort(jax.random.randint(ks[2], (N_NODES,), 0, 64)).astype(jnp.int32)
    # SAGEConv params: lin_l applied to mean-aggregated neighbors (with bias), lin_r to root
    W1_l = _glorot(ks[3], D_IN, 512)
    W1_r = _glorot(ks[4], D_IN, 512)
    b1 = jnp.zeros((512,), dtype=jnp.float32)
    W2_l = _glorot(ks[5], 512, 1024)
    W2_r = _glorot(ks[6], 512, 1024)
    b2 = jnp.zeros((1024,), dtype=jnp.float32)
    W3_l = _glorot(ks[7], 1024, 2)
    W3_r = _glorot(ks[8], 1024, 2)
    b3 = jnp.zeros((2,), dtype=jnp.float32)
    return {"x": x, "edge_index": edge_index, "batch": batch,
            "W1_l": W1_l, "W1_r": W1_r, "b1": b1,
            "W2_l": W2_l, "W2_r": W2_r, "b2": b2,
            "W3_l": W3_l, "W3_r": W3_r, "b3": b3}


def _sage_conv(x, edge_index, W_l, W_r, b, num_nodes):
    # PyG SAGEConv (aggr='mean'): out = lin_l(mean_{j in N(i)} x_j) + lin_r(x_i)
    src = edge_index[0]
    dst = edge_index[1]
    msgs = jnp.take(x, src, axis=0)                      # gather  [E, d]
    agg = jax.ops.segment_sum(msgs, dst, num_segments=num_nodes)   # scatter-add
    deg = jax.ops.segment_sum(jnp.ones((src.shape[0],), x.dtype), dst, num_segments=num_nodes)
    agg = agg / jnp.maximum(deg, 1.0)[:, None]
    return agg @ W_l + x @ W_r + b


def reference(x, edge_index, batch, W1_l, W1_r, b1, W2_l, W2_r, b2, W3_l, W3_r, b3):
    # dropout layers are identity in eval mode; batch is unused by the forward
    n = x.shape[0]
    h = _sage_conv(x, edge_index, W1_l, W1_r, b1, n)
    h = jax.nn.relu(h)
    h = _sage_conv(h, edge_index, W2_l, W2_r, b2, n)
    h = jax.nn.relu(h)
    h = _sage_conv(h, edge_index, W3_l, W3_r, b3, n)
    h = jax.nn.relu(h)
    return h

if __name__ == "__main__":
    import jax
    _d = setup_inputs()
    print(jax.jit(kernel)(*tuple(_d.values())))

</pallas_src>

<mosaic_0001>
#map = affine_map<(d0, d1) -> (0, 0)>
#map1 = affine_map<(d0, d1) -> (0, 0, 0)>
module attributes {stable_mosaic.version = 14 : i64} {
  func.func @_sc_l3_body(%arg0: i32, %arg1: i32, %arg2: memref<10240x128xf32, #tpu.memory_space<hbm>>, %arg3: memref<1288x128xi32, #tpu.memory_space<hbm>>, %arg4: memref<1280x128xi32, #tpu.memory_space<hbm>>, %arg5: memref<10240x128xf32, #tpu.memory_space<hbm>>, %arg6: memref<2x10240x128xf32, #tpu.memory_space<hbm>>, %arg7: memref<48x128xi32, #tpu.memory_space<vmem>>, %arg8: memref<40x128xi32, #tpu.memory_space<vmem>>, %arg9: memref<128x128xf32, #tpu.memory_space<vmem>>, %arg10: memref<128x128xf32, #tpu.memory_space<vmem>>, %arg11: memref<10240x128xf32, #tpu.memory_space<vmem_shared>>, %arg12: memref<!tpu.dma_semaphore, #tpu.memory_space<semaphore_mem>>, %arg13: memref<!tpu.dma_semaphore, #tpu.memory_space<semaphore_mem>>) attributes {dimension_semantics = [#tpu.dimension_semantics<core_parallel>, #tpu.dimension_semantics<subcore_parallel>], iteration_bounds = array<i64: 2, 16>, scalar_prefetch = 0 : i64, scratch_operands = 7 : i64, tpu.core_type = #tpu.core_type<sc_vector_subcore>, window_params = [{transform_indices = #map}, {transform_indices = #map}, {transform_indices = #map}, {transform_indices = #map}, {transform_indices = #map1}]} {
    %mul3A = arith.constant 640 : i32
    %mul3A_0 = arith.muli %arg1, %mul3A : i32
    "tpu.region"() ({
      %run_scoped3A = tpu.sem_alloc : memref<!tpu.dma_semaphore, #tpu.memory_space<semaphore_mem>>
      %dma_start3A_23 = arith.constant 0 : i32
      %dma_start3A_24 = tpu.memref_slice %arg11[%mul3A_0, %dma_start3A_23] : memref<10240x128xf32, #tpu.memory_space<vmem_shared>> -> memref<640x128xf32, #tpu.memory_space<vmem_shared>>
      %dma_start3A_25 = arith.constant 0 : i32
      %dma_start3A_26 = tpu.memref_slice %arg5[%mul3A_0, %dma_start3A_25] : memref<10240x128xf32, #tpu.memory_space<hbm>> -> memref<640x128xf32, #tpu.memory_space<hbm>>
      tpu.enqueue_dma source(%dma_start3A_26 : memref<640x128xf32, #tpu.memory_space<hbm>>) target(%dma_start3A_24 : memref<640x128xf32, #tpu.memory_space<vmem_shared>>) target_semaphore(%run_scoped3A : memref<!tpu.dma_semaphore, #tpu.memory_space<semaphore_mem>>)
      %dma_wait3A_27 = arith.constant 0 : i32
      %dma_wait3A_28 = tpu.memref_slice %arg11[%mul3A_0, %dma_wait3A_27] : memref<10240x128xf32, #tpu.memory_space<vmem_shared>> -> memref<640x128xf32, #tpu.memory_space<vmem_shared>>
      %dma_wait3A_29 = arith.constant 0 : i32
      %dma_wait3A_30 = tpu.memref_slice %arg5[%mul3A_0, %dma_wait3A_29] : memref<10240x128xf32, #tpu.memory_space<hbm>> -> memref<640x128xf32, #tpu.memory_space<hbm>>
      tpu.wait_dma2 semaphore(%run_scoped3A : memref<!tpu.dma_semaphore, #tpu.memory_space<semaphore_mem>>) src(%dma_wait3A_30 : memref<640x128xf32, #tpu.memory_space<hbm>>) dst(%dma_wait3A_28 : memref<640x128xf32, #tpu.memory_space<vmem_shared>>)
      tpu.yield
    }) : () -> ()
    %mul3A_1 = arith.constant 16 : i32
    %mul3A_2 = arith.muli %arg0, %mul3A_1 : i32
    %add3A = arith.addi %mul3A_2, %arg1 : i32
    %mul3A_3 = arith.constant 40 : i32
    %mul3A_4 = arith.muli %add3A, %mul3A_3 : i32
    "tpu.region"() ({
      %run_scoped3A = tpu.sem_alloc : memref<!tpu.dma_semaphore, #tpu.memory_space<semaphore_mem>>
      %dma_start3A_23 = arith.constant 0 : i32
      %dma_start3A_24 = tpu.memref_slice %arg3[%mul3A_4, %dma_start3A_23] : memref<1288x128xi32, #tpu.memory_space<hbm>> -> memref<48x128xi32, #tpu.memory_space<hbm>>
      %dma_start3A_25 = arith.constant 0 : i32
      %dma_start3A_26 = tpu.memref_slice %arg3[%mul3A_4, %dma_start3A_25] : memref<1288x128xi32, #tpu.memory_space<hbm>> -> memref<48x128xi32, #tpu.memory_space<hbm>>
      tpu.enqueue_dma source(%dma_start3A_26 : memref<48x128xi32, #tpu.memory_space<hbm>>) target(%arg7 : memref<48x128xi32, #tpu.memory_space<vmem>>) target_semaphore(%run_scoped3A : memref<!tpu.dma_semaphore, #tpu.memory_space<semaphore_mem>>)
      %dma_wait3A_27 = arith.constant 0 : i32
      %dma_wait3A_28 = tpu.memref_slice %arg3[%mul3A_4, %dma_wait3A_27] : memref<1288x128xi32, #tpu.memory_space<hbm>> -> memref<48x128xi32, #tpu.memory_space<hbm>>
      %dma_wait3A_29 = arith.constant 0 : i32
      %dma_wait3A_30 = tpu.memref_slice %arg3[%mul3A_4, %dma_wait3A_29] : memref<1288x128xi32, #tpu.memory_space<hbm>> -> memref<48x128xi32, #tpu.memory_space<hbm>>
      tpu.wait_dma2 semaphore(%run_scoped3A : memref<!tpu.dma_semaphore, #tpu.memory_space<semaphore_mem>>) src(%dma_wait3A_30 : memref<48x128xi32, #tpu.memory_space<hbm>>) dst(%arg7 : memref<48x128xi32, #tpu.memory_space<vmem>>)
      tpu.yield
    }) : () -> ()
    "tpu.region"() ({
      %run_scoped3A = tpu.sem_alloc : memref<!tpu.dma_semaphore, #tpu.memory_space<semaphore_mem>>
      %dma_start3A_23 = arith.constant 0 : i32
      %dma_start3A_24 = tpu.memref_slice %arg4[%mul3A_4, %dma_start3A_23] : memref<1280x128xi32, #tpu.memory_space<hbm>> -> memref<40x128xi32, #tpu.memory_space<hbm>>
      %dma_start3A_25 = arith.constant 0 : i32
      %dma_start3A_26 = tpu.memref_slice %arg4[%mul3A_4, %dma_start3A_25] : memref<1280x128xi32, #tpu.memory_space<hbm>> -> memref<40x128xi32, #tpu.memory_space<hbm>>
      tpu.enqueue_dma source(%dma_start3A_26 : memref<40x128xi32, #tpu.memory_space<hbm>>) target(%arg8 : memref<40x128xi32, #tpu.memory_space<vmem>>) target_semaphore(%run_scoped3A : memref<!tpu.dma_semaphore, #tpu.memory_space<semaphore_mem>>)
      %dma_wait3A_27 = arith.constant 0 : i32
      %dma_wait3A_28 = tpu.memref_slice %arg4[%mul3A_4, %dma_wait3A_27] : memref<1280x128xi32, #tpu.memory_space<hbm>> -> memref<40x128xi32, #tpu.memory_space<hbm>>
      %dma_wait3A_29 = arith.constant 0 : i32
      %dma_wait3A_30 = tpu.memref_slice %arg4[%mul3A_4, %dma_wait3A_29] : memref<1280x128xi32, #tpu.memory_space<hbm>> -> memref<40x128xi32, #tpu.memory_space<hbm>>
      tpu.wait_dma2 semaphore(%run_scoped3A : memref<!tpu.dma_semaphore, #tpu.memory_space<semaphore_mem>>) src(%dma_wait3A_30 : memref<40x128xi32, #tpu.memory_space<hbm>>) dst(%arg8 : memref<40x128xi32, #tpu.memory_space<vmem>>)
      tpu.yield
    }) : () -> ()
    %barrier3A = arith.constant 0 : index
    tpu.barrier barrier_id(%barrier3A)
    %dma_start3A = arith.constant 0 : i32
    %dma_start3A_5 = arith.constant 0 : i32
    %dma_start3A_6 = tpu.memref_slice %arg7[%dma_start3A, %dma_start3A_5] : memref<48x128xi32, #tpu.memory_space<vmem>> -> memref<1x128xi32, #tpu.memory_space<vmem>>
    %dma_start3A_7 = tpu.memref_squeeze %dma_start3A_6 : memref<1x128xi32, #tpu.memory_space<vmem>> -> memref<128xi32, #tpu.memory_space<vmem>>
    %dma_start3A_8 = arith.constant 0 : i32
    %dma_start3A_9 = arith.constant 0 : i32
    %dma_start3A_10 = tpu.memref_slice %arg2[%dma_start3A_8, %dma_start3A_9] : memref<10240x128xf32, #tpu.memory_space<hbm>> -> memref<10240x128xf32, #tpu.memory_space<hbm>>
    tpu.enqueue_indirect_dma source(%dma_start3A_10 : memref<10240x128xf32, #tpu.memory_space<hbm>>) target(%arg9 : memref<128x128xf32, #tpu.memory_space<vmem>>) offsets(%dma_start3A_7 : memref<128xi32, #tpu.memory_space<vmem>>) semaphore(%arg12 : memref<!tpu.dma_semaphore, #tpu.memory_space<semaphore_mem>>)
    %scan3A = arith.constant 0 : i32
    %scan3A_11 = arith.constant 0 : i32
    %scan3A_12 = arith.constant 20 : i32
    %scan3A_13 = arith.addi %scan3A_11, %scan3A_12 : i32
    %scan3A_14 = arith.constant 1 : i32
    scf.for %scan3A_23 = %scan3A_11 to %scan3A_13 step %scan3A_14  : i32 {
      %mul3A_24 = arith.constant 2 : i32
      %mul3A_25 = arith.muli %mul3A_24, %scan3A_23 : i32
      %add3A_26 = arith.constant 1 : i32
      %add3A_27 = arith.addi %mul3A_25, %add3A_26 : i32
      %dma_start3A_28 = arith.constant 0 : i32
      %dma_start3A_29 = tpu.memref_slice %arg7[%add3A_27, %dma_start3A_28] : memref<48x128xi32, #tpu.memory_space<vmem>> -> memref<1x128xi32, #tpu.memory_space<vmem>>
      %dma_start3A_30 = tpu.memref_squeeze %dma_start3A_29 : memref<1x128xi32, #tpu.memory_space<vmem>> -> memref<128xi32, #tpu.memory_space<vmem>>
      %dma_start3A_31 = arith.constant 0 : i32
      %dma_start3A_32 = arith.constant 0 : i32
      %dma_start3A_33 = tpu.memref_slice %arg2[%dma_start3A_31, %dma_start3A_32] : memref<10240x128xf32, #tpu.memory_space<hbm>> -> memref<10240x128xf32, #tpu.memory_space<hbm>>
      tpu.enqueue_indirect_dma source(%dma_start3A_33 : memref<10240x128xf32, #tpu.memory_space<hbm>>) target(%arg10 : memref<128x128xf32, #tpu.memory_space<vmem>>) offsets(%dma_start3A_30 : memref<128xi32, #tpu.memory_space<vmem>>) semaphore(%arg13 : memref<!tpu.dma_semaphore, #tpu.memory_space<semaphore_mem>>)
      %dma_wait3A_34 = arith.constant 0 : i32
      %dma_wait3A_35 = tpu.memref_slice %arg7[%mul3A_25, %dma_wait3A_34] : memref<48x128xi32, #tpu.memory_space<vmem>> -> memref<1x128xi32, #tpu.memory_space<vmem>>
      %dma_wait3A_36 = tpu.memref_squeeze %dma_wait3A_35 : memref<1x128xi32, #tpu.memory_space<vmem>> -> memref<128xi32, #tpu.memory_space<vmem>>
      %dma_wait3A_37 = arith.constant 0 : i32
      %dma_wait3A_38 = arith.constant 0 : i32
      %dma_wait3A_39 = tpu.memref_slice %arg2[%dma_wait3A_37, %dma_wait3A_38] : memref<10240x128xf32, #tpu.memory_space<hbm>> -> memref<10240x128xf32, #tpu.memory_space<hbm>>
      tpu.wait_indirect_dma semaphore(%arg12 : memref<!tpu.dma_semaphore, #tpu.memory_space<semaphore_mem>>) src(%dma_wait3A_39 : memref<10240x128xf32, #tpu.memory_space<hbm>>) dst(%arg9 : memref<128x128xf32, #tpu.memory_space<vmem>>)
      "tpu.region"() ({
        %run_scoped3A = tpu.sem_alloc : memref<!tpu.dma_semaphore, #tpu.memory_space<semaphore_mem>>
        %dma_start3A_58 = arith.constant 0 : i32
        %dma_start3A_59 = tpu.memref_slice %arg8[%mul3A_25, %dma_start3A_58] : memref<40x128xi32, #tpu.memory_space<vmem>> -> memref<1x128xi32, #tpu.memory_space<vmem>>
        %dma_start3A_60 = tpu.memref_squeeze %dma_start3A_59 : memref<1x128xi32, #tpu.memory_space<vmem>> -> memref<128xi32, #tpu.memory_space<vmem>>
        %dma_start3A_61 = arith.constant 0 : i32
        %dma_start3A_62 = arith.constant 0 : i32
        %dma_start3A_63 = tpu.memref_slice %arg11[%dma_start3A_61, %dma_start3A_62] : memref<10240x128xf32, #tpu.memory_space<vmem_shared>> -> memref<10240x128xf32, #tpu.memory_space<vmem_shared>>
        tpu.enqueue_indirect_dma source(%arg9 : memref<128x128xf32, #tpu.memory_space<vmem>>) target(%dma_start3A_63 : memref<10240x128xf32, #tpu.memory_space<vmem_shared>>) offsets(%dma_start3A_60 : memref<128xi32, #tpu.memory_space<vmem>>) semaphore(%run_scoped3A : memref<!tpu.dma_semaphore, #tpu.memory_space<semaphore_mem>>) {add = true}
        %dma_wait3A_64 = arith.constant 0 : i32
        %dma_wait3A_65 = tpu.memref_slice %arg8[%mul3A_25, %dma_wait3A_64] : memref<40x128xi32, #tpu.memory_space<vmem>> -> memref<1x128xi32, #tpu.memory_space<vmem>>
        %dma_wait3A_66 = tpu.memref_squeeze %dma_wait3A_65 : memref<1x128xi32, #tpu.memory_space<vmem>> -> memref<128xi32, #tpu.memory_space<vmem>>
        %dma_wait3A_67 = arith.constant 0 : i32
        %dma_wait3A_68 = arith.constant 0 : i32
        %dma_wait3A_69 = tpu.memref_slice %arg11[%dma_wait3A_67, %dma_wait3A_68] : memref<10240x128xf32, #tpu.memory_space<vmem_shared>> -> memref<10240x128xf32, #tpu.memory_space<vmem_shared>>
        tpu.wait_indirect_dma semaphore(%run_scoped3A : memref<!tpu.dma_semaphore, #tpu.memory_space<semaphore_mem>>) src(%arg9 : memref<128x128xf32, #tpu.memory_space<vmem>>) dst(%dma_wait3A_69 : memref<10240x128xf32, #tpu.memory_space<vmem_shared>>)
        tpu.yield
      }) : () -> ()
      %add3A_40 = arith.constant 2 : i32
      %add3A_41 = arith.addi %mul3A_25, %add3A_40 : i32
      %dma_start3A_42 = arith.constant 0 : i32
      %dma_start3A_43 = tpu.memref_slice %arg7[%add3A_41, %dma_start3A_42] : memref<48x128xi32, #tpu.memory_space<vmem>> -> memref<1x128xi32, #tpu.memory_space<vmem>>
      %dma_start3A_44 = tpu.memref_squeeze %dma_start3A_43 : memref<1x128xi32, #tpu.memory_space<vmem>> -> memref<128xi32, #tpu.memory_space<vmem>>
      %dma_start3A_45 = arith.constant 0 : i32
      %dma_start3A_46 = arith.constant 0 : i32
      %dma_start3A_47 = tpu.memref_slice %arg2[%dma_start3A_45, %dma_start3A_46] : memref<10240x128xf32, #tpu.memory_space<hbm>> -> memref<10240x128xf32, #tpu.memory_space<hbm>>
      tpu.enqueue_indirect_dma source(%dma_start3A_47 : memref<10240x128xf32, #tpu.memory_space<hbm>>) target(%arg9 : memref<128x128xf32, #tpu.memory_space<vmem>>) offsets(%dma_start3A_44 : memref<128xi32, #tpu.memory_space<vmem>>) semaphore(%arg12 : memref<!tpu.dma_semaphore, #tpu.memory_space<semaphore_mem>>)
      %add3A_48 = arith.constant 1 : i32
      %add3A_49 = arith.addi %mul3A_25, %add3A_48 : i32
      %dma_wait3A_50 = arith.constant 0 : i32
      %dma_wait3A_51 = tpu.memref_slice %arg7[%add3A_49, %dma_wait3A_50] : memref<48x128xi32, #tpu.memory_space<vmem>> -> memref<1x128xi32, #tpu.memory_space<vmem>>
      %dma_wait3A_52 = tpu.memref_squeeze %dma_wait3A_51 : memref<1x128xi32, #tpu.memory_space<vmem>> -> memref<128xi32, #tpu.memory_space<vmem>>
      %dma_wait3A_53 = arith.constant 0 : i32
      %dma_wait3A_54 = arith.constant 0 : i32
      %dma_wait3A_55 = tpu.memref_slice %arg2[%dma_wait3A_53, %dma_wait3A_54] : memref<10240x128xf32, #tpu.memory_space<hbm>> -> memref<10240x128xf32, #tpu.memory_space<hbm>>
      tpu.wait_indirect_dma semaphore(%arg13 : memref<!tpu.dma_semaphore, #tpu.memory_space<semaphore_mem>>) src(%dma_wait3A_55 : memref<10240x128xf32, #tpu.memory_space<hbm>>) dst(%arg10 : memref<128x128xf32, #tpu.memory_space<vmem>>)
      %add3A_56 = arith.constant 1 : i32
      %add3A_57 = arith.addi %mul3A_25, %add3A_56 : i32
      "tpu.region"() ({
        %run_scoped3A = tpu.sem_alloc : memref<!tpu.dma_semaphore, #tpu.memory_space<semaphore_mem>>
        %dma_start3A_58 = arith.constant 0 : i32
        %dma_start3A_59 = tpu.memref_slice %arg8[%add3A_57, %dma_start3A_58] : memref<40x128xi32, #tpu.memory_space<vmem>> -> memref<1x128xi32, #tpu.memory_space<vmem>>
        %dma_start3A_60 = tpu.memref_squeeze %dma_start3A_59 : memref<1x128xi32, #tpu.memory_space<vmem>> -> memref<128xi32, #tpu.memory_space<vmem>>
        %dma_start3A_61 = arith.constant 0 : i32
        %dma_start3A_62 = arith.constant 0 : i32
        %dma_start3A_63 = tpu.memref_slice %arg11[%dma_start3A_61, %dma_start3A_62] : memref<10240x128xf32, #tpu.memory_space<vmem_shared>> -> memref<10240x128xf32, #tpu.memory_space<vmem_shared>>
        tpu.enqueue_indirect_dma source(%arg10 : memref<128x128xf32, #tpu.memory_space<vmem>>) target(%dma_start3A_63 : memref<10240x128xf32, #tpu.memory_space<vmem_shared>>) offsets(%dma_start3A_60 : memref<128xi32, #tpu.memory_space<vmem>>) semaphore(%run_scoped3A : memref<!tpu.dma_semaphore, #tpu.memory_space<semaphore_mem>>) {add = true}
        %dma_wait3A_64 = arith.constant 0 : i32
        %dma_wait3A_65 = tpu.memref_slice %arg8[%add3A_57, %dma_wait3A_64] : memref<40x128xi32, #tpu.memory_space<vmem>> -> memref<1x128xi32, #tpu.memory_space<vmem>>
        %dma_wait3A_66 = tpu.memref_squeeze %dma_wait3A_65 : memref<1x128xi32, #tpu.memory_space<vmem>> -> memref<128xi32, #tpu.memory_space<vmem>>
        %dma_wait3A_67 = arith.constant 0 : i32
        %dma_wait3A_68 = arith.constant 0 : i32
        %dma_wait3A_69 = tpu.memref_slice %arg11[%dma_wait3A_67, %dma_wait3A_68] : memref<10240x128xf32, #tpu.memory_space<vmem_shared>> -> memref<10240x128xf32, #tpu.memory_space<vmem_shared>>
        tpu.wait_indirect_dma semaphore(%run_scoped3A : memref<!tpu.dma_semaphore, #tpu.memory_space<semaphore_mem>>) src(%arg10 : memref<128x128xf32, #tpu.memory_space<vmem>>) dst(%dma_wait3A_69 : memref<10240x128xf32, #tpu.memory_space<vmem_shared>>)
        tpu.yield
      }) : () -> ()
    }
    %scan3A_15 = arith.constant 20 : i32
    %dma_wait3A = arith.constant 0 : i32
    %dma_wait3A_16 = arith.constant 0 : i32
    %dma_wait3A_17 = tpu.memref_slice %arg7[%dma_wait3A, %dma_wait3A_16] : memref<48x128xi32, #tpu.memory_space<vmem>> -> memref<1x128xi32, #tpu.memory_space<vmem>>
    %dma_wait3A_18 = tpu.memref_squeeze %dma_wait3A_17 : memref<1x128xi32, #tpu.memory_space<vmem>> -> memref<128xi32, #tpu.memory_space<vmem>>
    %dma_wait3A_19 = arith.constant 0 : i32
    %dma_wait3A_20 = arith.constant 0 : i32
    %dma_wait3A_21 = tpu.memref_slice %arg2[%dma_wait3A_19, %dma_wait3A_20] : memref<10240x128xf32, #tpu.memory_space<hbm>> -> memref<10240x128xf32, #tpu.memory_space<hbm>>
    tpu.wait_indirect_dma semaphore(%arg12 : memref<!tpu.dma_semaphore, #tpu.memory_space<semaphore_mem>>) src(%dma_wait3A_21 : memref<10240x128xf32, #tpu.memory_space<hbm>>) dst(%arg9 : memref<128x128xf32, #tpu.memory_space<vmem>>)
    %barrier3A_22 = arith.constant 0 : index
    tpu.barrier barrier_id(%barrier3A_22)
    "tpu.region"() ({
      %run_scoped3A = tpu.sem_alloc : memref<!tpu.dma_semaphore, #tpu.memory_space<semaphore_mem>>
      %dma_start3A_23 = arith.constant 0 : i32
      %dma_start3A_24 = tpu.memref_slice %arg6[%arg0, %mul3A_0, %dma_start3A_23] : memref<2x10240x128xf32, #tpu.memory_space<hbm>> -> memref<1x640x128xf32, #tpu.memory_space<hbm>>
      %dma_start3A_25 = tpu.memref_squeeze %dma_start3A_24 : memref<1x640x128xf32, #tpu.memory_space<hbm>> -> memref<640x128xf32, #tpu.memory_space<hbm>>
      %dma_start3A_26 = arith.constant 0 : i32
      %dma_start3A_27 = tpu.memref_slice %arg11[%mul3A_0, %dma_start3A_26] : memref<10240x128xf32, #tpu.memory_space<vmem_shared>> -> memref<640x128xf32, #tpu.memory_space<vmem_shared>>
      tpu.enqueue_dma source(%dma_start3A_27 : memref<640x128xf32, #tpu.memory_space<vmem_shared>>) target(%dma_start3A_25 : memref<640x128xf32, #tpu.memory_space<hbm>>) target_semaphore(%run_scoped3A : memref<!tpu.dma_semaphore, #tpu.memory_space<semaphore_mem>>)
      %dma_wait3A_28 = arith.constant 0 : i32
      %dma_wait3A_29 = tpu.memref_slice %arg6[%arg0, %mul3A_0, %dma_wait3A_28] : memref<2x10240x128xf32, #tpu.memory_space<hbm>> -> memref<1x640x128xf32, #tpu.memory_space<hbm>>
      %dma_wait3A_30 = tpu.memref_squeeze %dma_wait3A_29 : memref<1x640x128xf32, #tpu.memory_space<hbm>> -> memref<640x128xf32, #tpu.memory_space<hbm>>
      %dma_wait3A_31 = arith.constant 0 : i32
      %dma_wait3A_32 = tpu.memref_slice %arg11[%mul3A_0, %dma_wait3A_31] : memref<10240x128xf32, #tpu.memory_space<vmem_shared>> -> memref<640x128xf32, #tpu.memory_space<vmem_shared>>
      tpu.wait_dma2 semaphore(%run_scoped3A : memref<!tpu.dma_semaphore, #tpu.memory_space<semaphore_mem>>) src(%dma_wait3A_32 : memref<640x128xf32, #tpu.memory_space<vmem_shared>>) dst(%dma_wait3A_30 : memref<640x128xf32, #tpu.memory_space<hbm>>)
      tpu.yield
    }) : () -> ()
    return
  }
}

#map = affine_map<(d0, d1) -> (0, 0)>
#map1 = affine_map<(d0, d1) -> (0)>
#map2 = affine_map<(d0, d1) -> (0, 0, 0)>
module attributes {stable_mosaic.version = 14 : i64} {
  func.func @_sc_l1_body(%arg0: i32, %arg1: i32, %arg2: memref<10240x128xf32, #tpu.memory_space<hbm>>, %arg3: memref<1288x128xi32, #tpu.memory_space<hbm>>, %arg4: memref<1280x128xi32, #tpu.memory_space<hbm>>, %arg5: memref<10240x128xf32, #tpu.memory_space<hbm>>, %arg6: memref<10240xf32, #tpu.memory_space<hbm>>, %arg7: memref<2x10240x128xf32, #tpu.memory_space<hbm>>, %arg8: memref<2x10240xf32, #tpu.memory_space<hbm>>, %arg9: memref<48x128xi32, #tpu.memory_space<vmem>>, %arg10: memref<40x128xi32, #tpu.memory_space<vmem>>, %arg11: memref<128x128xf32, #tpu.memory_space<vmem>>, %arg12: memref<128x128xf32, #tpu.memory_space<vmem>>, %arg13: memref<128xf32, #tpu.memory_space<vmem>>, %arg14: memref<10240x128xf32, #tpu.memory_space<vmem_shared>>, %arg15: memref<10240xf32, #tpu.memory_space<vmem_shared>>, %arg16: memref<!tpu.dma_semaphore, #tpu.memory_space<semaphore_mem>>, %arg17: memref<!tpu.dma_semaphore, #tpu.memory_space<semaphore_mem>>) attributes {dimension_semantics = [#tpu.dimension_semantics<core_parallel>, #tpu.dimension_semantics<subcore_parallel>], iteration_bounds = array<i64: 2, 16>, scalar_prefetch = 0 : i64, scratch_operands = 9 : i64, tpu.core_type = #tpu.core_type<sc_vector_subcore>, window_params = [{transform_indices = #map}, {transform_indices = #map}, {transform_indices = #map}, {transform_indices = #map}, {transform_indices = #map1}, {transform_indices = #map2}, {transform_indices = #map}]} {
    %mul3A = arith.constant 640 : i32
    %mul3A_0 = arith.muli %arg1, %mul3A : i32
    "tpu.region"() ({
      %run_scoped3A = tpu.sem_alloc : memref<!tpu.dma_semaphore, #tpu.memory_space<semaphore_mem>>
      %dma_start3A_69 = arith.constant 0 : i32
      %dma_start3A_70 = tpu.memref_slice %arg14[%mul3A_0, %dma_start3A_69] : memref<10240x128xf32, #tpu.memory_space<vmem_shared>> -> memref<640x128xf32, #tpu.memory_space<vmem_shared>>
      %dma_start3A_71 = arith.constant 0 : i32
      %dma_start3A_72 = tpu.memref_slice %arg5[%mul3A_0, %dma_start3A_71] : memref<10240x128xf32, #tpu.memory_space<hbm>> -> memref<640x128xf32, #tpu.memory_space<hbm>>
      tpu.enqueue_dma source(%dma_start3A_72 : memref<640x128xf32, #tpu.memory_space<hbm>>) target(%dma_start3A_70 : memref<640x128xf32, #tpu.memory_space<vmem_shared>>) target_semaphore(%run_scoped3A : memref<!tpu.dma_semaphore, #tpu.memory_space<semaphore_mem>>)
      %dma_wait3A_73 = arith.constant 0 : i32
      %dma_wait3A_74 = tpu.memref_slice %arg14[%mul3A_0, %dma_wait3A_73] : memref<10240x128xf32, #tpu.memory_space<vmem_shared>> -> memref<640x128xf32, #tpu.memory_space<vmem_shared>>
      %dma_wait3A_75 = arith.constant 0 : i32
      %dma_wait3A_76 = tpu.memref_slice %arg5[%mul3A_0, %dma_wait3A_75] : memref<10240x128xf32, #tpu.memory_space<hbm>> -> memref<640x128xf32, #tpu.memory_space<hbm>>
      tpu.wait_dma2 semaphore(%run_scoped3A : memref<!tpu.dma_semaphore, #tpu.memory_space<semaphore_mem>>) src(%dma_wait3A_76 : memref<640x128xf32, #tpu.memory_space<hbm>>) dst(%dma_wait3A_74 : memref<640x128xf32, #tpu.memory_space<vmem_shared>>)
      tpu.yield
    }) : () -> ()
    "tpu.region"() ({
      %run_scoped3A = tpu.sem_alloc : memref<!tpu.dma_semaphore, #tpu.memory_space<semaphore_mem>>
      %dma_start3A_69 = tpu.memref_slice %arg15[%mul3A_0] : memref<10240xf32, #tpu.memory_space<vmem_shared>> -> memref<640xf32, #tpu.memory_space<vmem_shared>>
      %dma_start3A_70 = tpu.memref_slice %arg6[%mul3A_0] : memref<10240xf32, #tpu.memory_space<hbm>> -> memref<640xf32, #tpu.memory_space<hbm>>
      tpu.enqueue_dma source(%dma_start3A_70 : memref<640xf32, #tpu.memory_space<hbm>>) target(%dma_start3A_69 : memref<640xf32, #tpu.memory_space<vmem_shared>>) target_semaphore(%run_scoped3A : memref<!tpu.dma_semaphore, #tpu.memory_space<semaphore_mem>>)
      %dma_wait3A_71 = tpu.memref_slice %arg15[%mul3A_0] : memref<10240xf32, #tpu.memory_space<vmem_shared>> -> memref<640xf32, #tpu.memory_space<vmem_shared>>
      %dma_wait3A_72 = tpu.memref_slice %arg6[%mul3A_0] : memref<10240xf32, #tpu.memory_space<hbm>> -> memref<640xf32, #tpu.memory_space<hbm>>
      tpu.wait_dma2 semaphore(%run_scoped3A : memref<!tpu.dma_semaphore, #tpu.memory_space<semaphore_mem>>) src(%dma_wait3A_72 : memref<640xf32, #tpu.memory_space<hbm>>) dst(%dma_wait3A_71 : memref<640xf32, #tpu.memory_space<vmem_shared>>)
      tpu.yield
    }) : () -> ()
    %broadcast_in_dim3A = arith.constant 1.000000e+00 : f32
    %broadcast_in_dim3A_1 = vector.broadcast %broadcast_in_dim3A : f32 to vector<16xf32>
    %swap3A = arith.constant 0 : index
    %swap3A_2 = tpu.vector_load %arg13[%swap3A] {strides = array<i32>} : memref<128xf32, #tpu.memory_space<vmem>>, vector<16xf32>,
    %swap3A_3 = vector.shape_cast %swap3A_2 : vector<16xf32> to vector<16xf32>
    %swap3A_4 = vector.shape_cast %broadcast_in_dim3A_1 : vector<16xf32> to vector<16xf32>
    tpu.vector_store %arg13[%swap3A], %swap3A_4 {strides = array<i32>} : memref<128xf32, #tpu.memory_space<vmem>>, vector<16xf32>,
    %broadcast_in_dim3A_5 = arith.constant 1.000000e+00 : f32
    %broadcast_in_dim3A_6 = vector.broadcast %broadcast_in_dim3A_5 : f32 to vector<16xf32>
    %swap3A_7 = arith.constant 16 : index
    %swap3A_8 = tpu.vector_load %arg13[%swap3A_7] {strides = array<i32>} : memref<128xf32, #tpu.memory_space<vmem>>, vector<16xf32>,
    %swap3A_9 = vector.shape_cast %swap3A_8 : vector<16xf32> to vector<16xf32>
    %swap3A_10 = vector.shape_cast %broadcast_in_dim3A_6 : vector<16xf32> to vector<16xf32>
    tpu.vector_store %arg13[%swap3A_7], %swap3A_10 {strides = array<i32>} : memref<128xf32, #tpu.memory_space<vmem>>, vector<16xf32>,
    %broadcast_in_dim3A_11 = arith.constant 1.000000e+00 : f32
    %broadcast_in_dim3A_12 = vector.broadcast %broadcast_in_dim3A_11 : f32 to vector<16xf32>
    %swap3A_13 = arith.constant 32 : index
    %swap3A_14 = tpu.vector_load %arg13[%swap3A_13] {strides = array<i32>} : memref<128xf32, #tpu.memory_space<vmem>>, vector<16xf32>,
    %swap3A_15 = vector.shape_cast %swap3A_14 : vector<16xf32> to vector<16xf32>
    %swap3A_16 = vector.shape_cast %broadcast_in_dim3A_12 : vector<16xf32> to vector<16xf32>
    tpu.vector_store %arg13[%swap3A_13], %swap3A_16 {strides = array<i32>} : memref<128xf32, #tpu.memory_space<vmem>>, vector<16xf32>,
    %broadcast_in_dim3A_17 = arith.constant 1.000000e+00 : f32
    %broadcast_in_dim3A_18 = vector.broadcast %broadcast_in_dim3A_17 : f32 to vector<16xf32>
    %swap3A_19 = arith.constant 48 : index
    %swap3A_20 = tpu.vector_load %arg13[%swap3A_19] {strides = array<i32>} : memref<128xf32, #tpu.memory_space<vmem>>, vector<16xf32>,
    %swap3A_21 = vector.shape_cast %swap3A_20 : vector<16xf32> to vector<16xf32>
    %swap3A_22 = vector.shape_cast %broadcast_in_dim3A_18 : vector<16xf32> to vector<16xf32>
    tpu.vector_store %arg13[%swap3A_19], %swap3A_22 {strides = array<i32>} : memref<128xf32, #tpu.memory_space<vmem>>, vector<16xf32>,
    %broadcast_in_dim3A_23 = arith.constant 1.000000e+00 : f32
    %broadcast_in_dim3A_24 = vector.broadcast %broadcast_in_dim3A_23 : f32 to vector<16xf32>
    %swap3A_25 = arith.constant 64 : index
    %swap3A_26 = tpu.vector_load %arg13[%swap3A_25] {strides = array<i32>} : memref<128xf32, #tpu.memory_space<vmem>>, vector<16xf32>,
    %swap3A_27 = vector.shape_cast %swap3A_26 : vector<16xf32> to vector<16xf32>
    %swap3A_28 = vector.shape_cast %broadcast_in_dim3A_24 : vector<16xf32> to vector<16xf32>
    tpu.vector_store %arg13[%swap3A_25], %swap3A_28 {strides = array<i32>} : memref<128xf32, #tpu.memory_space<vmem>>, vector<16xf32>,
    %broadcast_in_dim3A_29 = arith.constant 1.000000e+00 : f32
    %broadcast_in_dim3A_30 = vector.broadcast %broadcast_in_dim3A_29 : f32 to vector<16xf32>
    %swap3A_31 = arith.constant 80 : index
    %swap3A_32 = tpu.vector_load %arg13[%swap3A_31] {strides = array<i32>} : memref<128xf32, #tpu.memory_space<vmem>>, vector<16xf32>,
    %swap3A_33 = vector.shape_cast %swap3A_32 : vector<16xf32> to vector<16xf32>
    %swap3A_34 = vector.shape_cast %broadcast_in_dim3A_30 : vector<16xf32> to vector<16xf32>
    tpu.vector_store %arg13[%swap3A_31], %swap3A_34 {strides = array<i32>} : memref<128xf32, #tpu.memory_space<vmem>>, vector<16xf32>,
    %broadcast_in_dim3A_35 = arith.constant 1.000000e+00 : f32
    %broadcast_in_dim3A_36 = vector.broadcast %broadcast_in_dim3A_35 : f32 to vector<16xf32>
    %swap3A_37 = arith.constant 96 : index
    %swap3A_38 = tpu.vector_load %arg13[%swap3A_37] {strides = array<i32>} : memref<128xf32, #tpu.memory_space<vmem>>, vector<16xf32>,
    %swap3A_39 = vector.shape_cast %swap3A_38 : vector<16xf32> to vector<16xf32>
    %swap3A_40 = vector.shape_cast %broadcast_in_dim3A_36 : vector<16xf32> to vector<16xf32>
    tpu.vector_store %arg13[%swap3A_37], %swap3A_40 {strides = array<i32>} : memref<128xf32, #tpu.memory_space<vmem>>, vector<16xf32>,
    %broadcast_in_dim3A_41 = arith.constant 1.000000e+00 : f32
    %broadcast_in_dim3A_42 = vector.broadcast %broadcast_in_dim3A_41 : f32 to vector<16xf32>
    %swap3A_43 = arith.constant 112 : index
    %swap3A_44 = tpu.vector_load %arg13[%swap3A_43] {strides = array<i32>} : memref<128xf32, #tpu.memory_space<vmem>>, vector<16xf32>,
    %swap3A_45 = vector.shape_cast %swap3A_44 : vector<16xf32> to vector<16xf32>
    %swap3A_46 = vector.shape_cast %broadcast_in_dim3A_42 : vector<16xf32> to vector<16xf32>
    tpu.vector_store %arg13[%swap3A_43], %swap3A_46 {strides = array<i32>} : memref<128xf32, #tpu.memory_space<vmem>>, vector<16xf32>,
    %mul3A_47 = arith.constant 16 : i32
    %mul3A_48 = arith.muli %arg0, %mul3A_47 : i32
    %add3A = arith.addi %mul3A_48, %arg1 : i32
    %mul3A_49 = arith.constant 40 : i32
    %mul3A_50 = arith.muli %add3A, %mul3A_49 : i32
    "tpu.region"() ({
      %run_scoped3A = tpu.sem_alloc : memref<!tpu.dma_semaphore, #tpu.memory_space<semaphore_mem>>
      %dma_start3A_69 = arith.constant 0 : i32
      %dma_start3A_70 = tpu.memref_slice %arg3[%mul3A_50, %dma_start3A_69] : memref<1288x128xi32, #tpu.memory_space<hbm>> -> memref<48x128xi32, #tpu.memory_space<hbm>>
      %dma_start3A_71 = arith.constant 0 : i32
      %dma_start3A_72 = tpu.memref_slice %arg3[%mul3A_50, %dma_start3A_71] : memref<1288x128xi32, #tpu.memory_space<hbm>> -> memref<48x128xi32, #tpu.memory_space<hbm>>
      tpu.enqueue_dma source(%dma_start3A_72 : memref<48x128xi32, #tpu.memory_space<hbm>>) target(%arg9 : memref<48x128xi32, #tpu.memory_space<vmem>>) target_semaphore(%run_scoped3A : memref<!tpu.dma_semaphore, #tpu.memory_space<semaphore_mem>>)
      %dma_wait3A_73 = arith.constant 0 : i32
      %dma_wait3A_74 = tpu.memref_slice %arg3[%mul3A_50, %dma_wait3A_73] : memref<1288x128xi32, #tpu.memory_space<hbm>> -> memref<48x128xi32, #tpu.memory_space<hbm>>
      %dma_wait3A_75 = arith.constant 0 : i32
      %dma_wait3A_76 = tpu.memref_slice %arg3[%mul3A_50, %dma_wait3A_75] : memref<1288x128xi32, #tpu.memory_space<hbm>> -> memref<48x128xi32, #tpu.memory_space<hbm>>
      tpu.wait_dma2 semaphore(%run_scoped3A : memref<!tpu.dma_semaphore, #tpu.memory_space<semaphore_mem>>) src(%dma_wait3A_76 : memref<48x128xi32, #tpu.memory_space<hbm>>) dst(%arg9 : memref<48x128xi32, #tpu.memory_space<vmem>>)
      tpu.yield
    }) : () -> ()
    "tpu.region"() ({
      %run_scoped3A = tpu.sem_alloc : memref<!tpu.dma_semaphore, #tpu.memory_space<semaphore_mem>>
      %dma_start3A_69 = arith.constant 0 : i32
      %dma_start3A_70 = tpu.memref_slice %arg4[%mul3A_50, %dma_start3A_69] : memref<1280x128xi32, #tpu.memory_space<hbm>> -> memref<40x128xi32, #tpu.memory_space<hbm>>
      %dma_start3A_71 = arith.constant 0 : i32
      %dma_start3A_72 = tpu.memref_slice %arg4[%mul3A_50, %dma_start3A_71] : memref<1280x128xi32, #tpu.memory_space<hbm>> -> memref<40x128xi32, #tpu.memory_space<hbm>>
      tpu.enqueue_dma source(%dma_start3A_72 : memref<40x128xi32, #tpu.memory_space<hbm>>) target(%arg10 : memref<40x128xi32, #tpu.memory_space<vmem>>) target_semaphore(%run_scoped3A : memref<!tpu.dma_semaphore, #tpu.memory_space<semaphore_mem>>)
      %dma_wait3A_73 = arith.constant 0 : i32
      %dma_wait3A_74 = tpu.memref_slice %arg4[%mul3A_50, %dma_wait3A_73] : memref<1280x128xi32, #tpu.memory_space<hbm>> -> memref<40x128xi32, #tpu.memory_space<hbm>>
      %dma_wait3A_75 = arith.constant 0 : i32
      %dma_wait3A_76 = tpu.memref_slice %arg4[%mul3A_50, %dma_wait3A_75] : memref<1280x128xi32, #tpu.memory_space<hbm>> -> memref<40x128xi32, #tpu.memory_space<hbm>>
      tpu.wait_dma2 semaphore(%run_scoped3A : memref<!tpu.dma_semaphore, #tpu.memory_space<semaphore_mem>>) src(%dma_wait3A_76 : memref<40x128xi32, #tpu.memory_space<hbm>>) dst(%arg10 : memref<40x128xi32, #tpu.memory_space<vmem>>)
      tpu.yield
    }) : () -> ()
    %barrier3A = arith.constant 0 : index
    tpu.barrier barrier_id(%barrier3A)
    %dma_start3A = arith.constant 0 : i32
    %dma_start3A_51 = arith.constant 0 : i32
    %dma_start3A_52 = tpu.memref_slice %arg9[%dma_start3A, %dma_start3A_51] : memref<48x128xi32, #tpu.memory_space<vmem>> -> memref<1x128xi32, #tpu.memory_space<vmem>>
    %dma_start3A_53 = tpu.memref_squeeze %dma_start3A_52 : memref<1x128xi32, #tpu.memory_space<vmem>> -> memref<128xi32, #tpu.memory_space<vmem>>
    %dma_start3A_54 = arith.constant 0 : i32
    %dma_start3A_55 = arith.constant 0 : i32
    %dma_start3A_56 = tpu.memref_slice %arg2[%dma_start3A_54, %dma_start3A_55] : memref<10240x128xf32, #tpu.memory_space<hbm>> -> memref<10240x128xf32, #tpu.memory_space<hbm>>
    tpu.enqueue_indirect_dma source(%dma_start3A_56 : memref<10240x128xf32, #tpu.memory_space<hbm>>) target(%arg11 : memref<128x128xf32, #tpu.memory_space<vmem>>) offsets(%dma_start3A_53 : memref<128xi32, #tpu.memory_space<vmem>>) semaphore(%arg16 : memref<!tpu.dma_semaphore, #tpu.memory_space<semaphore_mem>>)
    %scan3A = arith.constant 0 : i32
    %scan3A_57 = arith.constant 0 : i32
    %scan3A_58 = arith.constant 20 : i32
    %scan3A_59 = arith.addi %scan3A_57, %scan3A_58 : i32
    %scan3A_60 = arith.constant 1 : i32
    scf.for %scan3A_69 = %scan3A_57 to %scan3A_59 step %scan3A_60  : i32 {
      %mul3A_70 = arith.constant 2 : i32
      %mul3A_71 = arith.muli %mul3A_70, %scan3A_69 : i32
      %add3A_72 = arith.constant 1 : i32
      %add3A_73 = arith.addi %mul3A_71, %add3A_72 : i32
      %dma_start3A_74 = arith.constant 0 : i32
      %dma_start3A_75 = tpu.memref_slice %arg9[%add3A_73, %dma_start3A_74] : memref<48x128xi32, #tpu.memory_space<vmem>> -> memref<1x128xi32, #tpu.memory_space<vmem>>
      %dma_start3A_76 = tpu.memref_squeeze %dma_start3A_75 : memref<1x128xi32, #tpu.memory_space<vmem>> -> memref<128xi32, #tpu.memory_space<vmem>>
      %dma_start3A_77 = arith.constant 0 : i32
      %dma_start3A_78 = arith.constant 0 : i32
      %dma_start3A_79 = tpu.memref_slice %arg2[%dma_start3A_77, %dma_start3A_78] : memref<10240x128xf32, #tpu.memory_space<hbm>> -> memref<10240x128xf32, #tpu.memory_space<hbm>>
      tpu.enqueue_indirect_dma source(%dma_start3A_79 : memref<10240x128xf32, #tpu.memory_space<hbm>>) target(%arg12 : memref<128x128xf32, #tpu.memory_space<vmem>>) offsets(%dma_start3A_76 : memref<128xi32, #tpu.memory_space<vmem>>) semaphore(%arg17 : memref<!tpu.dma_semaphore, #tpu.memory_space<semaphore_mem>>)
      %dma_wait3A_80 = arith.constant 0 : i32
      %dma_wait3A_81 = tpu.memref_slice %arg9[%mul3A_71, %dma_wait3A_80] : memref<48x128xi32, #tpu.memory_space<vmem>> -> memref<1x128xi32, #tpu.memory_space<vmem>>
      %dma_wait3A_82 = tpu.memref_squeeze %dma_wait3A_81 : memref<1x128xi32, #tpu.memory_space<vmem>> -> memref<128xi32, #tpu.memory_space<vmem>>
      %dma_wait3A_83 = arith.constant 0 : i32
      %dma_wait3A_84 = arith.constant 0 : i32
      %dma_wait3A_85 = tpu.memref_slice %arg2[%dma_wait3A_83, %dma_wait3A_84] : memref<10240x128xf32, #tpu.memory_space<hbm>> -> memref<10240x128xf32, #tpu.memory_space<hbm>>
      tpu.wait_indirect_dma semaphore(%arg16 : memref<!tpu.dma_semaphore, #tpu.memory_space<semaphore_mem>>) src(%dma_wait3A_85 : memref<10240x128xf32, #tpu.memory_space<hbm>>) dst(%arg11 : memref<128x128xf32, #tpu.memory_space<vmem>>)
      "tpu.region"() ({
        %run_scoped3A = tpu.sem_alloc : memref<!tpu.dma_semaphore, #tpu.memory_space<semaphore_mem>>
        %dma_start3A_106 = arith.constant 0 : i32
        %dma_start3A_107 = tpu.memref_slice %arg10[%mul3A_71, %dma_start3A_106] : memref<40x128xi32, #tpu.memory_space<vmem>> -> memref<1x128xi32, #tpu.memory_space<vmem>>
        %dma_start3A_108 = tpu.memref_squeeze %dma_start3A_107 : memref<1x128xi32, #tpu.memory_space<vmem>> -> memref<128xi32, #tpu.memory_space<vmem>>
        %dma_start3A_109 = arith.constant 0 : i32
        %dma_start3A_110 = arith.constant 0 : i32
        %dma_start3A_111 = tpu.memref_slice %arg14[%dma_start3A_109, %dma_start3A_110] : memref<10240x128xf32, #tpu.memory_space<vmem_shared>> -> memref<10240x128xf32, #tpu.memory_space<vmem_shared>>
        tpu.enqueue_indirect_dma source(%arg11 : memref<128x128xf32, #tpu.memory_space<vmem>>) target(%dma_start3A_111 : memref<10240x128xf32, #tpu.memory_space<vmem_shared>>) offsets(%dma_start3A_108 : memref<128xi32, #tpu.memory_space<vmem>>) semaphore(%run_scoped3A : memref<!tpu.dma_semaphore, #tpu.memory_space<semaphore_mem>>) {add = true}
        %dma_wait3A_112 = arith.constant 0 : i32
        %dma_wait3A_113 = tpu.memref_slice %arg10[%mul3A_71, %dma_wait3A_112] : memref<40x128xi32, #tpu.memory_space<vmem>> -> memref<1x128xi32, #tpu.memory_space<vmem>>
        %dma_wait3A_114 = tpu.memref_squeeze %dma_wait3A_113 : memref<1x128xi32, #tpu.memory_space<vmem>> -> memref<128xi32, #tpu.memory_space<vmem>>
        %dma_wait3A_115 = arith.constant 0 : i32
        %dma_wait3A_116 = arith.constant 0 : i32
        %dma_wait3A_117 = tpu.memref_slice %arg14[%dma_wait3A_115, %dma_wait3A_116] : memref<10240x128xf32, #tpu.memory_space<vmem_shared>> -> memref<10240x128xf32, #tpu.memory_space<vmem_shared>>
        tpu.wait_indirect_dma semaphore(%run_scoped3A : memref<!tpu.dma_semaphore, #tpu.memory_space<semaphore_mem>>) src(%arg11 : memref<128x128xf32, #tpu.memory_space<vmem>>) dst(%dma_wait3A_117 : memref<10240x128xf32, #tpu.memory_space<vmem_shared>>)
        tpu.yield
      }) : () -> ()
      "tpu.region"() ({
        %run_scoped3A = tpu.sem_alloc : memref<!tpu.dma_semaphore, #tpu.memory_space<semaphore_mem>>
        %dma_start3A_106 = arith.constant 0 : i32
        %dma_start3A_107 = tpu.memref_slice %arg10[%mul3A_71, %dma_start3A_106] : memref<40x128xi32, #tpu.memory_space<vmem>> -> memref<1x128xi32, #tpu.memory_space<vmem>>
        %dma_start3A_108 = tpu.memref_squeeze %dma_start3A_107 : memref<1x128xi32, #tpu.memory_space<vmem>> -> memref<128xi32, #tpu.memory_space<vmem>>
        %dma_start3A_109 = arith.constant 0 : i32
        %dma_start3A_110 = tpu.memref_slice %arg15[%dma_start3A_109] : memref<10240xf32, #tpu.memory_space<vmem_shared>> -> memref<10240xf32, #tpu.memory_space<vmem_shared>>
        tpu.enqueue_indirect_dma source(%arg13 : memref<128xf32, #tpu.memory_space<vmem>>) target(%dma_start3A_110 : memref<10240xf32, #tpu.memory_space<vmem_shared>>) offsets(%dma_start3A_108 : memref<128xi32, #tpu.memory_space<vmem>>) semaphore(%run_scoped3A : memref<!tpu.dma_semaphore, #tpu.memory_space<semaphore_mem>>) {add = true}
        %dma_wait3A_111 = arith.constant 0 : i32
        %dma_wait3A_112 = tpu.memref_slice %arg10[%mul3A_71, %dma_wait3A_111] : memref<40x128xi32, #tpu.memory_space<vmem>> -> memref<1x128xi32, #tpu.memory_space<vmem>>
        %dma_wait3A_113 = tpu.memref_squeeze %dma_wait3A_112 : memref<1x128xi32, #tpu.memory_space<vmem>> -> memref<128xi32, #tpu.memory_space<vmem>>
        %dma_wait3A_114 = arith.constant 0 : i32
        %dma_wait3A_115 = tpu.memref_slice %arg15[%dma_wait3A_114] : memref<10240xf32, #tpu.memory_space<vmem_shared>> -> memref<10240xf32, #tpu.memory_space<vmem_shared>>
        tpu.wait_indirect_dma semaphore(%run_scoped3A : memref<!tpu.dma_semaphore, #tpu.memory_space<semaphore_mem>>) src(%arg13 : memref<128xf32, #tpu.memory_space<vmem>>) dst(%dma_wait3A_115 : memref<10240xf32, #tpu.memory_space<vmem_shared>>)
        tpu.yield
      }) : () -> ()
      %add3A_86 = arith.constant 2 : i32
      %add3A_87 = arith.addi %mul3A_71, %add3A_86 : i32
      %dma_start3A_88 = arith.constant 0 : i32
      %dma_start3A_89 = tpu.memref_slice %arg9[%add3A_87, %dma_start3A_88] : memref<48x128xi32, #tpu.memory_space<vmem>> -> memref<1x128xi32, #tpu.memory_space<vmem>>
      %dma_start3A_90 = tpu.memref_squeeze %dma_start3A_89 : memref<1x128xi32, #tpu.memory_space<vmem>> -> memref<128xi32, #tpu.memory_space<vmem>>
      %dma_start3A_91 = arith.constant 0 : i32
      %dma_start3A_92 = arith.constant 0 : i32
      %dma_start3A_93 = tpu.memref_slice %arg2[%dma_start3A_91, %dma_start3A_92] : memref<10240x128xf32, #tpu.memory_space<hbm>> -> memref<10240x128xf32, #tpu.memory_space<hbm>>
      tpu.enqueue_indirect_dma source(%dma_start3A_93 : memref<10240x128xf32, #tpu.memory_space<hbm>>) target(%arg11 : memref<128x128xf32, #tpu.memory_space<vmem>>) offsets(%dma_start3A_90 : memref<128xi32, #tpu.memory_space<vmem>>) semaphore(%arg16 : memref<!tpu.dma_semaphore, #tpu.memory_space<semaphore_mem>>)
      %add3A_94 = arith.constant 1 : i32
      %add3A_95 = arith.addi %mul3A_71, %add3A_94 : i32
      %dma_wait3A_96 = arith.constant 0 : i32
      %dma_wait3A_97 = tpu.memref_slice %arg9[%add3A_95, %dma_wait3A_96] : memref<48x128xi32, #tpu.memory_space<vmem>> -> memref<1x128xi32, #tpu.memory_space<vmem>>
      %dma_wait3A_98 = tpu.memref_squeeze %dma_wait3A_97 : memref<1x128xi32, #tpu.memory_space<vmem>> -> memref<128xi32, #tpu.memory_space<vmem>>
      %dma_wait3A_99 = arith.constant 0 : i32
      %dma_wait3A_100 = arith.constant 0 : i32
      %dma_wait3A_101 = tpu.memref_slice %arg2[%dma_wait3A_99, %dma_wait3A_100] : memref<10240x128xf32, #tpu.memory_space<hbm>> -> memref<10240x128xf32, #tpu.memory_space<hbm>>
      tpu.wait_indirect_dma semaphore(%arg17 : memref<!tpu.dma_semaphore, #tpu.memory_space<semaphore_mem>>) src(%dma_wait3A_101 : memref<10240x128xf32, #tpu.memory_space<hbm>>) dst(%arg12 : memref<128x128xf32, #tpu.memory_space<vmem>>)
      %add3A_102 = arith.constant 1 : i32
      %add3A_103 = arith.addi %mul3A_71, %add3A_102 : i32
      "tpu.region"() ({
        %run_scoped3A = tpu.sem_alloc : memref<!tpu.dma_semaphore, #tpu.memory_space<semaphore_mem>>
        %dma_start3A_106 = arith.constant 0 : i32
        %dma_start3A_107 = tpu.memref_slice %arg10[%add3A_103, %dma_start3A_106] : memref<40x128xi32, #tpu.memory_space<vmem>> -> memref<1x128xi32, #tpu.memory_space<vmem>>
        %dma_start3A_108 = tpu.memref_squeeze %dma_start3A_107 : memref<1x128xi32, #tpu.memory_space<vmem>> -> memref<128xi32, #tpu.memory_space<vmem>>
        %dma_start3A_109 = arith.constant 0 : i32
        %dma_start3A_110 = arith.constant 0 : i32
        %dma_start3A_111 = tpu.memref_slice %arg14[%dma_start3A_109, %dma_start3A_110] : memref<10240x128xf32, #tpu.memory_space<vmem_shared>> -> memref<10240x128xf32, #tpu.memory_space<vmem_shared>>
        tpu.enqueue_indirect_dma source(%arg12 : memref<128x128xf32, #tpu.memory_space<vmem>>) target(%dma_start3A_111 : memref<10240x128xf32, #tpu.memory_space<vmem_shared>>) offsets(%dma_start3A_108 : memref<128xi32, #tpu.memory_space<vmem>>) semaphore(%run_scoped3A : memref<!tpu.dma_semaphore, #tpu.memory_space<semaphore_mem>>) {add = true}
        %dma_wait3A_112 = arith.constant 0 : i32
        %dma_wait3A_113 = tpu.memref_slice %arg10[%add3A_103, %dma_wait3A_112] : memref<40x128xi32, #tpu.memory_space<vmem>> -> memref<1x128xi32, #tpu.memory_space<vmem>>
        %dma_wait3A_114 = tpu.memref_squeeze %dma_wait3A_113 : memref<1x128xi32, #tpu.memory_space<vmem>> -> memref<128xi32, #tpu.memory_space<vmem>>
        %dma_wait3A_115 = arith.constant 0 : i32
        %dma_wait3A_116 = arith.constant 0 : i32
        %dma_wait3A_117 = tpu.memref_slice %arg14[%dma_wait3A_115, %dma_wait3A_116] : memref<10240x128xf32, #tpu.memory_space<vmem_shared>> -> memref<10240x128xf32, #tpu.memory_space<vmem_shared>>
        tpu.wait_indirect_dma semaphore(%run_scoped3A : memref<!tpu.dma_semaphore, #tpu.memory_space<semaphore_mem>>) src(%arg12 : memref<128x128xf32, #tpu.memory_space<vmem>>) dst(%dma_wait3A_117 : memref<10240x128xf32, #tpu.memory_space<vmem_shared>>)
        tpu.yield
      }) : () -> ()
      %add3A_104 = arith.constant 1 : i32
      %add3A_105 = arith.addi %mul3A_71, %add3A_104 : i32
      "tpu.region"() ({
        %run_scoped3A = tpu.sem_alloc : memref<!tpu.dma_semaphore, #tpu.memory_space<semaphore_mem>>
        %dma_start3A_106 = arith.constant 0 : i32
        %dma_start3A_107 = tpu.memref_slice %arg10[%add3A_105, %dma_start3A_106] : memref<40x128xi32, #tpu.memory_space<vmem>> -> memref<1x128xi32, #tpu.memory_space<vmem>>
        %dma_start3A_108 = tpu.memref_squeeze %dma_start3A_107 : memref<1x128xi32, #tpu.memory_space<vmem>> -> memref<128xi32, #tpu.memory_space<vmem>>
        %dma_start3A_109 = arith.constant 0 : i32
        %dma_start3A_110 = tpu.memref_slice %arg15[%dma_start3A_109] : memref<10240xf32, #tpu.memory_space<vmem_shared>> -> memref<10240xf32, #tpu.memory_space<vmem_shared>>
        tpu.enqueue_indirect_dma source(%arg13 : memref<128xf32, #tpu.memory_space<vmem>>) target(%dma_start3A_110 : memref<10240xf32, #tpu.memory_space<vmem_shared>>) offsets(%dma_start3A_108 : memref<128xi32, #tpu.memory_space<vmem>>) semaphore(%run_scoped3A : memref<!tpu.dma_semaphore, #tpu.memory_space<semaphore_mem>>) {add = true}
        %dma_wait3A_111 = arith.constant 0 : i32
        %dma_wait3A_112 = tpu.memref_slice %arg10[%add3A_105, %dma_wait3A_111] : memref<40x128xi32, #tpu.memory_space<vmem>> -> memref<1x128xi32, #tpu.memory_space<vmem>>
        %dma_wait3A_113 = tpu.memref_squeeze %dma_wait3A_112 : memref<1x128xi32, #tpu.memory_space<vmem>> -> memref<128xi32, #tpu.memory_space<vmem>>
        %dma_wait3A_114 = arith.constant 0 : i32
        %dma_wait3A_115 = tpu.memref_slice %arg15[%dma_wait3A_114] : memref<10240xf32, #tpu.memory_space<vmem_shared>> -> memref<10240xf32, #tpu.memory_space<vmem_shared>>
        tpu.wait_indirect_dma semaphore(%run_scoped3A : memref<!tpu.dma_semaphore, #tpu.memory_space<semaphore_mem>>) src(%arg13 : memref<128xf32, #tpu.memory_space<vmem>>) dst(%dma_wait3A_115 : memref<10240xf32, #tpu.memory_space<vmem_shared>>)
        tpu.yield
      }) : () -> ()
    }
    %scan3A_61 = arith.constant 20 : i32
    %dma_wait3A = arith.constant 0 : i32
    %dma_wait3A_62 = arith.constant 0 : i32
    %dma_wait3A_63 = tpu.memref_slice %arg9[%dma_wait3A, %dma_wait3A_62] : memref<48x128xi32, #tpu.memory_space<vmem>> -> memref<1x128xi32, #tpu.memory_space<vmem>>
    %dma_wait3A_64 = tpu.memref_squeeze %dma_wait3A_63 : memref<1x128xi32, #tpu.memory_space<vmem>> -> memref<128xi32, #tpu.memory_space<vmem>>
    %dma_wait3A_65 = arith.constant 0 : i32
    %dma_wait3A_66 = arith.constant 0 : i32
    %dma_wait3A_67 = tpu.memref_slice %arg2[%dma_wait3A_65, %dma_wait3A_66] : memref<10240x128xf32, #tpu.memory_space<hbm>> -> memref<10240x128xf32, #tpu.memory_space<hbm>>
    tpu.wait_indirect_dma semaphore(%arg16 : memref<!tpu.dma_semaphore, #tpu.memory_space<semaphore_mem>>) src(%dma_wait3A_67 : memref<10240x128xf32, #tpu.memory_space<hbm>>) dst(%arg11 : memref<128x128xf32, #tpu.memory_space<vmem>>)
    %barrier3A_68 = arith.constant 0 : index
    tpu.barrier barrier_id(%barrier3A_68)
    "tpu.region"() ({
      %run_scoped3A = tpu.sem_alloc : memref<!tpu.dma_semaphore, #tpu.memory_space<semaphore_mem>>
      %dma_start3A_69 = arith.constant 0 : i32
      %dma_start3A_70 = tpu.memref_slice %arg7[%arg0, %mul3A_0, %dma_start3A_69] : memref<2x10240x128xf32, #tpu.memory_space<hbm>> -> memref<1x640x128xf32, #tpu.memory_space<hbm>>
      %dma_start3A_71 = tpu.memref_squeeze %dma_start3A_70 : memref<1x640x128xf32, #tpu.memory_space<hbm>> -> memref<640x128xf32, #tpu.memory_space<hbm>>
      %dma_start3A_72 = arith.constant 0 : i32
      %dma_start3A_73 = tpu.memref_slice %arg14[%mul3A_0, %dma_start3A_72] : memref<10240x128xf32, #tpu.memory_space<vmem_shared>> -> memref<640x128xf32, #tpu.memory_space<vmem_shared>>
      tpu.enqueue_dma source(%dma_start3A_73 : memref<640x128xf32, #tpu.memory_space<vmem_shared>>) target(%dma_start3A_71 : memref<640x128xf32, #tpu.memory_space<hbm>>) target_semaphore(%run_scoped3A : memref<!tpu.dma_semaphore, #tpu.memory_space<semaphore_mem>>)
      %dma_wait3A_74 = arith.constant 0 : i32
      %dma_wait3A_75 = tpu.memref_slice %arg7[%arg0, %mul3A_0, %dma_wait3A_74] : memref<2x10240x128xf32, #tpu.memory_space<hbm>> -> memref<1x640x128xf32, #tpu.memory_space<hbm>>
      %dma_wait3A_76 = tpu.memref_squeeze %dma_wait3A_75 : memref<1x640x128xf32, #tpu.memory_space<hbm>> -> memref<640x128xf32, #tpu.memory_space<hbm>>
      %dma_wait3A_77 = arith.constant 0 : i32
      %dma_wait3A_78 = tpu.memref_slice %arg14[%mul3A_0, %dma_wait3A_77] : memref<10240x128xf32, #tpu.memory_space<vmem_shared>> -> memref<640x128xf32, #tpu.memory_space<vmem_shared>>
      tpu.wait_dma2 semaphore(%run_scoped3A : memref<!tpu.dma_semaphore, #tpu.memory_space<semaphore_mem>>) src(%dma_wait3A_78 : memref<640x128xf32, #tpu.memory_space<vmem_shared>>) dst(%dma_wait3A_76 : memref<640x128xf32, #tpu.memory_space<hbm>>)
      tpu.yield
    }) : () -> ()
    "tpu.region"() ({
      %run_scoped3A = tpu.sem_alloc : memref<!tpu.dma_semaphore, #tpu.memory_space<semaphore_mem>>
      %dma_start3A_69 = tpu.memref_slice %arg8[%arg0, %mul3A_0] : memref<2x10240xf32, #tpu.memory_space<hbm>> -> memref<1x640xf32, #tpu.memory_space<hbm>>
      %dma_start3A_70 = tpu.memref_squeeze %dma_start3A_69 : memref<1x640xf32, #tpu.memory_space<hbm>> -> memref<640xf32, #tpu.memory_space<hbm>>
      %dma_start3A_71 = tpu.memref_slice %arg15[%mul3A_0] : memref<10240xf32, #tpu.memory_space<vmem_shared>> -> memref<640xf32, #tpu.memory_space<vmem_shared>>
      tpu.enqueue_dma source(%dma_start3A_71 : memref<640xf32, #tpu.memory_space<vmem_shared>>) target(%dma_start3A_70 : memref<640xf32, #tpu.memory_space<hbm>>) target_semaphore(%run_scoped3A : memref<!tpu.dma_semaphore, #tpu.memory_space<semaphore_mem>>)
      %dma_wait3A_72 = tpu.memref_slice %arg8[%arg0, %mul3A_0] : memref<2x10240xf32, #tpu.memory_space<hbm>> -> memref<1x640xf32, #tpu.memory_space<hbm>>
      %dma_wait3A_73 = tpu.memref_squeeze %dma_wait3A_72 : memref<1x640xf32, #tpu.memory_space<hbm>> -> memref<640xf32, #tpu.memory_space<hbm>>
      %dma_wait3A_74 = tpu.memref_slice %arg15[%mul3A_0] : memref<10240xf32, #tpu.memory_space<vmem_shared>> -> memref<640xf32, #tpu.memory_space<vmem_shared>>
      tpu.wait_dma2 semaphore(%run_scoped3A : memref<!tpu.dma_semaphore, #tpu.memory_space<semaphore_mem>>) src(%dma_wait3A_74 : memref<640xf32, #tpu.memory_space<vmem_shared>>) dst(%dma_wait3A_73 : memref<640xf32, #tpu.memory_space<hbm>>)
      tpu.yield
    }) : () -> ()
    return
  }
}

#map = affine_map<(d0, d1) -> (0, 0)>
#map1 = affine_map<(d0, d1) -> (0, 0, 0)>
module attributes {stable_mosaic.version = 14 : i64} {
  func.func @_sc_l2_body(%arg0: i32, %arg1: i32, %arg2: memref<40960x128xf32, #tpu.memory_space<hbm>>, %arg3: memref<1288x128xi32, #tpu.memory_space<hbm>>, %arg4: memref<1280x128xi32, #tpu.memory_space<hbm>>, %arg5: memref<10240x128xf32, #tpu.memory_space<hbm>>, %arg6: memref<4x10240x128xf32, #tpu.memory_space<hbm>>, %arg7: memref<48x128xi32, #tpu.memory_space<vmem>>, %arg8: memref<40x128xi32, #tpu.memory_space<vmem>>, %arg9: memref<128x128xf32, #tpu.memory_space<vmem>>, %arg10: memref<128x128xf32, #tpu.memory_space<vmem>>, %arg11: memref<10240x128xf32, #tpu.memory_space<vmem_shared>>, %arg12: memref<!tpu.dma_semaphore, #tpu.memory_space<semaphore_mem>>, %arg13: memref<!tpu.dma_semaphore, #tpu.memory_space<semaphore_mem>>) attributes {dimension_semantics = [#tpu.dimension_semantics<core_parallel>, #tpu.dimension_semantics<subcore_parallel>], iteration_bounds = array<i64: 2, 16>, scalar_prefetch = 0 : i64, scratch_operands = 7 : i64, tpu.core_type = #tpu.core_type<sc_vector_subcore>, window_params = [{transform_indices = #map}, {transform_indices = #map}, {transform_indices = #map}, {transform_indices = #map}, {transform_indices = #map1}]} {
    %mul3A = arith.constant 640 : i32
    %mul3A_0 = arith.muli %arg1, %mul3A : i32
    %mul3A_1 = arith.constant 2 : i32
    %mul3A_2 = arith.muli %arg0, %mul3A_1 : i32
    %add3A = arith.constant 0 : i32
    %add3A_3 = arith.addi %mul3A_2, %add3A : i32
    "tpu.region"() ({
      %run_scoped3A = tpu.sem_alloc : memref<!tpu.dma_semaphore, #tpu.memory_space<semaphore_mem>>
      %dma_start3A_130 = arith.constant 0 : i32
      %dma_start3A_131 = tpu.memref_slice %arg11[%mul3A_0, %dma_start3A_130] : memref<10240x128xf32, #tpu.memory_space<vmem_shared>> -> memref<640x128xf32, #tpu.memory_space<vmem_shared>>
      %dma_start3A_132 = arith.constant 0 : i32
      %dma_start3A_133 = tpu.memref_slice %arg5[%mul3A_0, %dma_start3A_132] : memref<10240x128xf32, #tpu.memory_space<hbm>> -> memref<640x128xf32, #tpu.memory_space<hbm>>
      tpu.enqueue_dma source(%dma_start3A_133 : memref<640x128xf32, #tpu.memory_space<hbm>>) target(%dma_start3A_131 : memref<640x128xf32, #tpu.memory_space<vmem_shared>>) target_semaphore(%run_scoped3A : memref<!tpu.dma_semaphore, #tpu.memory_space<semaphore_mem>>)
      %dma_wait3A_134 = arith.constant 0 : i32
      %dma_wait3A_135 = tpu.memref_slice %arg11[%mul3A_0, %dma_wait3A_134] : memref<10240x128xf32, #tpu.memory_space<vmem_shared>> -> memref<640x128xf32, #tpu.memory_space<vmem_shared>>
      %dma_wait3A_136 = arith.constant 0 : i32
      %dma_wait3A_137 = tpu.memref_slice %arg5[%mul3A_0, %dma_wait3A_136] : memref<10240x128xf32, #tpu.memory_space<hbm>> -> memref<640x128xf32, #tpu.memory_space<hbm>>
      tpu.wait_dma2 semaphore(%run_scoped3A : memref<!tpu.dma_semaphore, #tpu.memory_space<semaphore_mem>>) src(%dma_wait3A_137 : memref<640x128xf32, #tpu.memory_space<hbm>>) dst(%dma_wait3A_135 : memref<640x128xf32, #tpu.memory_space<vmem_shared>>)
      tpu.yield
    }) : () -> ()
    %barrier3A = arith.constant 0 : index
    tpu.barrier barrier_id(%barrier3A)
    %mul3A_4 = arith.constant 80 : i32
    %mul3A_5 = arith.muli %arg1, %mul3A_4 : i32
    %add3A_6 = arith.constant 0 : i32
    %add3A_7 = arith.addi %mul3A_5, %add3A_6 : i32
    "tpu.region"() ({
      %run_scoped3A = tpu.sem_alloc : memref<!tpu.dma_semaphore, #tpu.memory_space<semaphore_mem>>
      %dma_start3A_130 = arith.constant 0 : i32
      %dma_start3A_131 = tpu.memref_slice %arg3[%add3A_7, %dma_start3A_130] : memref<1288x128xi32, #tpu.memory_space<hbm>> -> memref<48x128xi32, #tpu.memory_space<hbm>>
      %dma_start3A_132 = arith.constant 0 : i32
      %dma_start3A_133 = tpu.memref_slice %arg3[%add3A_7, %dma_start3A_132] : memref<1288x128xi32, #tpu.memory_space<hbm>> -> memref<48x128xi32, #tpu.memory_space<hbm>>
      tpu.enqueue_dma source(%dma_start3A_133 : memref<48x128xi32, #tpu.memory_space<hbm>>) target(%arg7 : memref<48x128xi32, #tpu.memory_space<vmem>>) target_semaphore(%run_scoped3A : memref<!tpu.dma_semaphore, #tpu.memory_space<semaphore_mem>>)
      %dma_wait3A_134 = arith.constant 0 : i32
      %dma_wait3A_135 = tpu.memref_slice %arg3[%add3A_7, %dma_wait3A_134] : memref<1288x128xi32, #tpu.memory_space<hbm>> -> memref<48x128xi32, #tpu.memory_space<hbm>>
      %dma_wait3A_136 = arith.constant 0 : i32
      %dma_wait3A_137 = tpu.memref_slice %arg3[%add3A_7, %dma_wait3A_136] : memref<1288x128xi32, #tpu.memory_space<hbm>> -> memref<48x128xi32, #tpu.memory_space<hbm>>
      tpu.wait_dma2 semaphore(%run_scoped3A : memref<!tpu.dma_semaphore, #tpu.memory_space<semaphore_mem>>) src(%dma_wait3A_137 : memref<48x128xi32, #tpu.memory_space<hbm>>) dst(%arg7 : memref<48x128xi32, #tpu.memory_space<vmem>>)
      tpu.yield
    }) : () -> ()
    "tpu.region"() ({
      %run_scoped3A = tpu.sem_alloc : memref<!tpu.dma_semaphore, #tpu.memory_space<semaphore_mem>>
      %dma_start3A_130 = arith.constant 0 : i32
      %dma_start3A_131 = tpu.memref_slice %arg4[%add3A_7, %dma_start3A_130] : memref<1280x128xi32, #tpu.memory_space<hbm>> -> memref<40x128xi32, #tpu.memory_space<hbm>>
      %dma_start3A_132 = arith.constant 0 : i32
      %dma_start3A_133 = tpu.memref_slice %arg4[%add3A_7, %dma_start3A_132] : memref<1280x128xi32, #tpu.memory_space<hbm>> -> memref<40x128xi32, #tpu.memory_space<hbm>>
      tpu.enqueue_dma source(%dma_start3A_133 : memref<40x128xi32, #tpu.memory_space<hbm>>) target(%arg8 : memref<40x128xi32, #tpu.memory_space<vmem>>) target_semaphore(%run_scoped3A : memref<!tpu.dma_semaphore, #tpu.memory_space<semaphore_mem>>)
      %dma_wait3A_134 = arith.constant 0 : i32
      %dma_wait3A_135 = tpu.memref_slice %arg4[%add3A_7, %dma_wait3A_134] : memref<1280x128xi32, #tpu.memory_space<hbm>> -> memref<40x128xi32, #tpu.memory_space<hbm>>
      %dma_wait3A_136 = arith.constant 0 : i32
      %dma_wait3A_137 = tpu.memref_slice %arg4[%add3A_7, %dma_wait3A_136] : memref<1280x128xi32, #tpu.memory_space<hbm>> -> memref<40x128xi32, #tpu.memory_space<hbm>>
      tpu.wait_dma2 semaphore(%run_scoped3A : memref<!tpu.dma_semaphore, #tpu.memory_space<semaphore_mem>>) src(%dma_wait3A_137 : memref<40x128xi32, #tpu.memory_space<hbm>>) dst(%arg8 : memref<40x128xi32, #tpu.memory_space<vmem>>)
      tpu.yield
    }) : () -> ()
    %scan3A = arith.constant 0 : i32
    %scan3A_8 = arith.constant 0 : i32
    %scan3A_9 = arith.constant 48 : i32
    %scan3A_10 = arith.addi %scan3A_8, %scan3A_9 : i32
    %scan3A_11 = arith.constant 1 : i32
    scf.for %scan3A_130 = %scan3A_8 to %scan3A_10 step %scan3A_11  : i32 {
      %get3A = arith.index_cast %scan3A_130 : i32 to index
      %get3A_131 = arith.constant 0 : index
      %get3A_132 = tpu.vector_load %arg7[%get3A, %get3A_131] {strides = array<i32>} : memref<48x128xi32, #tpu.memory_space<vmem>>, vector<1x16xi32>,
      %get3A_133 = vector.shape_cast %get3A_132 : vector<1x16xi32> to vector<16xi32>
      %mul3A_134 = arith.constant 4 : i32
      %mul3A_135 = vector.broadcast %mul3A_134 : i32 to vector<16xi32>
      %mul3A_136 = arith.muli %get3A_133, %mul3A_135 : vector<16xi32>
      %add3A_137 = vector.broadcast %add3A_3 : i32 to vector<16xi32>
      %add3A_138 = arith.addi %mul3A_136, %add3A_137 : vector<16xi32>
      %swap3A = arith.index_cast %scan3A_130 : i32 to index
      %swap3A_139 = arith.constant 0 : index
      %swap3A_140 = tpu.vector_load %arg7[%swap3A, %swap3A_139] {strides = array<i32>} : memref<48x128xi32, #tpu.memory_space<vmem>>, vector<1x16xi32>,
      %swap3A_141 = vector.shape_cast %swap3A_140 : vector<1x16xi32> to vector<16xi32>
      %swap3A_142 = vector.shape_cast %add3A_138 : vector<16xi32> to vector<1x16xi32>
      tpu.vector_store %arg7[%swap3A, %swap3A_139], %swap3A_142 {strides = array<i32>} : memref<48x128xi32, #tpu.memory_space<vmem>>, vector<1x16xi32>,
      %get3A_143 = arith.index_cast %scan3A_130 : i32 to index
      %get3A_144 = arith.constant 16 : index
      %get3A_145 = tpu.vector_load %arg7[%get3A_143, %get3A_144] {strides = array<i32>} : memref<48x128xi32, #tpu.memory_space<vmem>>, vector<1x16xi32>,
      %get3A_146 = vector.shape_cast %get3A_145 : vector<1x16xi32> to vector<16xi32>
      %mul3A_147 = arith.constant 4 : i32
      %mul3A_148 = vector.broadcast %mul3A_147 : i32 to vector<16xi32>
      %mul3A_149 = arith.muli %get3A_146, %mul3A_148 : vector<16xi32>
      %add3A_150 = vector.broadcast %add3A_3 : i32 to vector<16xi32>
      %add3A_151 = arith.addi %mul3A_149, %add3A_150 : vector<16xi32>
      %swap3A_152 = arith.index_cast %scan3A_130 : i32 to index
      %swap3A_153 = arith.constant 16 : index
      %swap3A_154 = tpu.vector_load %arg7[%swap3A_152, %swap3A_153] {strides = array<i32>} : memref<48x128xi32, #tpu.memory_space<vmem>>, vector<1x16xi32>,
      %swap3A_155 = vector.shape_cast %swap3A_154 : vector<1x16xi32> to vector<16xi32>
      %swap3A_156 = vector.shape_cast %add3A_151 : vector<16xi32> to vector<1x16xi32>
      tpu.vector_store %arg7[%swap3A_152, %swap3A_153], %swap3A_156 {strides = array<i32>} : memref<48x128xi32, #tpu.memory_space<vmem>>, vector<1x16xi32>,
      %get3A_157 = arith.index_cast %scan3A_130 : i32 to index
      %get3A_158 = arith.constant 32 : index
      %get3A_159 = tpu.vector_load %arg7[%get3A_157, %get3A_158] {strides = array<i32>} : memref<48x128xi32, #tpu.memory_space<vmem>>, vector<1x16xi32>,
      %get3A_160 = vector.shape_cast %get3A_159 : vector<1x16xi32> to vector<16xi32>
      %mul3A_161 = arith.constant 4 : i32
      %mul3A_162 = vector.broadcast %mul3A_161 : i32 to vector<16xi32>
      %mul3A_163 = arith.muli %get3A_160, %mul3A_162 : vector<16xi32>
      %add3A_164 = vector.broadcast %add3A_3 : i32 to vector<16xi32>
      %add3A_165 = arith.addi %mul3A_163, %add3A_164 : vector<16xi32>
      %swap3A_166 = arith.index_cast %scan3A_130 : i32 to index
      %swap3A_167 = arith.constant 32 : index
      %swap3A_168 = tpu.vector_load %arg7[%swap3A_166, %swap3A_167] {strides = array<i32>} : memref<48x128xi32, #tpu.memory_space<vmem>>, vector<1x16xi32>,
      %swap3A_169 = vector.shape_cast %swap3A_168 : vector<1x16xi32> to vector<16xi32>
      %swap3A_170 = vector.shape_cast %add3A_165 : vector<16xi32> to vector<1x16xi32>
      tpu.vector_store %arg7[%swap3A_166, %swap3A_167], %swap3A_170 {strides = array<i32>} : memref<48x128xi32, #tpu.memory_space<vmem>>, vector<1x16xi32>,
      %get3A_171 = arith.index_cast %scan3A_130 : i32 to index
      %get3A_172 = arith.constant 48 : index
      %get3A_173 = tpu.vector_load %arg7[%get3A_171, %get3A_172] {strides = array<i32>} : memref<48x128xi32, #tpu.memory_space<vmem>>, vector<1x16xi32>,
      %get3A_174 = vector.shape_cast %get3A_173 : vector<1x16xi32> to vector<16xi32>
      %mul3A_175 = arith.constant 4 : i32
      %mul3A_176 = vector.broadcast %mul3A_175 : i32 to vector<16xi32>
      %mul3A_177 = arith.muli %get3A_174, %mul3A_176 : vector<16xi32>
      %add3A_178 = vector.broadcast %add3A_3 : i32 to vector<16xi32>
      %add3A_179 = arith.addi %mul3A_177, %add3A_178 : vector<16xi32>
      %swap3A_180 = arith.index_cast %scan3A_130 : i32 to index
      %swap3A_181 = arith.constant 48 : index
      %swap3A_182 = tpu.vector_load %arg7[%swap3A_180, %swap3A_181] {strides = array<i32>} : memref<48x128xi32, #tpu.memory_space<vmem>>, vector<1x16xi32>,
      %swap3A_183 = vector.shape_cast %swap3A_182 : vector<1x16xi32> to vector<16xi32>
      %swap3A_184 = vector.shape_cast %add3A_179 : vector<16xi32> to vector<1x16xi32>
      tpu.vector_store %arg7[%swap3A_180, %swap3A_181], %swap3A_184 {strides = array<i32>} : memref<48x128xi32, #tpu.memory_space<vmem>>, vector<1x16xi32>,
      %get3A_185 = arith.index_cast %scan3A_130 : i32 to index
      %get3A_186 = arith.constant 64 : index
      %get3A_187 = tpu.vector_load %arg7[%get3A_185, %get3A_186] {strides = array<i32>} : memref<48x128xi32, #tpu.memory_space<vmem>>, vector<1x16xi32>,
      %get3A_188 = vector.shape_cast %get3A_187 : vector<1x16xi32> to vector<16xi32>
      %mul3A_189 = arith.constant 4 : i32
      %mul3A_190 = vector.broadcast %mul3A_189 : i32 to vector<16xi32>
      %mul3A_191 = arith.muli %get3A_188, %mul3A_190 : vector<16xi32>
      %add3A_192 = vector.broadcast %add3A_3 : i32 to vector<16xi32>
      %add3A_193 = arith.addi %mul3A_191, %add3A_192 : vector<16xi32>
      %swap3A_194 = arith.index_cast %scan3A_130 : i32 to index
      %swap3A_195 = arith.constant 64 : index
      %swap3A_196 = tpu.vector_load %arg7[%swap3A_194, %swap3A_195] {strides = array<i32>} : memref<48x128xi32, #tpu.memory_space<vmem>>, vector<1x16xi32>,
      %swap3A_197 = vector.shape_cast %swap3A_196 : vector<1x16xi32> to vector<16xi32>
      %swap3A_198 = vector.shape_cast %add3A_193 : vector<16xi32> to vector<1x16xi32>
      tpu.vector_store %arg7[%swap3A_194, %swap3A_195], %swap3A_198 {strides = array<i32>} : memref<48x128xi32, #tpu.memory_space<vmem>>, vector<1x16xi32>,
      %get3A_199 = arith.index_cast %scan3A_130 : i32 to index
      %get3A_200 = arith.constant 80 : index
      %get3A_201 = tpu.vector_load %arg7[%get3A_199, %get3A_200] {strides = array<i32>} : memref<48x128xi32, #tpu.memory_space<vmem>>, vector<1x16xi32>,
      %get3A_202 = vector.shape_cast %get3A_201 : vector<1x16xi32> to vector<16xi32>
      %mul3A_203 = arith.constant 4 : i32
      %mul3A_204 = vector.broadcast %mul3A_203 : i32 to vector<16xi32>
      %mul3A_205 = arith.muli %get3A_202, %mul3A_204 : vector<16xi32>
      %add3A_206 = vector.broadcast %add3A_3 : i32 to vector<16xi32>
      %add3A_207 = arith.addi %mul3A_205, %add3A_206 : vector<16xi32>
      %swap3A_208 = arith.index_cast %scan3A_130 : i32 to index
      %swap3A_209 = arith.constant 80 : index
      %swap3A_210 = tpu.vector_load %arg7[%swap3A_208, %swap3A_209] {strides = array<i32>} : memref<48x128xi32, #tpu.memory_space<vmem>>, vector<1x16xi32>,
      %swap3A_211 = vector.shape_cast %swap3A_210 : vector<1x16xi32> to vector<16xi32>
      %swap3A_212 = vector.shape_cast %add3A_207 : vector<16xi32> to vector<1x16xi32>
      tpu.vector_store %arg7[%swap3A_208, %swap3A_209], %swap3A_212 {strides = array<i32>} : memref<48x128xi32, #tpu.memory_space<vmem>>, vector<1x16xi32>,
      %get3A_213 = arith.index_cast %scan3A_130 : i32 to index
      %get3A_214 = arith.constant 96 : index
      %get3A_215 = tpu.vector_load %arg7[%get3A_213, %get3A_214] {strides = array<i32>} : memref<48x128xi32, #tpu.memory_space<vmem>>, vector<1x16xi32>,
      %get3A_216 = vector.shape_cast %get3A_215 : vector<1x16xi32> to vector<16xi32>
      %mul3A_217 = arith.constant 4 : i32
      %mul3A_218 = vector.broadcast %mul3A_217 : i32 to vector<16xi32>
      %mul3A_219 = arith.muli %get3A_216, %mul3A_218 : vector<16xi32>
      %add3A_220 = vector.broadcast %add3A_3 : i32 to vector<16xi32>
      %add3A_221 = arith.addi %mul3A_219, %add3A_220 : vector<16xi32>
      %swap3A_222 = arith.index_cast %scan3A_130 : i32 to index
      %swap3A_223 = arith.constant 96 : index
      %swap3A_224 = tpu.vector_load %arg7[%swap3A_222, %swap3A_223] {strides = array<i32>} : memref<48x128xi32, #tpu.memory_space<vmem>>, vector<1x16xi32>,
      %swap3A_225 = vector.shape_cast %swap3A_224 : vector<1x16xi32> to vector<16xi32>
      %swap3A_226 = vector.shape_cast %add3A_221 : vector<16xi32> to vector<1x16xi32>
      tpu.vector_store %arg7[%swap3A_222, %swap3A_223], %swap3A_226 {strides = array<i32>} : memref<48x128xi32, #tpu.memory_space<vmem>>, vector<1x16xi32>,
      %get3A_227 = arith.index_cast %scan3A_130 : i32 to index
      %get3A_228 = arith.constant 112 : index
      %get3A_229 = tpu.vector_load %arg7[%get3A_227, %get3A_228] {strides = array<i32>} : memref<48x128xi32, #tpu.memory_space<vmem>>, vector<1x16xi32>,
      %get3A_230 = vector.shape_cast %get3A_229 : vector<1x16xi32> to vector<16xi32>
      %mul3A_231 = arith.constant 4 : i32
      %mul3A_232 = vector.broadcast %mul3A_231 : i32 to vector<16xi32>
      %mul3A_233 = arith.muli %get3A_230, %mul3A_232 : vector<16xi32>
      %add3A_234 = vector.broadcast %add3A_3 : i32 to vector<16xi32>
      %add3A_235 = arith.addi %mul3A_233, %add3A_234 : vector<16xi32>
      %swap3A_236 = arith.index_cast %scan3A_130 : i32 to index
      %swap3A_237 = arith.constant 112 : index
      %swap3A_238 = tpu.vector_load %arg7[%swap3A_236, %swap3A_237] {strides = array<i32>} : memref<48x128xi32, #tpu.memory_space<vmem>>, vector<1x16xi32>,
      %swap3A_239 = vector.shape_cast %swap3A_238 : vector<1x16xi32> to vector<16xi32>
      %swap3A_240 = vector.shape_cast %add3A_235 : vector<16xi32> to vector<1x16xi32>
      tpu.vector_store %arg7[%swap3A_236, %swap3A_237], %swap3A_240 {strides = array<i32>} : memref<48x128xi32, #tpu.memory_space<vmem>>, vector<1x16xi32>,
    }
    %scan3A_12 = arith.constant 48 : i32
    %dma_start3A = arith.constant 0 : i32
    %dma_start3A_13 = arith.constant 0 : i32
    %dma_start3A_14 = tpu.memref_slice %arg7[%dma_start3A, %dma_start3A_13] : memref<48x128xi32, #tpu.memory_space<vmem>> -> memref<1x128xi32, #tpu.memory_space<vmem>>
    %dma_start3A_15 = tpu.memref_squeeze %dma_start3A_14 : memref<1x128xi32, #tpu.memory_space<vmem>> -> memref<128xi32, #tpu.memory_space<vmem>>
    %dma_start3A_16 = arith.constant 0 : i32
    %dma_start3A_17 = arith.constant 0 : i32
    %dma_start3A_18 = tpu.memref_slice %arg2[%dma_start3A_16, %dma_start3A_17] : memref<40960x128xf32, #tpu.memory_space<hbm>> -> memref<40960x128xf32, #tpu.memory_space<hbm>>
    tpu.enqueue_indirect_dma source(%dma_start3A_18 : memref<40960x128xf32, #tpu.memory_space<hbm>>) target(%arg9 : memref<128x128xf32, #tpu.memory_space<vmem>>) offsets(%dma_start3A_15 : memref<128xi32, #tpu.memory_space<vmem>>) semaphore(%arg12 : memref<!tpu.dma_semaphore, #tpu.memory_space<semaphore_mem>>)
    %scan3A_19 = arith.constant 0 : i32
    %scan3A_20 = arith.constant 0 : i32
    %scan3A_21 = arith.constant 20 : i32
    %scan3A_22 = arith.addi %scan3A_20, %scan3A_21 : i32
    %scan3A_23 = arith.constant 1 : i32
    scf.for %scan3A_130 = %scan3A_20 to %scan3A_22 step %scan3A_23  : i32 {
      %mul3A_131 = arith.constant 2 : i32
      %mul3A_132 = arith.muli %mul3A_131, %scan3A_130 : i32
      %add3A_133 = arith.constant 1 : i32
      %add3A_134 = arith.addi %mul3A_132, %add3A_133 : i32
      %dma_start3A_135 = arith.constant 0 : i32
      %dma_start3A_136 = tpu.memref_slice %arg7[%add3A_134, %dma_start3A_135] : memref<48x128xi32, #tpu.memory_space<vmem>> -> memref<1x128xi32, #tpu.memory_space<vmem>>
      %dma_start3A_137 = tpu.memref_squeeze %dma_start3A_136 : memref<1x128xi32, #tpu.memory_space<vmem>> -> memref<128xi32, #tpu.memory_space<vmem>>
      %dma_start3A_138 = arith.constant 0 : i32
      %dma_start3A_139 = arith.constant 0 : i32
      %dma_start3A_140 = tpu.memref_slice %arg2[%dma_start3A_138, %dma_start3A_139] : memref<40960x128xf32, #tpu.memory_space<hbm>> -> memref<40960x128xf32, #tpu.memory_space<hbm>>
      tpu.enqueue_indirect_dma source(%dma_start3A_140 : memref<40960x128xf32, #tpu.memory_space<hbm>>) target(%arg10 : memref<128x128xf32, #tpu.memory_space<vmem>>) offsets(%dma_start3A_137 : memref<128xi32, #tpu.memory_space<vmem>>) semaphore(%arg13 : memref<!tpu.dma_semaphore, #tpu.memory_space<semaphore_mem>>)
      %dma_wait3A_141 = arith.constant 0 : i32
      %dma_wait3A_142 = tpu.memref_slice %arg7[%mul3A_132, %dma_wait3A_141] : memref<48x128xi32, #tpu.memory_space<vmem>> -> memref<1x128xi32, #tpu.memory_space<vmem>>
      %dma_wait3A_143 = tpu.memref_squeeze %dma_wait3A_142 : memref<1x128xi32, #tpu.memory_space<vmem>> -> memref<128xi32, #tpu.memory_space<vmem>>
      %dma_wait3A_144 = arith.constant 0 : i32
      %dma_wait3A_145 = arith.constant 0 : i32
      %dma_wait3A_146 = tpu.memref_slice %arg2[%dma_wait3A_144, %dma_wait3A_145] : memref<40960x128xf32, #tpu.memory_space<hbm>> -> memref<40960x128xf32, #tpu.memory_space<hbm>>
      tpu.wait_indirect_dma semaphore(%arg12 : memref<!tpu.dma_semaphore, #tpu.memory_space<semaphore_mem>>) src(%dma_wait3A_146 : memref<40960x128xf32, #tpu.memory_space<hbm>>) dst(%arg9 : memref<128x128xf32, #tpu.memory_space<vmem>>)
      "tpu.region"() ({
        %run_scoped3A = tpu.sem_alloc : memref<!tpu.dma_semaphore, #tpu.memory_space<semaphore_mem>>
        %dma_start3A_165 = arith.constant 0 : i32
        %dma_start3A_166 = tpu.memref_slice %arg8[%mul3A_132, %dma_start3A_165] : memref<40x128xi32, #tpu.memory_space<vmem>> -> memref<1x128xi32, #tpu.memory_space<vmem>>
        %dma_start3A_167 = tpu.memref_squeeze %dma_start3A_166 : memref<1x128xi32, #tpu.memory_space<vmem>> -> memref<128xi32, #tpu.memory_space<vmem>>
        %dma_start3A_168 = arith.constant 0 : i32
        %dma_start3A_169 = arith.constant 0 : i32
        %dma_start3A_170 = tpu.memref_slice %arg11[%dma_start3A_168, %dma_start3A_169] : memref<10240x128xf32, #tpu.memory_space<vmem_shared>> -> memref<10240x128xf32, #tpu.memory_space<vmem_shared>>
        tpu.enqueue_indirect_dma source(%arg9 : memref<128x128xf32, #tpu.memory_space<vmem>>) target(%dma_start3A_170 : memref<10240x128xf32, #tpu.memory_space<vmem_shared>>) offsets(%dma_start3A_167 : memref<128xi32, #tpu.memory_space<vmem>>) semaphore(%run_scoped3A : memref<!tpu.dma_semaphore, #tpu.memory_space<semaphore_mem>>) {add = true}
        %dma_wait3A_171 = arith.constant 0 : i32
        %dma_wait3A_172 = tpu.memref_slice %arg8[%mul3A_132, %dma_wait3A_171] : memref<40x128xi32, #tpu.memory_space<vmem>> -> memref<1x128xi32, #tpu.memory_space<vmem>>
        %dma_wait3A_173 = tpu.memref_squeeze %dma_wait3A_172 : memref<1x128xi32, #tpu.memory_space<vmem>> -> memref<128xi32, #tpu.memory_space<vmem>>
        %dma_wait3A_174 = arith.constant 0 : i32
        %dma_wait3A_175 = arith.constant 0 : i32
        %dma_wait3A_176 = tpu.memref_slice %arg11[%dma_wait3A_174, %dma_wait3A_175] : memref<10240x128xf32, #tpu.memory_space<vmem_shared>> -> memref<10240x128xf32, #tpu.memory_space<vmem_shared>>
        tpu.wait_indirect_dma semaphore(%run_scoped3A : memref<!tpu.dma_semaphore, #tpu.memory_space<semaphore_mem>>) src(%arg9 : memref<128x128xf32, #tpu.memory_space<vmem>>) dst(%dma_wait3A_176 : memref<10240x128xf32, #tpu.memory_space<vmem_shared>>)
        tpu.yield
      }) : () -> ()
      %add3A_147 = arith.constant 2 : i32
      %add3A_148 = arith.addi %mul3A_132, %add3A_147 : i32
      %dma_start3A_149 = arith.constant 0 : i32
      %dma_start3A_150 = tpu.memref_slice %arg7[%add3A_148, %dma_start3A_149] : memref<48x128xi32, #tpu.memory_space<vmem>> -> memref<1x128xi32, #tpu.memory_space<vmem>>
      %dma_start3A_151 = tpu.memref_squeeze %dma_start3A_150 : memref<1x128xi32, #tpu.memory_space<vmem>> -> memref<128xi32, #tpu.memory_space<vmem>>
      %dma_start3A_152 = arith.constant 0 : i32
      %dma_start3A_153 = arith.constant 0 : i32
      %dma_start3A_154 = tpu.memref_slice %arg2[%dma_start3A_152, %dma_start3A_153] : memref<40960x128xf32, #tpu.memory_space<hbm>> -> memref<40960x128xf32, #tpu.memory_space<hbm>>
      tpu.enqueue_indirect_dma source(%dma_start3A_154 : memref<40960x128xf32, #tpu.memory_space<hbm>>) target(%arg9 : memref<128x128xf32, #tpu.memory_space<vmem>>) offsets(%dma_start3A_151 : memref<128xi32, #tpu.memory_space<vmem>>) semaphore(%arg12 : memref<!tpu.dma_semaphore, #tpu.memory_space<semaphore_mem>>)
      %add3A_155 = arith.constant 1 : i32
      %add3A_156 = arith.addi %mul3A_132, %add3A_155 : i32
      %dma_wait3A_157 = arith.constant 0 : i32
      %dma_wait3A_158 = tpu.memref_slice %arg7[%add3A_156, %dma_wait3A_157] : memref<48x128xi32, #tpu.memory_space<vmem>> -> memref<1x128xi32, #tpu.memory_space<vmem>>
      %dma_wait3A_159 = tpu.memref_squeeze %dma_wait3A_158 : memref<1x128xi32, #tpu.memory_space<vmem>> -> memref<128xi32, #tpu.memory_space<vmem>>
      %dma_wait3A_160 = arith.constant 0 : i32
      %dma_wait3A_161 = arith.constant 0 : i32
      %dma_wait3A_162 = tpu.memref_slice %arg2[%dma_wait3A_160, %dma_wait3A_161] : memref<40960x128xf32, #tpu.memory_space<hbm>> -> memref<40960x128xf32, #tpu.memory_space<hbm>>
      tpu.wait_indirect_dma semaphore(%arg13 : memref<!tpu.dma_semaphore, #tpu.memory_space<semaphore_mem>>) src(%dma_wait3A_162 : memref<40960x128xf32, #tpu.memory_space<hbm>>) dst(%arg10 : memref<128x128xf32, #tpu.memory_space<vmem>>)
      %add3A_163 = arith.constant 1 : i32
      %add3A_164 = arith.addi %mul3A_132, %add3A_163 : i32
      "tpu.region"() ({
        %run_scoped3A = tpu.sem_alloc : memref<!tpu.dma_semaphore, #tpu.memory_space<semaphore_mem>>
        %dma_start3A_165 = arith.constant 0 : i32
        %dma_start3A_166 = tpu.memref_slice %arg8[%add3A_164, %dma_start3A_165] : memref<40x128xi32, #tpu.memory_space<vmem>> -> memref<1x128xi32, #tpu.memory_space<vmem>>
        %dma_start3A_167 = tpu.memref_squeeze %dma_start3A_166 : memref<1x128xi32, #tpu.memory_space<vmem>> -> memref<128xi32, #tpu.memory_space<vmem>>
        %dma_start3A_168 = arith.constant 0 : i32
        %dma_start3A_169 = arith.constant 0 : i32
        %dma_start3A_170 = tpu.memref_slice %arg11[%dma_start3A_168, %dma_start3A_169] : memref<10240x128xf32, #tpu.memory_space<vmem_shared>> -> memref<10240x128xf32, #tpu.memory_space<vmem_shared>>
        tpu.enqueue_indirect_dma source(%arg10 : memref<128x128xf32, #tpu.memory_space<vmem>>) target(%dma_start3A_170 : memref<10240x128xf32, #tpu.memory_space<vmem_shared>>) offsets(%dma_start3A_167 : memref<128xi32, #tpu.memory_space<vmem>>) semaphore(%run_scoped3A : memref<!tpu.dma_semaphore, #tpu.memory_space<semaphore_mem>>) {add = true}
        %dma_wait3A_171 = arith.constant 0 : i32
        %dma_wait3A_172 = tpu.memref_slice %arg8[%add3A_164, %dma_wait3A_171] : memref<40x128xi32, #tpu.memory_space<vmem>> -> memref<1x128xi32, #tpu.memory_space<vmem>>
        %dma_wait3A_173 = tpu.memref_squeeze %dma_wait3A_172 : memref<1x128xi32, #tpu.memory_space<vmem>> -> memref<128xi32, #tpu.memory_space<vmem>>
        %dma_wait3A_174 = arith.constant 0 : i32
        %dma_wait3A_175 = arith.constant 0 : i32
        %dma_wait3A_176 = tpu.memref_slice %arg11[%dma_wait3A_174, %dma_wait3A_175] : memref<10240x128xf32, #tpu.memory_space<vmem_shared>> -> memref<10240x128xf32, #tpu.memory_space<vmem_shared>>
        tpu.wait_indirect_dma semaphore(%run_scoped3A : memref<!tpu.dma_semaphore, #tpu.memory_space<semaphore_mem>>) src(%arg10 : memref<128x128xf32, #tpu.memory_space<vmem>>) dst(%dma_wait3A_176 : memref<10240x128xf32, #tpu.memory_space<vmem_shared>>)
        tpu.yield
      }) : () -> ()
    }
    %scan3A_24 = arith.constant 20 : i32
    %dma_wait3A = arith.constant 0 : i32
    %dma_wait3A_25 = arith.constant 0 : i32
    %dma_wait3A_26 = tpu.memref_slice %arg7[%dma_wait3A, %dma_wait3A_25] : memref<48x128xi32, #tpu.memory_space<vmem>> -> memref<1x128xi32, #tpu.memory_space<vmem>>
    %dma_wait3A_27 = tpu.memref_squeeze %dma_wait3A_26 : memref<1x128xi32, #tpu.memory_space<vmem>> -> memref<128xi32, #tpu.memory_space<vmem>>
    %dma_wait3A_28 = arith.constant 0 : i32
    %dma_wait3A_29 = arith.constant 0 : i32
    %dma_wait3A_30 = tpu.memref_slice %arg2[%dma_wait3A_28, %dma_wait3A_29] : memref<40960x128xf32, #tpu.memory_space<hbm>> -> memref<40960x128xf32, #tpu.memory_space<hbm>>
    tpu.wait_indirect_dma semaphore(%arg12 : memref<!tpu.dma_semaphore, #tpu.memory_space<semaphore_mem>>) src(%dma_wait3A_30 : memref<40960x128xf32, #tpu.memory_space<hbm>>) dst(%arg9 : memref<128x128xf32, #tpu.memory_space<vmem>>)
    %mul3A_31 = arith.constant 80 : i32
    %mul3A_32 = arith.muli %arg1, %mul3A_31 : i32
    %add3A_33 = arith.constant 40 : i32
    %add3A_34 = arith.addi %mul3A_32, %add3A_33 : i32
    "tpu.region"() ({
      %run_scoped3A = tpu.sem_alloc : memref<!tpu.dma_semaphore, #tpu.memory_space<semaphore_mem>>
      %dma_start3A_130 = arith.constant 0 : i32
      %dma_start3A_131 = tpu.memref_slice %arg3[%add3A_34, %dma_start3A_130] : memref<1288x128xi32, #tpu.memory_space<hbm>> -> memref<48x128xi32, #tpu.memory_space<hbm>>
      %dma_start3A_132 = arith.constant 0 : i32
      %dma_start3A_133 = tpu.memref_slice %arg3[%add3A_34, %dma_start3A_132] : memref<1288x128xi32, #tpu.memory_space<hbm>> -> memref<48x128xi32, #tpu.memory_space<hbm>>
      tpu.enqueue_dma source(%dma_start3A_133 : memref<48x128xi32, #tpu.memory_space<hbm>>) target(%arg7 : memref<48x128xi32, #tpu.memory_space<vmem>>) target_semaphore(%run_scoped3A : memref<!tpu.dma_semaphore, #tpu.memory_space<semaphore_mem>>)
      %dma_wait3A_134 = arith.constant 0 : i32
      %dma_wait3A_135 = tpu.memref_slice %arg3[%add3A_34, %dma_wait3A_134] : memref<1288x128xi32, #tpu.memory_space<hbm>> -> memref<48x128xi32, #tpu.memory_space<hbm>>
      %dma_wait3A_136 = arith.constant 0 : i32
      %dma_wait3A_137 = tpu.memref_slice %arg3[%add3A_34, %dma_wait3A_136] : memref<1288x128xi32, #tpu.memory_space<hbm>> -> memref<48x128xi32, #tpu.memory_space<hbm>>
      tpu.wait_dma2 semaphore(%run_scoped3A : memref<!tpu.dma_semaphore, #tpu.memory_space<semaphore_mem>>) src(%dma_wait3A_137 : memref<48x128xi32, #tpu.memory_space<hbm>>) dst(%arg7 : memref<48x128xi32, #tpu.memory_space<vmem>>)
      tpu.yield
    }) : () -> ()
    "tpu.region"() ({
      %run_scoped3A = tpu.sem_alloc : memref<!tpu.dma_semaphore, #tpu.memory_space<semaphore_mem>>
      %dma_start3A_130 = arith.constant 0 : i32
      %dma_start3A_131 = tpu.memref_slice %arg4[%add3A_34, %dma_start3A_130] : memref<1280x128xi32, #tpu.memory_space<hbm>> -> memref<40x128xi32, #tpu.memory_space<hbm>>
      %dma_start3A_132 = arith.constant 0 : i32
      %dma_start3A_133 = tpu.memref_slice %arg4[%add3A_34, %dma_start3A_132] : memref<1280x128xi32, #tpu.memory_space<hbm>> -> memref<40x128xi32, #tpu.memory_space<hbm>>
      tpu.enqueue_dma source(%dma_start3A_133 : memref<40x128xi32, #tpu.memory_space<hbm>>) target(%arg8 : memref<40x128xi32, #tpu.memory_space<vmem>>) target_semaphore(%run_scoped3A : memref<!tpu.dma_semaphore, #tpu.memory_space<semaphore_mem>>)
      %dma_wait3A_134 = arith.constant 0 : i32
      %dma_wait3A_135 = tpu.memref_slice %arg4[%add3A_34, %dma_wait3A_134] : memref<1280x128xi32, #tpu.memory_space<hbm>> -> memref<40x128xi32, #tpu.memory_space<hbm>>
      %dma_wait3A_136 = arith.constant 0 : i32
      %dma_wait3A_137 = tpu.memref_slice %arg4[%add3A_34, %dma_wait3A_136] : memref<1280x128xi32, #tpu.memory_space<hbm>> -> memref<40x128xi32, #tpu.memory_space<hbm>>
      tpu.wait_dma2 semaphore(%run_scoped3A : memref<!tpu.dma_semaphore, #tpu.memory_space<semaphore_mem>>) src(%dma_wait3A_137 : memref<40x128xi32, #tpu.memory_space<hbm>>) dst(%arg8 : memref<40x128xi32, #tpu.memory_space<vmem>>)
      tpu.yield
    }) : () -> ()
    %scan3A_35 = arith.constant 0 : i32
    %scan3A_36 = arith.constant 0 : i32
    %scan3A_37 = arith.constant 48 : i32
    %scan3A_38 = arith.addi %scan3A_36, %scan3A_37 : i32
    %scan3A_39 = arith.constant 1 : i32
    scf.for %scan3A_130 = %scan3A_36 to %scan3A_38 step %scan3A_39  : i32 {
      %get3A = arith.index_cast %scan3A_130 : i32 to index
      %get3A_131 = arith.constant 0 : index
      %get3A_132 = tpu.vector_load %arg7[%get3A, %get3A_131] {strides = array<i32>} : memref<48x128xi32, #tpu.memory_space<vmem>>, vector<1x16xi32>,
      %get3A_133 = vector.shape_cast %get3A_132 : vector<1x16xi32> to vector<16xi32>
      %mul3A_134 = arith.constant 4 : i32
      %mul3A_135 = vector.broadcast %mul3A_134 : i32 to vector<16xi32>
      %mul3A_136 = arith.muli %get3A_133, %mul3A_135 : vector<16xi32>
      %add3A_137 = vector.broadcast %add3A_3 : i32 to vector<16xi32>
      %add3A_138 = arith.addi %mul3A_136, %add3A_137 : vector<16xi32>
      %swap3A = arith.index_cast %scan3A_130 : i32 to index
      %swap3A_139 = arith.constant 0 : index
      %swap3A_140 = tpu.vector_load %arg7[%swap3A, %swap3A_139] {strides = array<i32>} : memref<48x128xi32, #tpu.memory_space<vmem>>, vector<1x16xi32>,
      %swap3A_141 = vector.shape_cast %swap3A_140 : vector<1x16xi32> to vector<16xi32>
      %swap3A_142 = vector.shape_cast %add3A_138 : vector<16xi32> to vector<1x16xi32>
      tpu.vector_store %arg7[%swap3A, %swap3A_139], %swap3A_142 {strides = array<i32>} : memref<48x128xi32, #tpu.memory_space<vmem>>, vector<1x16xi32>,
      %get3A_143 = arith.index_cast %scan3A_130 : i32 to index
      %get3A_144 = arith.constant 16 : index
      %get3A_145 = tpu.vector_load %arg7[%get3A_143, %get3A_144] {strides = array<i32>} : memref<48x128xi32, #tpu.memory_space<vmem>>, vector<1x16xi32>,
      %get3A_146 = vector.shape_cast %get3A_145 : vector<1x16xi32> to vector<16xi32>
      %mul3A_147 = arith.constant 4 : i32
      %mul3A_148 = vector.broadcast %mul3A_147 : i32 to vector<16xi32>
      %mul3A_149 = arith.muli %get3A_146, %mul3A_148 : vector<16xi32>
      %add3A_150 = vector.broadcast %add3A_3 : i32 to vector<16xi32>
      %add3A_151 = arith.addi %mul3A_149, %add3A_150 : vector<16xi32>
      %swap3A_152 = arith.index_cast %scan3A_130 : i32 to index
      %swap3A_153 = arith.constant 16 : index
      %swap3A_154 = tpu.vector_load %arg7[%swap3A_152, %swap3A_153] {strides = array<i32>} : memref<48x128xi32, #tpu.memory_space<vmem>>, vector<1x16xi32>,
      %swap3A_155 = vector.shape_cast %swap3A_154 : vector<1x16xi32> to vector<16xi32>
      %swap3A_156 = vector.shape_cast %add3A_151 : vector<16xi32> to vector<1x16xi32>
      tpu.vector_store %arg7[%swap3A_152, %swap3A_153], %swap3A_156 {strides = array<i32>} : memref<48x128xi32, #tpu.memory_space<vmem>>, vector<1x16xi32>,
      %get3A_157 = arith.index_cast %scan3A_130 : i32 to index
      %get3A_158 = arith.constant 32 : index
      %get3A_159 = tpu.vector_load %arg7[%get3A_157, %get3A_158] {strides = array<i32>} : memref<48x128xi32, #tpu.memory_space<vmem>>, vector<1x16xi32>,
      %get3A_160 = vector.shape_cast %get3A_159 : vector<1x16xi32> to vector<16xi32>
      %mul3A_161 = arith.constant 4 : i32
      %mul3A_162 = vector.broadcast %mul3A_161 : i32 to vector<16xi32>
      %mul3A_163 = arith.muli %get3A_160, %mul3A_162 : vector<16xi32>
      %add3A_164 = vector.broadcast %add3A_3 : i32 to vector<16xi32>
      %add3A_165 = arith.addi %mul3A_163, %add3A_164 : vector<16xi32>
      %swap3A_166 = arith.index_cast %scan3A_130 : i32 to index
      %swap3A_167 = arith.constant 32 : index
      %swap3A_168 = tpu.vector_load %arg7[%swap3A_166, %swap3A_167] {strides = array<i32>} : memref<48x128xi32, #tpu.memory_space<vmem>>, vector<1x16xi32>,
      %swap3A_169 = vector.shape_cast %swap3A_168 : vector<1x16xi32> to vector<16xi32>
      %swap3A_170 = vector.shape_cast %add3A_165 : vector<16xi32> to vector<1x16xi32>
      tpu.vector_store %arg7[%swap3A_166, %swap3A_167], %swap3A_170 {strides = array<i32>} : memref<48x128xi32, #tpu.memory_space<vmem>>, vector<1x16xi32>,
      %get3A_171 = arith.index_cast %scan3A_130 : i32 to index
      %get3A_172 = arith.constant 48 : index
      %get3A_173 = tpu.vector_load %arg7[%get3A_171, %get3A_172] {strides = array<i32>} : memref<48x128xi32, #tpu.memory_space<vmem>>, vector<1x16xi32>,
      %get3A_174 = vector.shape_cast %get3A_173 : vector<1x16xi32> to vector<16xi32>
      %mul3A_175 = arith.constant 4 : i32
      %mul3A_176 = vector.broadcast %mul3A_175 : i32 to vector<16xi32>
      %mul3A_177 = arith.muli %get3A_174, %mul3A_176 : vector<16xi32>
      %add3A_178 = vector.broadcast %add3A_3 : i32 to vector<16xi32>
      %add3A_179 = arith.addi %mul3A_177, %add3A_178 : vector<16xi32>
      %swap3A_180 = arith.index_cast %scan3A_130 : i32 to index
      %swap3A_181 = arith.constant 48 : index
      %swap3A_182 = tpu.vector_load %arg7[%swap3A_180, %swap3A_181] {strides = array<i32>} : memref<48x128xi32, #tpu.memory_space<vmem>>, vector<1x16xi32>,
      %swap3A_183 = vector.shape_cast %swap3A_182 : vector<1x16xi32> to vector<16xi32>
      %swap3A_184 = vector.shape_cast %add3A_179 : vector<16xi32> to vector<1x16xi32>
      tpu.vector_store %arg7[%swap3A_180, %swap3A_181], %swap3A_184 {strides = array<i32>} : memref<48x128xi32, #tpu.memory_space<vmem>>, vector<1x16xi32>,
      %get3A_185 = arith.index_cast %scan3A_130 : i32 to index
      %get3A_186 = arith.constant 64 : index
      %get3A_187 = tpu.vector_load %arg7[%get3A_185, %get3A_186] {strides = array<i32>} : memref<48x128xi32, #tpu.memory_space<vmem>>, vector<1x16xi32>,
      %get3A_188 = vector.shape_cast %get3A_187 : vector<1x16xi32> to vector<16xi32>
      %mul3A_189 = arith.constant 4 : i32
      %mul3A_190 = vector.broadcast %mul3A_189 : i32 to vector<16xi32>
      %mul3A_191 = arith.muli %get3A_188, %mul3A_190 : vector<16xi32>
      %add3A_192 = vector.broadcast %add3A_3 : i32 to vector<16xi32>
      %add3A_193 = arith.addi %mul3A_191, %add3A_192 : vector<16xi32>
      %swap3A_194 = arith.index_cast %scan3A_130 : i32 to index
      %swap3A_195 = arith.constant 64 : index
      %swap3A_196 = tpu.vector_load %arg7[%swap3A_194, %swap3A_195] {strides = array<i32>} : memref<48x128xi32, #tpu.memory_space<vmem>>, vector<1x16xi32>,
      %swap3A_197 = vector.shape_cast %swap3A_196 : vector<1x16xi32> to vector<16xi32>
      %swap3A_198 = vector.shape_cast %add3A_193 : vector<16xi32> to vector<1x16xi32>
      tpu.vector_store %arg7[%swap3A_194, %swap3A_195], %swap3A_198 {strides = array<i32>} : memref<48x128xi32, #tpu.memory_space<vmem>>, vector<1x16xi32>,
      %get3A_199 = arith.index_cast %scan3A_130 : i32 to index
      %get3A_200 = arith.constant 80 : index
      %get3A_201 = tpu.vector_load %arg7[%get3A_199, %get3A_200] {strides = array<i32>} : memref<48x128xi32, #tpu.memory_space<vmem>>, vector<1x16xi32>,
      %get3A_202 = vector.shape_cast %get3A_201 : vector<1x16xi32> to vector<16xi32>
      %mul3A_203 = arith.constant 4 : i32
      %mul3A_204 = vector.broadcast %mul3A_203 : i32 to vector<16xi32>
      %mul3A_205 = arith.muli %get3A_202, %mul3A_204 : vector<16xi32>
      %add3A_206 = vector.broadcast %add3A_3 : i32 to vector<16xi32>
      %add3A_207 = arith.addi %mul3A_205, %add3A_206 : vector<16xi32>
      %swap3A_208 = arith.index_cast %scan3A_130 : i32 to index
      %swap3A_209 = arith.constant 80 : index
      %swap3A_210 = tpu.vector_load %arg7[%swap3A_208, %swap3A_209] {strides = array<i32>} : memref<48x128xi32, #tpu.memory_space<vmem>>, vector<1x16xi32>,
      %swap3A_211 = vector.shape_cast %swap3A_210 : vector<1x16xi32> to vector<16xi32>
      %swap3A_212 = vector.shape_cast %add3A_207 : vector<16xi32> to vector<1x16xi32>
      tpu.vector_store %arg7[%swap3A_208, %swap3A_209], %swap3A_212 {strides = array<i32>} : memref<48x128xi32, #tpu.memory_space<vmem>>, vector<1x16xi32>,
      %get3A_213 = arith.index_cast %scan3A_130 : i32 to index
      %get3A_214 = arith.constant 96 : index
      %get3A_215 = tpu.vector_load %arg7[%get3A_213, %get3A_214] {strides = array<i32>} : memref<48x128xi32, #tpu.memory_space<vmem>>, vector<1x16xi32>,
      %get3A_216 = vector.shape_cast %get3A_215 : vector<1x16xi32> to vector<16xi32>
      %mul3A_217 = arith.constant 4 : i32
      %mul3A_218 = vector.broadcast %mul3A_217 : i32 to vector<16xi32>
      %mul3A_219 = arith.muli %get3A_216, %mul3A_218 : vector<16xi32>
      %add3A_220 = vector.broadcast %add3A_3 : i32 to vector<16xi32>
      %add3A_221 = arith.addi %mul3A_219, %add3A_220 : vector<16xi32>
      %swap3A_222 = arith.index_cast %scan3A_130 : i32 to index
      %swap3A_223 = arith.constant 96 : index
      %swap3A_224 = tpu.vector_load %arg7[%swap3A_222, %swap3A_223] {strides = array<i32>} : memref<48x128xi32, #tpu.memory_space<vmem>>, vector<1x16xi32>,
      %swap3A_225 = vector.shape_cast %swap3A_224 : vector<1x16xi32> to vector<16xi32>
      %swap3A_226 = vector.shape_cast %add3A_221 : vector<16xi32> to vector<1x16xi32>
      tpu.vector_store %arg7[%swap3A_222, %swap3A_223], %swap3A_226 {strides = array<i32>} : memref<48x128xi32, #tpu.memory_space<vmem>>, vector<1x16xi32>,
      %get3A_227 = arith.index_cast %scan3A_130 : i32 to index
      %get3A_228 = arith.constant 112 : index
      %get3A_229 = tpu.vector_load %arg7[%get3A_227, %get3A_228] {strides = array<i32>} : memref<48x128xi32, #tpu.memory_space<vmem>>, vector<1x16xi32>,
      %get3A_230 = vector.shape_cast %get3A_229 : vector<1x16xi32> to vector<16xi32>
      %mul3A_231 = arith.constant 4 : i32
      %mul3A_232 = vector.broadcast %mul3A_231 : i32 to vector<16xi32>
      %mul3A_233 = arith.muli %get3A_230, %mul3A_232 : vector<16xi32>
      %add3A_234 = vector.broadcast %add3A_3 : i32 to vector<16xi32>
      %add3A_235 = arith.addi %mul3A_233, %add3A_234 : vector<16xi32>
      %swap3A_236 = arith.index_cast %scan3A_130 : i32 to index
      %swap3A_237 = arith.constant 112 : index
      %swap3A_238 = tpu.vector_load %arg7[%swap3A_236, %swap3A_237] {strides = array<i32>} : memref<48x128xi32, #tpu.memory_space<vmem>>, vector<1x16xi32>,
      %swap3A_239 = vector.shape_cast %swap3A_238 : vector<1x16xi32> to vector<16xi32>
      %swap3A_240 = vector.shape_cast %add3A_235 : vector<16xi32> to vector<1x16xi32>
      tpu.vector_store %arg7[%swap3A_236, %swap3A_237], %swap3A_240 {strides = array<i32>} : memref<48x128xi32, #tpu.memory_space<vmem>>, vector<1x16xi32>,
    }
    %scan3A_40 = arith.constant 48 : i32
    %dma_start3A_41 = arith.constant 0 : i32
    %dma_start3A_42 = arith.constant 0 : i32
    %dma_start3A_43 = tpu.memref_slice %arg7[%dma_start3A_41, %dma_start3A_42] : memref<48x128xi32, #tpu.memory_space<vmem>> -> memref<1x128xi32, #tpu.memory_space<vmem>>
    %dma_start3A_44 = tpu.memref_squeeze %dma_start3A_43 : memref<1x128xi32, #tpu.memory_space<vmem>> -> memref<128xi32, #tpu.memory_space<vmem>>
    %dma_start3A_45 = arith.constant 0 : i32
    %dma_start3A_46 = arith.constant 0 : i32
    %dma_start3A_47 = tpu.memref_slice %arg2[%dma_start3A_45, %dma_start3A_46] : memref<40960x128xf32, #tpu.memory_space<hbm>> -> memref<40960x128xf32, #tpu.memory_space<hbm>>
    tpu.enqueue_indirect_dma source(%dma_start3A_47 : memref<40960x128xf32, #tpu.memory_space<hbm>>) target(%arg9 : memref<128x128xf32, #tpu.memory_space<vmem>>) offsets(%dma_start3A_44 : memref<128xi32, #tpu.memory_space<vmem>>) semaphore(%arg12 : memref<!tpu.dma_semaphore, #tpu.memory_space<semaphore_mem>>)
    %scan3A_48 = arith.constant 0 : i32
    %scan3A_49 = arith.constant 0 : i32
    %scan3A_50 = arith.constant 20 : i32
    %scan3A_51 = arith.addi %scan3A_49, %scan3A_50 : i32
    %scan3A_52 = arith.constant 1 : i32
    scf.for %scan3A_130 = %scan3A_49 to %scan3A_51 step %scan3A_52  : i32 {
      %mul3A_131 = arith.constant 2 : i32
      %mul3A_132 = arith.muli %mul3A_131, %scan3A_130 : i32
      %add3A_133 = arith.constant 1 : i32
      %add3A_134 = arith.addi %mul3A_132, %add3A_133 : i32
      %dma_start3A_135 = arith.constant 0 : i32
      %dma_start3A_136 = tpu.memref_slice %arg7[%add3A_134, %dma_start3A_135] : memref<48x128xi32, #tpu.memory_space<vmem>> -> memref<1x128xi32, #tpu.memory_space<vmem>>
      %dma_start3A_137 = tpu.memref_squeeze %dma_start3A_136 : memref<1x128xi32, #tpu.memory_space<vmem>> -> memref<128xi32, #tpu.memory_space<vmem>>
      %dma_start3A_138 = arith.constant 0 : i32
      %dma_start3A_139 = arith.constant 0 : i32
      %dma_start3A_140 = tpu.memref_slice %arg2[%dma_start3A_138, %dma_start3A_139] : memref<40960x128xf32, #tpu.memory_space<hbm>> -> memref<40960x128xf32, #tpu.memory_space<hbm>>
      tpu.enqueue_indirect_dma source(%dma_start3A_140 : memref<40960x128xf32, #tpu.memory_space<hbm>>) target(%arg10 : memref<128x128xf32, #tpu.memory_space<vmem>>) offsets(%dma_start3A_137 : memref<128xi32, #tpu.memory_space<vmem>>) semaphore(%arg13 : memref<!tpu.dma_semaphore, #tpu.memory_space<semaphore_mem>>)
      %dma_wait3A_141 = arith.constant 0 : i32
      %dma_wait3A_142 = tpu.memref_slice %arg7[%mul3A_132, %dma_wait3A_141] : memref<48x128xi32, #tpu.memory_space<vmem>> -> memref<1x128xi32, #tpu.memory_space<vmem>>
      %dma_wait3A_143 = tpu.memref_squeeze %dma_wait3A_142 : memref<1x128xi32, #tpu.memory_space<vmem>> -> memref<128xi32, #tpu.memory_space<vmem>>
      %dma_wait3A_144 = arith.constant 0 : i32
      %dma_wait3A_145 = arith.constant 0 : i32
      %dma_wait3A_146 = tpu.memref_slice %arg2[%dma_wait3A_144, %dma_wait3A_145] : memref<40960x128xf32, #tpu.memory_space<hbm>> -> memref<40960x128xf32, #tpu.memory_space<hbm>>
      tpu.wait_indirect_dma semaphore(%arg12 : memref<!tpu.dma_semaphore, #tpu.memory_space<semaphore_mem>>) src(%dma_wait3A_146 : memref<40960x128xf32, #tpu.memory_space<hbm>>) dst(%arg9 : memref<128x128xf32, #tpu.memory_space<vmem>>)
      "tpu.region"() ({
        %run_scoped3A = tpu.sem_alloc : memref<!tpu.dma_semaphore, #tpu.memory_space<semaphore_mem>>
        %dma_start3A_165 = arith.constant 0 : i32
        %dma_start3A_166 = tpu.memref_slice %arg8[%mul3A_132, %dma_start3A_165] : memref<40x128xi32, #tpu.memory_space<vmem>> -> memref<1x128xi32, #tpu.memory_space<vmem>>
        %dma_start3A_167 = tpu.memref_squeeze %dma_start3A_166 : memref<1x128xi32, #tpu.memory_space<vmem>> -> memref<128xi32, #tpu.memory_space<vmem>>
        %dma_start3A_168 = arith.constant 0 : i32
        %dma_start3A_169 = arith.constant 0 : i32
        %dma_start3A_170 = tpu.memref_slice %arg11[%dma_start3A_168, %dma_start3A_169] : memref<10240x128xf32, #tpu.memory_space<vmem_shared>> -> memref<10240x128xf32, #tpu.memory_space<vmem_shared>>
        tpu.enqueue_indirect_dma source(%arg9 : memref<128x128xf32, #tpu.memory_space<vmem>>) target(%dma_start3A_170 : memref<10240x128xf32, #tpu.memory_space<vmem_shared>>) offsets(%dma_start3A_167 : memref<128xi32, #tpu.memory_space<vmem>>) semaphore(%run_scoped3A : memref<!tpu.dma_semaphore, #tpu.memory_space<semaphore_mem>>) {add = true}
        %dma_wait3A_171 = arith.constant 0 : i32
        %dma_wait3A_172 = tpu.memref_slice %arg8[%mul3A_132, %dma_wait3A_171] : memref<40x128xi32, #tpu.memory_space<vmem>> -> memref<1x128xi32, #tpu.memory_space<vmem>>
        %dma_wait3A_173 = tpu.memref_squeeze %dma_wait3A_172 : memref<1x128xi32, #tpu.memory_space<vmem>> -> memref<128xi32, #tpu.memory_space<vmem>>
        %dma_wait3A_174 = arith.constant 0 : i32
        %dma_wait3A_175 = arith.constant 0 : i32
        %dma_wait3A_176 = tpu.memref_slice %arg11[%dma_wait3A_174, %dma_wait3A_175] : memref<10240x128xf32, #tpu.memory_space<vmem_shared>> -> memref<10240x128xf32, #tpu.memory_space<vmem_shared>>
        tpu.wait_indirect_dma semaphore(%run_scoped3A : memref<!tpu.dma_semaphore, #tpu.memory_space<semaphore_mem>>) src(%arg9 : memref<128x128xf32, #tpu.memory_space<vmem>>) dst(%dma_wait3A_176 : memref<10240x128xf32, #tpu.memory_space<vmem_shared>>)
        tpu.yield
      }) : () -> ()
      %add3A_147 = arith.constant 2 : i32
      %add3A_148 = arith.addi %mul3A_132, %add3A_147 : i32
      %dma_start3A_149 = arith.constant 0 : i32
      %dma_start3A_150 = tpu.memref_slice %arg7[%add3A_148, %dma_start3A_149] : memref<48x128xi32, #tpu.memory_space<vmem>> -> memref<1x128xi32, #tpu.memory_space<vmem>>
      %dma_start3A_151 = tpu.memref_squeeze %dma_start3A_150 : memref<1x128xi32, #tpu.memory_space<vmem>> -> memref<128xi32, #tpu.memory_space<vmem>>
      %dma_start3A_152 = arith.constant 0 : i32
      %dma_start3A_153 = arith.constant 0 : i32
      %dma_start3A_154 = tpu.memref_slice %arg2[%dma_start3A_152, %dma_start3A_153] : memref<40960x128xf32, #tpu.memory_space<hbm>> -> memref<40960x128xf32, #tpu.memory_space<hbm>>
      tpu.enqueue_indirect_dma source(%dma_start3A_154 : memref<40960x128xf32, #tpu.memory_space<hbm>>) target(%arg9 : memref<128x128xf32, #tpu.memory_space<vmem>>) offsets(%dma_start3A_151 : memref<128xi32, #tpu.memory_space<vmem>>) semaphore(%arg12 : memref<!tpu.dma_semaphore, #tpu.memory_space<semaphore_mem>>)
      %add3A_155 = arith.constant 1 : i32
      %add3A_156 = arith.addi %mul3A_132, %add3A_155 : i32
      %dma_wait3A_157 = arith.constant 0 : i32
      %dma_wait3A_158 = tpu.memref_slice %arg7[%add3A_156, %dma_wait3A_157] : memref<48x128xi32, #tpu.memory_space<vmem>> -> memref<1x128xi32, #tpu.memory_space<vmem>>
      %dma_wait3A_159 = tpu.memref_squeeze %dma_wait3A_158 : memref<1x128xi32, #tpu.memory_space<vmem>> -> memref<128xi32, #tpu.memory_space<vmem>>
      %dma_wait3A_160 = arith.constant 0 : i32
      %dma_wait3A_161 = arith.constant 0 : i32
      %dma_wait3A_162 = tpu.memref_slice %arg2[%dma_wait3A_160, %dma_wait3A_161] : memref<40960x128xf32, #tpu.memory_space<hbm>> -> memref<40960x128xf32, #tpu.memory_space<hbm>>
      tpu.wait_indirect_dma semaphore(%arg13 : memref<!tpu.dma_semaphore, #tpu.memory_space<semaphore_mem>>) src(%dma_wait3A_162 : memref<40960x128xf32, #tpu.memory_space<hbm>>) dst(%arg10 : memref<128x128xf32, #tpu.memory_space<vmem>>)
      %add3A_163 = arith.constant 1 : i32
      %add3A_164 = arith.addi %mul3A_132, %add3A_163 : i32
      "tpu.region"() ({
        %run_scoped3A = tpu.sem_alloc : memref<!tpu.dma_semaphore, #tpu.memory_space<semaphore_mem>>
        %dma_start3A_165 = arith.constant 0 : i32
        %dma_start3A_166 = tpu.memref_slice %arg8[%add3A_164, %dma_start3A_165] : memref<40x128xi32, #tpu.memory_space<vmem>> -> memref<1x128xi32, #tpu.memory_space<vmem>>
        %dma_start3A_167 = tpu.memref_squeeze %dma_start3A_166 : memref<1x128xi32, #tpu.memory_space<vmem>> -> memref<128xi32, #tpu.memory_space<vmem>>
        %dma_start3A_168 = arith.constant 0 : i32
        %dma_start3A_169 = arith.constant 0 : i32
        %dma_start3A_170 = tpu.memref_slice %arg11[%dma_start3A_168, %dma_start3A_169] : memref<10240x128xf32, #tpu.memory_space<vmem_shared>> -> memref<10240x128xf32, #tpu.memory_space<vmem_shared>>
        tpu.enqueue_indirect_dma source(%arg10 : memref<128x128xf32, #tpu.memory_space<vmem>>) target(%dma_start3A_170 : memref<10240x128xf32, #tpu.memory_space<vmem_shared>>) offsets(%dma_start3A_167 : memref<128xi32, #tpu.memory_space<vmem>>) semaphore(%run_scoped3A : memref<!tpu.dma_semaphore, #tpu.memory_space<semaphore_mem>>) {add = true}
        %dma_wait3A_171 = arith.constant 0 : i32
        %dma_wait3A_172 = tpu.memref_slice %arg8[%add3A_164, %dma_wait3A_171] : memref<40x128xi32, #tpu.memory_space<vmem>> -> memref<1x128xi32, #tpu.memory_space<vmem>>
        %dma_wait3A_173 = tpu.memref_squeeze %dma_wait3A_172 : memref<1x128xi32, #tpu.memory_space<vmem>> -> memref<128xi32, #tpu.memory_space<vmem>>
        %dma_wait3A_174 = arith.constant 0 : i32
        %dma_wait3A_175 = arith.constant 0 : i32
        %dma_wait3A_176 = tpu.memref_slice %arg11[%dma_wait3A_174, %dma_wait3A_175] : memref<10240x128xf32, #tpu.memory_space<vmem_shared>> -> memref<10240x128xf32, #tpu.memory_space<vmem_shared>>
        tpu.wait_indirect_dma semaphore(%run_scoped3A : memref<!tpu.dma_semaphore, #tpu.memory_space<semaphore_mem>>) src(%arg10 : memref<128x128xf32, #tpu.memory_space<vmem>>) dst(%dma_wait3A_176 : memref<10240x128xf32, #tpu.memory_space<vmem_shared>>)
        tpu.yield
      }) : () -> ()
    }
    %scan3A_53 = arith.constant 20 : i32
    %dma_wait3A_54 = arith.constant 0 : i32
    %dma_wait3A_55 = arith.constant 0 : i32
    %dma_wait3A_56 = tpu.memref_slice %arg7[%dma_wait3A_54, %dma_wait3A_55] : memref<48x128xi32, #tpu.memory_space<vmem>> -> memref<1x128xi32, #tpu.memory_space<vmem>>
    %dma_wait3A_57 = tpu.memref_squeeze %dma_wait3A_56 : memref<1x128xi32, #tpu.memory_space<vmem>> -> memref<128xi32, #tpu.memory_space<vmem>>
    %dma_wait3A_58 = arith.constant 0 : i32
    %dma_wait3A_59 = arith.constant 0 : i32
    %dma_wait3A_60 = tpu.memref_slice %arg2[%dma_wait3A_58, %dma_wait3A_59] : memref<40960x128xf32, #tpu.memory_space<hbm>> -> memref<40960x128xf32, #tpu.memory_space<hbm>>
    tpu.wait_indirect_dma semaphore(%arg12 : memref<!tpu.dma_semaphore, #tpu.memory_space<semaphore_mem>>) src(%dma_wait3A_60 : memref<40960x128xf32, #tpu.memory_space<hbm>>) dst(%arg9 : memref<128x128xf32, #tpu.memory_space<vmem>>)
    %barrier3A_61 = arith.constant 0 : index
    tpu.barrier barrier_id(%barrier3A_61)
    "tpu.region"() ({
      %run_scoped3A = tpu.sem_alloc : memref<!tpu.dma_semaphore, #tpu.memory_space<semaphore_mem>>
      %dma_start3A_130 = arith.constant 0 : i32
      %dma_start3A_131 = tpu.memref_slice %arg6[%add3A_3, %mul3A_0, %dma_start3A_130] : memref<4x10240x128xf32, #tpu.memory_space<hbm>> -> memref<1x640x128xf32, #tpu.memory_space<hbm>>
      %dma_start3A_132 = tpu.memref_squeeze %dma_start3A_131 : memref<1x640x128xf32, #tpu.memory_space<hbm>> -> memref<640x128xf32, #tpu.memory_space<hbm>>
      %dma_start3A_133 = arith.constant 0 : i32
      %dma_start3A_134 = tpu.memref_slice %arg11[%mul3A_0, %dma_start3A_133] : memref<10240x128xf32, #tpu.memory_space<vmem_shared>> -> memref<640x128xf32, #tpu.memory_space<vmem_shared>>
      tpu.enqueue_dma source(%dma_start3A_134 : memref<640x128xf32, #tpu.memory_space<vmem_shared>>) target(%dma_start3A_132 : memref<640x128xf32, #tpu.memory_space<hbm>>) target_semaphore(%run_scoped3A : memref<!tpu.dma_semaphore, #tpu.memory_space<semaphore_mem>>)
      %dma_wait3A_135 = arith.constant 0 : i32
      %dma_wait3A_136 = tpu.memref_slice %arg6[%add3A_3, %mul3A_0, %dma_wait3A_135] : memref<4x10240x128xf32, #tpu.memory_space<hbm>> -> memref<1x640x128xf32, #tpu.memory_space<hbm>>
      %dma_wait3A_137 = tpu.memref_squeeze %dma_wait3A_136 : memref<1x640x128xf32, #tpu.memory_space<hbm>> -> memref<640x128xf32, #tpu.memory_space<hbm>>
      %dma_wait3A_138 = arith.constant 0 : i32
      %dma_wait3A_139 = tpu.memref_slice %arg11[%mul3A_0, %dma_wait3A_138] : memref<10240x128xf32, #tpu.memory_space<vmem_shared>> -> memref<640x128xf32, #tpu.memory_space<vmem_shared>>
      tpu.wait_dma2 semaphore(%run_scoped3A : memref<!tpu.dma_semaphore, #tpu.memory_space<semaphore_mem>>) src(%dma_wait3A_139 : memref<640x128xf32, #tpu.memory_space<vmem_shared>>) dst(%dma_wait3A_137 : memref<640x128xf32, #tpu.memory_space<hbm>>)
      tpu.yield
    }) : () -> ()
    %barrier3A_62 = arith.constant 0 : index
    tpu.barrier barrier_id(%barrier3A_62)
    %mul3A_63 = arith.constant 2 : i32
    %mul3A_64 = arith.muli %arg0, %mul3A_63 : i32
    %add3A_65 = arith.constant 1 : i32
    %add3A_66 = arith.addi %mul3A_64, %add3A_65 : i32
    "tpu.region"() ({
      %run_scoped3A = tpu.sem_alloc : memref<!tpu.dma_semaphore, #tpu.memory_space<semaphore_mem>>
      %dma_start3A_130 = arith.constant 0 : i32
      %dma_start3A_131 = tpu.memref_slice %arg11[%mul3A_0, %dma_start3A_130] : memref<10240x128xf32, #tpu.memory_space<vmem_shared>> -> memref<640x128xf32, #tpu.memory_space<vmem_shared>>
      %dma_start3A_132 = arith.constant 0 : i32
      %dma_start3A_133 = tpu.memref_slice %arg5[%mul3A_0, %dma_start3A_132] : memref<10240x128xf32, #tpu.memory_space<hbm>> -> memref<640x128xf32, #tpu.memory_space<hbm>>
      tpu.enqueue_dma source(%dma_start3A_133 : memref<640x128xf32, #tpu.memory_space<hbm>>) target(%dma_start3A_131 : memref<640x128xf32, #tpu.memory_space<vmem_shared>>) target_semaphore(%run_scoped3A : memref<!tpu.dma_semaphore, #tpu.memory_space<semaphore_mem>>)
      %dma_wait3A_134 = arith.constant 0 : i32
      %dma_wait3A_135 = tpu.memref_slice %arg11[%mul3A_0, %dma_wait3A_134] : memref<10240x128xf32, #tpu.memory_space<vmem_shared>> -> memref<640x128xf32, #tpu.memory_space<vmem_shared>>
      %dma_wait3A_136 = arith.constant 0 : i32
      %dma_wait3A_137 = tpu.memref_slice %arg5[%mul3A_0, %dma_wait3A_136] : memref<10240x128xf32, #tpu.memory_space<hbm>> -> memref<640x128xf32, #tpu.memory_space<hbm>>
      tpu.wait_dma2 semaphore(%run_scoped3A : memref<!tpu.dma_semaphore, #tpu.memory_space<semaphore_mem>>) src(%dma_wait3A_137 : memref<640x128xf32, #tpu.memory_space<hbm>>) dst(%dma_wait3A_135 : memref<640x128xf32, #tpu.memory_space<vmem_shared>>)
      tpu.yield
    }) : () -> ()
    %barrier3A_67 = arith.constant 0 : index
    tpu.barrier barrier_id(%barrier3A_67)
    %mul3A_68 = arith.constant 80 : i32
    %mul3A_69 = arith.muli %arg1, %mul3A_68 : i32
    %add3A_70 = arith.constant 0 : i32
    %add3A_71 = arith.addi %mul3A_69, %add3A_70 : i32
    "tpu.region"() ({
      %run_scoped3A = tpu.sem_alloc : memref<!tpu.dma_semaphore, #tpu.memory_space<semaphore_mem>>
      %dma_start3A_130 = arith.constant 0 : i32
      %dma_start3A_131 = tpu.memref_slice %arg3[%add3A_71, %dma_start3A_130] : memref<1288x128xi32, #tpu.memory_space<hbm>> -> memref<48x128xi32, #tpu.memory_space<hbm>>
      %dma_start3A_132 = arith.constant 0 : i32
      %dma_start3A_133 = tpu.memref_slice %arg3[%add3A_71, %dma_start3A_132] : memref<1288x128xi32, #tpu.memory_space<hbm>> -> memref<48x128xi32, #tpu.memory_space<hbm>>
      tpu.enqueue_dma source(%dma_start3A_133 : memref<48x128xi32, #tpu.memory_space<hbm>>) target(%arg7 : memref<48x128xi32, #tpu.memory_space<vmem>>) target_semaphore(%run_scoped3A : memref<!tpu.dma_semaphore, #tpu.memory_space<semaphore_mem>>)
      %dma_wait3A_134 = arith.constant 0 : i32
      %dma_wait3A_135 = tpu.memref_slice %arg3[%add3A_71, %dma_wait3A_134] : memref<1288x128xi32, #tpu.memory_space<hbm>> -> memref<48x128xi32, #tpu.memory_space<hbm>>
      %dma_wait3A_136 = arith.constant 0 : i32
      %dma_wait3A_137 = tpu.memref_slice %arg3[%add3A_71, %dma_wait3A_136] : memref<1288x128xi32, #tpu.memory_space<hbm>> -> memref<48x128xi32, #tpu.memory_space<hbm>>
      tpu.wait_dma2 semaphore(%run_scoped3A : memref<!tpu.dma_semaphore, #tpu.memory_space<semaphore_mem>>) src(%dma_wait3A_137 : memref<48x128xi32, #tpu.memory_space<hbm>>) dst(%arg7 : memref<48x128xi32, #tpu.memory_space<vmem>>)
      tpu.yield
    }) : () -> ()
    "tpu.region"() ({
      %run_scoped3A = tpu.sem_alloc : memref<!tpu.dma_semaphore, #tpu.memory_space<semaphore_mem>>
      %dma_start3A_130 = arith.constant 0 : i32
      %dma_start3A_131 = tpu.memref_slice %arg4[%add3A_71, %dma_start3A_130] : memref<1280x128xi32, #tpu.memory_space<hbm>> -> memref<40x128xi32, #tpu.memory_space<hbm>>
      %dma_start3A_132 = arith.constant 0 : i32
      %dma_start3A_133 = tpu.memref_slice %arg4[%add3A_71, %dma_start3A_132] : memref<1280x128xi32, #tpu.memory_space<hbm>> -> memref<40x128xi32, #tpu.memory_space<hbm>>
      tpu.enqueue_dma source(%dma_start3A_133 : memref<40x128xi32, #tpu.memory_space<hbm>>) target(%arg8 : memref<40x128xi32, #tpu.memory_space<vmem>>) target_semaphore(%run_scoped3A : memref<!tpu.dma_semaphore, #tpu.memory_space<semaphore_mem>>)
      %dma_wait3A_134 = arith.constant 0 : i32
      %dma_wait3A_135 = tpu.memref_slice %arg4[%add3A_71, %dma_wait3A_134] : memref<1280x128xi32, #tpu.memory_space<hbm>> -> memref<40x128xi32, #tpu.memory_space<hbm>>
      %dma_wait3A_136 = arith.constant 0 : i32
      %dma_wait3A_137 = tpu.memref_slice %arg4[%add3A_71, %dma_wait3A_136] : memref<1280x128xi32, #tpu.memory_space<hbm>> -> memref<40x128xi32, #tpu.memory_space<hbm>>
      tpu.wait_dma2 semaphore(%run_scoped3A : memref<!tpu.dma_semaphore, #tpu.memory_space<semaphore_mem>>) src(%dma_wait3A_137 : memref<40x128xi32, #tpu.memory_space<hbm>>) dst(%arg8 : memref<40x128xi32, #tpu.memory_space<vmem>>)
      tpu.yield
    }) : () -> ()
    %scan3A_72 = arith.constant 0 : i32
    %scan3A_73 = arith.constant 0 : i32
    %scan3A_74 = arith.constant 48 : i32
    %scan3A_75 = arith.addi %scan3A_73, %scan3A_74 : i32
    %scan3A_76 = arith.constant 1 : i32
    scf.for %scan3A_130 = %scan3A_73 to %scan3A_75 step %scan3A_76  : i32 {
      %get3A = arith.index_cast %scan3A_130 : i32 to index
      %get3A_131 = arith.constant 0 : index
      %get3A_132 = tpu.vector_load %arg7[%get3A, %get3A_131] {strides = array<i32>} : memref<48x128xi32, #tpu.memory_space<vmem>>, vector<1x16xi32>,
      %get3A_133 = vector.shape_cast %get3A_132 : vector<1x16xi32> to vector<16xi32>
      %mul3A_134 = arith.constant 4 : i32
      %mul3A_135 = vector.broadcast %mul3A_134 : i32 to vector<16xi32>
      %mul3A_136 = arith.muli %get3A_133, %mul3A_135 : vector<16xi32>
      %add3A_137 = vector.broadcast %add3A_66 : i32 to vector<16xi32>
      %add3A_138 = arith.addi %mul3A_136, %add3A_137 : vector<16xi32>
      %swap3A = arith.index_cast %scan3A_130 : i32 to index
      %swap3A_139 = arith.constant 0 : index
      %swap3A_140 = tpu.vector_load %arg7[%swap3A, %swap3A_139] {strides = array<i32>} : memref<48x128xi32, #tpu.memory_space<vmem>>, vector<1x16xi32>,
      %swap3A_141 = vector.shape_cast %swap3A_140 : vector<1x16xi32> to vector<16xi32>
      %swap3A_142 = vector.shape_cast %add3A_138 : vector<16xi32> to vector<1x16xi32>
      tpu.vector_store %arg7[%swap3A, %swap3A_139], %swap3A_142 {strides = array<i32>} : memref<48x128xi32, #tpu.memory_space<vmem>>, vector<1x16xi32>,
      %get3A_143 = arith.index_cast %scan3A_130 : i32 to index
      %get3A_144 = arith.constant 16 : index
      %get3A_145 = tpu.vector_load %arg7[%get3A_143, %get3A_144] {strides = array<i32>} : memref<48x128xi32, #tpu.memory_space<vmem>>, vector<1x16xi32>,
      %get3A_146 = vector.shape_cast %get3A_145 : vector<1x16xi32> to vector<16xi32>
      %mul3A_147 = arith.constant 4 : i32
      %mul3A_148 = vector.broadcast %mul3A_147 : i32 to vector<16xi32>
      %mul3A_149 = arith.muli %get3A_146, %mul3A_148 : vector<16xi32>
      %add3A_150 = vector.broadcast %add3A_66 : i32 to vector<16xi32>
      %add3A_151 = arith.addi %mul3A_149, %add3A_150 : vector<16xi32>
      %swap3A_152 = arith.index_cast %scan3A_130 : i32 to index
      %swap3A_153 = arith.constant 16 : index
      %swap3A_154 = tpu.vector_load %arg7[%swap3A_152, %swap3A_153] {strides = array<i32>} : memref<48x128xi32, #tpu.memory_space<vmem>>, vector<1x16xi32>,
      %swap3A_155 = vector.shape_cast %swap3A_154 : vector<1x16xi32> to vector<16xi32>
      %swap3A_156 = vector.shape_cast %add3A_151 : vector<16xi32> to vector<1x16xi32>
      tpu.vector_store %arg7[%swap3A_152, %swap3A_153], %swap3A_156 {strides = array<i32>} : memref<48x128xi32, #tpu.memory_space<vmem>>, vector<1x16xi32>,
      %get3A_157 = arith.index_cast %scan3A_130 : i32 to index
      %get3A_158 = arith.constant 32 : index
      %get3A_159 = tpu.vector_load %arg7[%get3A_157, %get3A_158] {strides = array<i32>} : memref<48x128xi32, #tpu.memory_space<vmem>>, vector<1x16xi32>,
      %get3A_160 = vector.shape_cast %get3A_159 : vector<1x16xi32> to vector<16xi32>
      %mul3A_161 = arith.constant 4 : i32
      %mul3A_162 = vector.broadcast %mul3A_161 : i32 to vector<16xi32>
      %mul3A_163 = arith.muli %get3A_160, %mul3A_162 : vector<16xi32>
      %add3A_164 = vector.broadcast %add3A_66 : i32 to vector<16xi32>
      %add3A_165 = arith.addi %mul3A_163, %add3A_164 : vector<16xi32>
      %swap3A_166 = arith.index_cast %scan3A_130 : i32 to index
      %swap3A_167 = arith.constant 32 : index
      %swap3A_168 = tpu.vector_load %arg7[%swap3A_166, %swap3A_167] {strides = array<i32>} : memref<48x128xi32, #tpu.memory_space<vmem>>, vector<1x16xi32>,
      %swap3A_169 = vector.shape_cast %swap3A_168 : vector<1x16xi32> to vector<16xi32>
      %swap3A_170 = vector.shape_cast %add3A_165 : vector<16xi32> to vector<1x16xi32>
      tpu.vector_store %arg7[%swap3A_166, %swap3A_167], %swap3A_170 {strides = array<i32>} : memref<48x128xi32, #tpu.memory_space<vmem>>, vector<1x16xi32>,
      %get3A_171 = arith.index_cast %scan3A_130 : i32 to index
      %get3A_172 = arith.constant 48 : index
      %get3A_173 = tpu.vector_load %arg7[%get3A_171, %get3A_172] {strides = array<i32>} : memref<48x128xi32, #tpu.memory_space<vmem>>, vector<1x16xi32>,
      %get3A_174 = vector.shape_cast %get3A_173 : vector<1x16xi32> to vector<16xi32>
      %mul3A_175 = arith.constant 4 : i32
      %mul3A_176 = vector.broadcast %mul3A_175 : i32 to vector<16xi32>
      %mul3A_177 = arith.muli %get3A_174, %mul3A_176 : vector<16xi32>
      %add3A_178 = vector.broadcast %add3A_66 : i32 to vector<16xi32>
      %add3A_179 = arith.addi %mul3A_177, %add3A_178 : vector<16xi32>
      %swap3A_180 = arith.index_cast %scan3A_130 : i32 to index
      %swap3A_181 = arith.constant 48 : index
      %swap3A_182 = tpu.vector_load %arg7[%swap3A_180, %swap3A_181] {strides = array<i32>} : memref<48x128xi32, #tpu.memory_space<vmem>>, vector<1x16xi32>,
      %swap3A_183 = vector.shape_cast %swap3A_182 : vector<1x16xi32> to vector<16xi32>
      %swap3A_184 = vector.shape_cast %add3A_179 : vector<16xi32> to vector<1x16xi32>
      tpu.vector_store %arg7[%swap3A_180, %swap3A_181], %swap3A_184 {strides = array<i32>} : memref<48x128xi32, #tpu.memory_space<vmem>>, vector<1x16xi32>,
      %get3A_185 = arith.index_cast %scan3A_130 : i32 to index
      %get3A_186 = arith.constant 64 : index
      %get3A_187 = tpu.vector_load %arg7[%get3A_185, %get3A_186] {strides = array<i32>} : memref<48x128xi32, #tpu.memory_space<vmem>>, vector<1x16xi32>,
      %get3A_188 = vector.shape_cast %get3A_187 : vector<1x16xi32> to vector<16xi32>
      %mul3A_189 = arith.constant 4 : i32
      %mul3A_190 = vector.broadcast %mul3A_189 : i32 to vector<16xi32>
      %mul3A_191 = arith.muli %get3A_188, %mul3A_190 : vector<16xi32>
      %add3A_192 = vector.broadcast %add3A_66 : i32 to vector<16xi32>
      %add3A_193 = arith.addi %mul3A_191, %add3A_192 : vector<16xi32>
      %swap3A_194 = arith.index_cast %scan3A_130 : i32 to index
      %swap3A_195 = arith.constant 64 : index
      %swap3A_196 = tpu.vector_load %arg7[%swap3A_194, %swap3A_195] {strides = array<i32>} : memref<48x128xi32, #tpu.memory_space<vmem>>, vector<1x16xi32>,
      %swap3A_197 = vector.shape_cast %swap3A_196 : vector<1x16xi32> to vector<16xi32>
      %swap3A_198 = vector.shape_cast %add3A_193 : vector<16xi32> to vector<1x16xi32>
      tpu.vector_store %arg7[%swap3A_194, %swap3A_195], %swap3A_198 {strides = array<i32>} : memref<48x128xi32, #tpu.memory_space<vmem>>, vector<1x16xi32>,
      %get3A_199 = arith.index_cast %scan3A_130 : i32 to index
      %get3A_200 = arith.constant 80 : index
      %get3A_201 = tpu.vector_load %arg7[%get3A_199, %get3A_200] {strides = array<i32>} : memref<48x128xi32, #tpu.memory_space<vmem>>, vector<1x16xi32>,
      %get3A_202 = vector.shape_cast %get3A_201 : vector<1x16xi32> to vector<16xi32>
      %mul3A_203 = arith.constant 4 : i32
      %mul3A_204 = vector.broadcast %mul3A_203 : i32 to vector<16xi32>
      %mul3A_205 = arith.muli %get3A_202, %mul3A_204 : vector<16xi32>
      %add3A_206 = vector.broadcast %add3A_66 : i32 to vector<16xi32>
      %add3A_207 = arith.addi %mul3A_205, %add3A_206 : vector<16xi32>
      %swap3A_208 = arith.index_cast %scan3A_130 : i32 to index
      %swap3A_209 = arith.constant 80 : index
      %swap3A_210 = tpu.vector_load %arg7[%swap3A_208, %swap3A_209] {strides = array<i32>} : memref<48x128xi32, #tpu.memory_space<vmem>>, vector<1x16xi32>,
      %swap3A_211 = vector.shape_cast %swap3A_210 : vector<1x16xi32> to vector<16xi32>
      %swap3A_212 = vector.shape_cast %add3A_207 : vector<16xi32> to vector<1x16xi32>
      tpu.vector_store %arg7[%swap3A_208, %swap3A_209], %swap3A_212 {strides = array<i32>} : memref<48x128xi32, #tpu.memory_space<vmem>>, vector<1x16xi32>,
      %get3A_213 = arith.index_cast %scan3A_130 : i32 to index
      %get3A_214 = arith.constant 96 : index
      %get3A_215 = tpu.vector_load %arg7[%get3A_213, %get3A_214] {strides = array<i32>} : memref<48x128xi32, #tpu.memory_space<vmem>>, vector<1x16xi32>,
      %get3A_216 = vector.shape_cast %get3A_215 : vector<1x16xi32> to vector<16xi32>
      %mul3A_217 = arith.constant 4 : i32
      %mul3A_218 = vector.broadcast %mul3A_217 : i32 to vector<16xi32>
      %mul3A_219 = arith.muli %get3A_216, %mul3A_218 : vector<16xi32>
      %add3A_220 = vector.broadcast %add3A_66 : i32 to vector<16xi32>
      %add3A_221 = arith.addi %mul3A_219, %add3A_220 : vector<16xi32>
      %swap3A_222 = arith.index_cast %scan3A_130 : i32 to index
      %swap3A_223 = arith.constant 96 : index
      %swap3A_224 = tpu.vector_load %arg7[%swap3A_222, %swap3A_223] {strides = array<i32>} : memref<48x128xi32, #tpu.memory_space<vmem>>, vector<1x16xi32>,
      %swap3A_225 = vector.shape_cast %swap3A_224 : vector<1x16xi32> to vector<16xi32>
      %swap3A_226 = vector.shape_cast %add3A_221 : vector<16xi32> to vector<1x16xi32>
      tpu.vector_store %arg7[%swap3A_222, %swap3A_223], %swap3A_226 {strides = array<i32>} : memref<48x128xi32, #tpu.memory_space<vmem>>, vector<1x16xi32>,
      %get3A_227 = arith.index_cast %scan3A_130 : i32 to index
      %get3A_228 = arith.constant 112 : index
      %get3A_229 = tpu.vector_load %arg7[%get3A_227, %get3A_228] {strides = array<i32>} : memref<48x128xi32, #tpu.memory_space<vmem>>, vector<1x16xi32>,
      %get3A_230 = vector.shape_cast %get3A_229 : vector<1x16xi32> to vector<16xi32>
      %mul3A_231 = arith.constant 4 : i32
      %mul3A_232 = vector.broadcast %mul3A_231 : i32 to vector<16xi32>
      %mul3A_233 = arith.muli %get3A_230, %mul3A_232 : vector<16xi32>
      %add3A_234 = vector.broadcast %add3A_66 : i32 to vector<16xi32>
      %add3A_235 = arith.addi %mul3A_233, %add3A_234 : vector<16xi32>
      %swap3A_236 = arith.index_cast %scan3A_130 : i32 to index
      %swap3A_237 = arith.constant 112 : index
      %swap3A_238 = tpu.vector_load %arg7[%swap3A_236, %swap3A_237] {strides = array<i32>} : memref<48x128xi32, #tpu.memory_space<vmem>>, vector<1x16xi32>,
      %swap3A_239 = vector.shape_cast %swap3A_238 : vector<1x16xi32> to vector<16xi32>
      %swap3A_240 = vector.shape_cast %add3A_235 : vector<16xi32> to vector<1x16xi32>
      tpu.vector_store %arg7[%swap3A_236, %swap3A_237], %swap3A_240 {strides = array<i32>} : memref<48x128xi32, #tpu.memory_space<vmem>>, vector<1x16xi32>,
    }
    %scan3A_77 = arith.constant 48 : i32
    %dma_start3A_78 = arith.constant 0 : i32
    %dma_start3A_79 = arith.constant 0 : i32
    %dma_start3A_80 = tpu.memref_slice %arg7[%dma_start3A_78, %dma_start3A_79] : memref<48x128xi32, #tpu.memory_space<vmem>> -> memref<1x128xi32, #tpu.memory_space<vmem>>
    %dma_start3A_81 = tpu.memref_squeeze %dma_start3A_80 : memref<1x128xi32, #tpu.memory_space<vmem>> -> memref<128xi32, #tpu.memory_space<vmem>>
    %dma_start3A_82 = arith.constant 0 : i32
    %dma_start3A_83 = arith.constant 0 : i32
    %dma_start3A_84 = tpu.memref_slice %arg2[%dma_start3A_82, %dma_start3A_83] : memref<40960x128xf32, #tpu.memory_space<hbm>> -> memref<40960x128xf32, #tpu.memory_space<hbm>>
    tpu.enqueue_indirect_dma source(%dma_start3A_84 : memref<40960x128xf32, #tpu.memory_space<hbm>>) target(%arg9 : memref<128x128xf32, #tpu.memory_space<vmem>>) offsets(%dma_start3A_81 : memref<128xi32, #tpu.memory_space<vmem>>) semaphore(%arg12 : memref<!tpu.dma_semaphore, #tpu.memory_space<semaphore_mem>>)
    %scan3A_85 = arith.constant 0 : i32
    %scan3A_86 = arith.constant 0 : i32
    %scan3A_87 = arith.constant 20 : i32
    %scan3A_88 = arith.addi %scan3A_86, %scan3A_87 : i32
    %scan3A_89 = arith.constant 1 : i32
    scf.for %scan3A_130 = %scan3A_86 to %scan3A_88 step %scan3A_89  : i32 {
      %mul3A_131 = arith.constant 2 : i32
      %mul3A_132 = arith.muli %mul3A_131, %scan3A_130 : i32
      %add3A_133 = arith.constant 1 : i32
      %add3A_134 = arith.addi %mul3A_132, %add3A_133 : i32
      %dma_start3A_135 = arith.constant 0 : i32
      %dma_start3A_136 = tpu.memref_slice %arg7[%add3A_134, %dma_start3A_135] : memref<48x128xi32, #tpu.memory_space<vmem>> -> memref<1x128xi32, #tpu.memory_space<vmem>>
      %dma_start3A_137 = tpu.memref_squeeze %dma_start3A_136 : memref<1x128xi32, #tpu.memory_space<vmem>> -> memref<128xi32, #tpu.memory_space<vmem>>
      %dma_start3A_138 = arith.constant 0 : i32
      %dma_start3A_139 = arith.constant 0 : i32
      %dma_start3A_140 = tpu.memref_slice %arg2[%dma_start3A_138, %dma_start3A_139] : memref<40960x128xf32, #tpu.memory_space<hbm>> -> memref<40960x128xf32, #tpu.memory_space<hbm>>
      tpu.enqueue_indirect_dma source(%dma_start3A_140 : memref<40960x128xf32, #tpu.memory_space<hbm>>) target(%arg10 : memref<128x128xf32, #tpu.memory_space<vmem>>) offsets(%dma_start3A_137 : memref<128xi32, #tpu.memory_space<vmem>>) semaphore(%arg13 : memref<!tpu.dma_semaphore, #tpu.memory_space<semaphore_mem>>)
      %dma_wait3A_141 = arith.constant 0 : i32
      %dma_wait3A_142 = tpu.memref_slice %arg7[%mul3A_132, %dma_wait3A_141] : memref<48x128xi32, #tpu.memory_space<vmem>> -> memref<1x128xi32, #tpu.memory_space<vmem>>
      %dma_wait3A_143 = tpu.memref_squeeze %dma_wait3A_142 : memref<1x128xi32, #tpu.memory_space<vmem>> -> memref<128xi32, #tpu.memory_space<vmem>>
      %dma_wait3A_144 = arith.constant 0 : i32
      %dma_wait3A_145 = arith.constant 0 : i32
      %dma_wait3A_146 = tpu.memref_slice %arg2[%dma_wait3A_144, %dma_wait3A_145] : memref<40960x128xf32, #tpu.memory_space<hbm>> -> memref<40960x128xf32, #tpu.memory_space<hbm>>
      tpu.wait_indirect_dma semaphore(%arg12 : memref<!tpu.dma_semaphore, #tpu.memory_space<semaphore_mem>>) src(%dma_wait3A_146 : memref<40960x128xf32, #tpu.memory_space<hbm>>) dst(%arg9 : memref<128x128xf32, #tpu.memory_space<vmem>>)
      "tpu.region"() ({
        %run_scoped3A = tpu.sem_alloc : memref<!tpu.dma_semaphore, #tpu.memory_space<semaphore_mem>>
        %dma_start3A_165 = arith.constant 0 : i32
        %dma_start3A_166 = tpu.memref_slice %arg8[%mul3A_132, %dma_start3A_165] : memref<40x128xi32, #tpu.memory_space<vmem>> -> memref<1x128xi32, #tpu.memory_space<vmem>>
        %dma_start3A_167 = tpu.memref_squeeze %dma_start3A_166 : memref<1x128xi32, #tpu.memory_space<vmem>> -> memref<128xi32, #tpu.memory_space<vmem>>
        %dma_start3A_168 = arith.constant 0 : i32
        %dma_start3A_169 = arith.constant 0 : i32
        %dma_start3A_170 = tpu.memref_slice %arg11[%dma_start3A_168, %dma_start3A_169] : memref<10240x128xf32, #tpu.memory_space<vmem_shared>> -> memref<10240x128xf32, #tpu.memory_space<vmem_shared>>
        tpu.enqueue_indirect_dma source(%arg9 : memref<128x128xf32, #tpu.memory_space<vmem>>) target(%dma_start3A_170 : memref<10240x128xf32, #tpu.memory_space<vmem_shared>>) offsets(%dma_start3A_167 : memref<128xi32, #tpu.memory_space<vmem>>) semaphore(%run_scoped3A : memref<!tpu.dma_semaphore, #tpu.memory_space<semaphore_mem>>) {add = true}
        %dma_wait3A_171 = arith.constant 0 : i32
        %dma_wait3A_172 = tpu.memref_slice %arg8[%mul3A_132, %dma_wait3A_171] : memref<40x128xi32, #tpu.memory_space<vmem>> -> memref<1x128xi32, #tpu.memory_space<vmem>>
        %dma_wait3A_173 = tpu.memref_squeeze %dma_wait3A_172 : memref<1x128xi32, #tpu.memory_space<vmem>> -> memref<128xi32, #tpu.memory_space<vmem>>
        %dma_wait3A_174 = arith.constant 0 : i32
        %dma_wait3A_175 = arith.constant 0 : i32
        %dma_wait3A_176 = tpu.memref_slice %arg11[%dma_wait3A_174, %dma_wait3A_175] : memref<10240x128xf32, #tpu.memory_space<vmem_shared>> -> memref<10240x128xf32, #tpu.memory_space<vmem_shared>>
        tpu.wait_indirect_dma semaphore(%run_scoped3A : memref<!tpu.dma_semaphore, #tpu.memory_space<semaphore_mem>>) src(%arg9 : memref<128x128xf32, #tpu.memory_space<vmem>>) dst(%dma_wait3A_176 : memref<10240x128xf32, #tpu.memory_space<vmem_shared>>)
        tpu.yield
      }) : () -> ()
      %add3A_147 = arith.constant 2 : i32
      %add3A_148 = arith.addi %mul3A_132, %add3A_147 : i32
      %dma_start3A_149 = arith.constant 0 : i32
      %dma_start3A_150 = tpu.memref_slice %arg7[%add3A_148, %dma_start3A_149] : memref<48x128xi32, #tpu.memory_space<vmem>> -> memref<1x128xi32, #tpu.memory_space<vmem>>
      %dma_start3A_151 = tpu.memref_squeeze %dma_start3A_150 : memref<1x128xi32, #tpu.memory_space<vmem>> -> memref<128xi32, #tpu.memory_space<vmem>>
      %dma_start3A_152 = arith.constant 0 : i32
      %dma_start3A_153 = arith.constant 0 : i32
      %dma_start3A_154 = tpu.memref_slice %arg2[%dma_start3A_152, %dma_start3A_153] : memref<40960x128xf32, #tpu.memory_space<hbm>> -> memref<40960x128xf32, #tpu.memory_space<hbm>>
      tpu.enqueue_indirect_dma source(%dma_start3A_154 : memref<40960x128xf32, #tpu.memory_space<hbm>>) target(%arg9 : memref<128x128xf32, #tpu.memory_space<vmem>>) offsets(%dma_start3A_151 : memref<128xi32, #tpu.memory_space<vmem>>) semaphore(%arg12 : memref<!tpu.dma_semaphore, #tpu.memory_space<semaphore_mem>>)
      %add3A_155 = arith.constant 1 : i32
      %add3A_156 = arith.addi %mul3A_132, %add3A_155 : i32
      %dma_wait3A_157 = arith.constant 0 : i32
      %dma_wait3A_158 = tpu.memref_slice %arg7[%add3A_156, %dma_wait3A_157] : memref<48x128xi32, #tpu.memory_space<vmem>> -> memref<1x128xi32, #tpu.memory_space<vmem>>
      %dma_wait3A_159 = tpu.memref_squeeze %dma_wait3A_158 : memref<1x128xi32, #tpu.memory_space<vmem>> -> memref<128xi32, #tpu.memory_space<vmem>>
      %dma_wait3A_160 = arith.constant 0 : i32
      %dma_wait3A_161 = arith.constant 0 : i32
      %dma_wait3A_162 = tpu.memref_slice %arg2[%dma_wait3A_160, %dma_wait3A_161] : memref<40960x128xf32, #tpu.memory_space<hbm>> -> memref<40960x128xf32, #tpu.memory_space<hbm>>
      tpu.wait_indirect_dma semaphore(%arg13 : memref<!tpu.dma_semaphore, #tpu.memory_space<semaphore_mem>>) src(%dma_wait3A_162 : memref<40960x128xf32, #tpu.memory_space<hbm>>) dst(%arg10 : memref<128x128xf32, #tpu.memory_space<vmem>>)
      %add3A_163 = arith.constant 1 : i32
      %add3A_164 = arith.addi %mul3A_132, %add3A_163 : i32
      "tpu.region"() ({
        %run_scoped3A = tpu.sem_alloc : memref<!tpu.dma_semaphore, #tpu.memory_space<semaphore_mem>>
        %dma_start3A_165 = arith.constant 0 : i32
        %dma_start3A_166 = tpu.memref_slice %arg8[%add3A_164, %dma_start3A_165] : memref<40x128xi32, #tpu.memory_space<vmem>> -> memref<1x128xi32, #tpu.memory_space<vmem>>
        %dma_start3A_167 = tpu.memref_squeeze %dma_start3A_166 : memref<1x128xi32, #tpu.memory_space<vmem>> -> memref<128xi32, #tpu.memory_space<vmem>>
        %dma_start3A_168 = arith.constant 0 : i32
        %dma_start3A_169 = arith.constant 0 : i32
        %dma_start3A_170 = tpu.memref_slice %arg11[%dma_start3A_168, %dma_start3A_169] : memref<10240x128xf32, #tpu.memory_space<vmem_shared>> -> memref<10240x128xf32, #tpu.memory_space<vmem_shared>>
        tpu.enqueue_indirect_dma source(%arg10 : memref<128x128xf32, #tpu.memory_space<vmem>>) target(%dma_start3A_170 : memref<10240x128xf32, #tpu.memory_space<vmem_shared>>) offsets(%dma_start3A_167 : memref<128xi32, #tpu.memory_space<vmem>>) semaphore(%run_scoped3A : memref<!tpu.dma_semaphore, #tpu.memory_space<semaphore_mem>>) {add = true}
        %dma_wait3A_171 = arith.constant 0 : i32
        %dma_wait3A_172 = tpu.memref_slice %arg8[%add3A_164, %dma_wait3A_171] : memref<40x128xi32, #tpu.memory_space<vmem>> -> memref<1x128xi32, #tpu.memory_space<vmem>>
        %dma_wait3A_173 = tpu.memref_squeeze %dma_wait3A_172 : memref<1x128xi32, #tpu.memory_space<vmem>> -> memref<128xi32, #tpu.memory_space<vmem>>
        %dma_wait3A_174 = arith.constant 0 : i32
        %dma_wait3A_175 = arith.constant 0 : i32
        %dma_wait3A_176 = tpu.memref_slice %arg11[%dma_wait3A_174, %dma_wait3A_175] : memref<10240x128xf32, #tpu.memory_space<vmem_shared>> -> memref<10240x128xf32, #tpu.memory_space<vmem_shared>>
        tpu.wait_indirect_dma semaphore(%run_scoped3A : memref<!tpu.dma_semaphore, #tpu.memory_space<semaphore_mem>>) src(%arg10 : memref<128x128xf32, #tpu.memory_space<vmem>>) dst(%dma_wait3A_176 : memref<10240x128xf32, #tpu.memory_space<vmem_shared>>)
        tpu.yield
      }) : () -> ()
    }
    %scan3A_90 = arith.constant 20 : i32
    %dma_wait3A_91 = arith.constant 0 : i32
    %dma_wait3A_92 = arith.constant 0 : i32
    %dma_wait3A_93 = tpu.memref_slice %arg7[%dma_wait3A_91, %dma_wait3A_92] : memref<48x128xi32, #tpu.memory_space<vmem>> -> memref<1x128xi32, #tpu.memory_space<vmem>>
    %dma_wait3A_94 = tpu.memref_squeeze %dma_wait3A_93 : memref<1x128xi32, #tpu.memory_space<vmem>> -> memref<128xi32, #tpu.memory_space<vmem>>
    %dma_wait3A_95 = arith.constant 0 : i32
    %dma_wait3A_96 = arith.constant 0 : i32
    %dma_wait3A_97 = tpu.memref_slice %arg2[%dma_wait3A_95, %dma_wait3A_96] : memref<40960x128xf32, #tpu.memory_space<hbm>> -> memref<40960x128xf32, #tpu.memory_space<hbm>>
    tpu.wait_indirect_dma semaphore(%arg12 : memref<!tpu.dma_semaphore, #tpu.memory_space<semaphore_mem>>) src(%dma_wait3A_97 : memref<40960x128xf32, #tpu.memory_space<hbm>>) dst(%arg9 : memref<128x128xf32, #tpu.memory_space<vmem>>)
    %mul3A_98 = arith.constant 80 : i32
    %mul3A_99 = arith.muli %arg1, %mul3A_98 : i32
    %add3A_100 = arith.constant 40 : i32
    %add3A_101 = arith.addi %mul3A_99, %add3A_100 : i32
    "tpu.region"() ({
      %run_scoped3A = tpu.sem_alloc : memref<!tpu.dma_semaphore, #tpu.memory_space<semaphore_mem>>
      %dma_start3A_130 = arith.constant 0 : i32
      %dma_start3A_131 = tpu.memref_slice %arg3[%add3A_101, %dma_start3A_130] : memref<1288x128xi32, #tpu.memory_space<hbm>> -> memref<48x128xi32, #tpu.memory_space<hbm>>
      %dma_start3A_132 = arith.constant 0 : i32
      %dma_start3A_133 = tpu.memref_slice %arg3[%add3A_101, %dma_start3A_132] : memref<1288x128xi32, #tpu.memory_space<hbm>> -> memref<48x128xi32, #tpu.memory_space<hbm>>
      tpu.enqueue_dma source(%dma_start3A_133 : memref<48x128xi32, #tpu.memory_space<hbm>>) target(%arg7 : memref<48x128xi32, #tpu.memory_space<vmem>>) target_semaphore(%run_scoped3A : memref<!tpu.dma_semaphore, #tpu.memory_space<semaphore_mem>>)
      %dma_wait3A_134 = arith.constant 0 : i32
      %dma_wait3A_135 = tpu.memref_slice %arg3[%add3A_101, %dma_wait3A_134] : memref<1288x128xi32, #tpu.memory_space<hbm>> -> memref<48x128xi32, #tpu.memory_space<hbm>>
      %dma_wait3A_136 = arith.constant 0 : i32
      %dma_wait3A_137 = tpu.memref_slice %arg3[%add3A_101, %dma_wait3A_136] : memref<1288x128xi32, #tpu.memory_space<hbm>> -> memref<48x128xi32, #tpu.memory_space<hbm>>
      tpu.wait_dma2 semaphore(%run_scoped3A : memref<!tpu.dma_semaphore, #tpu.memory_space<semaphore_mem>>) src(%dma_wait3A_137 : memref<48x128xi32, #tpu.memory_space<hbm>>) dst(%arg7 : memref<48x128xi32, #tpu.memory_space<vmem>>)
      tpu.yield
    }) : () -> ()
    "tpu.region"() ({
      %run_scoped3A = tpu.sem_alloc : memref<!tpu.dma_semaphore, #tpu.memory_space<semaphore_mem>>
      %dma_start3A_130 = arith.constant 0 : i32
      %dma_start3A_131 = tpu.memref_slice %arg4[%add3A_101, %dma_start3A_130] : memref<1280x128xi32, #tpu.memory_space<hbm>> -> memref<40x128xi32, #tpu.memory_space<hbm>>
      %dma_start3A_132 = arith.constant 0 : i32
      %dma_start3A_133 = tpu.memref_slice %arg4[%add3A_101, %dma_start3A_132] : memref<1280x128xi32, #tpu.memory_space<hbm>> -> memref<40x128xi32, #tpu.memory_space<hbm>>
      tpu.enqueue_dma source(%dma_start3A_133 : memref<40x128xi32, #tpu.memory_space<hbm>>) target(%arg8 : memref<40x128xi32, #tpu.memory_space<vmem>>) target_semaphore(%run_scoped3A : memref<!tpu.dma_semaphore, #tpu.memory_space<semaphore_mem>>)
      %dma_wait3A_134 = arith.constant 0 : i32
      %dma_wait3A_135 = tpu.memref_slice %arg4[%add3A_101, %dma_wait3A_134] : memref<1280x128xi32, #tpu.memory_space<hbm>> -> memref<40x128xi32, #tpu.memory_space<hbm>>
      %dma_wait3A_136 = arith.constant 0 : i32
      %dma_wait3A_137 = tpu.memref_slice %arg4[%add3A_101, %dma_wait3A_136] : memref<1280x128xi32, #tpu.memory_space<hbm>> -> memref<40x128xi32, #tpu.memory_space<hbm>>
      tpu.wait_dma2 semaphore(%run_scoped3A : memref<!tpu.dma_semaphore, #tpu.memory_space<semaphore_mem>>) src(%dma_wait3A_137 : memref<40x128xi32, #tpu.memory_space<hbm>>) dst(%arg8 : memref<40x128xi32, #tpu.memory_space<vmem>>)
      tpu.yield
    }) : () -> ()
    %scan3A_102 = arith.constant 0 : i32
    %scan3A_103 = arith.constant 0 : i32
    %scan3A_104 = arith.constant 48 : i32
    %scan3A_105 = arith.addi %scan3A_103, %scan3A_104 : i32
    %scan3A_106 = arith.constant 1 : i32
    scf.for %scan3A_130 = %scan3A_103 to %scan3A_105 step %scan3A_106  : i32 {
      %get3A = arith.index_cast %scan3A_130 : i32 to index
      %get3A_131 = arith.constant 0 : index
      %get3A_132 = tpu.vector_load %arg7[%get3A, %get3A_131] {strides = array<i32>} : memref<48x128xi32, #tpu.memory_space<vmem>>, vector<1x16xi32>,
      %get3A_133 = vector.shape_cast %get3A_132 : vector<1x16xi32> to vector<16xi32>
      %mul3A_134 = arith.constant 4 : i32
      %mul3A_135 = vector.broadcast %mul3A_134 : i32 to vector<16xi32>
      %mul3A_136 = arith.muli %get3A_133, %mul3A_135 : vector<16xi32>
      %add3A_137 = vector.broadcast %add3A_66 : i32 to vector<16xi32>
      %add3A_138 = arith.addi %mul3A_136, %add3A_137 : vector<16xi32>
      %swap3A = arith.index_cast %scan3A_130 : i32 to index
      %swap3A_139 = arith.constant 0 : index
      %swap3A_140 = tpu.vector_load %arg7[%swap3A, %swap3A_139] {strides = array<i32>} : memref<48x128xi32, #tpu.memory_space<vmem>>, vector<1x16xi32>,
      %swap3A_141 = vector.shape_cast %swap3A_140 : vector<1x16xi32> to vector<16xi32>
      %swap3A_142 = vector.shape_cast %add3A_138 : vector<16xi32> to vector<1x16xi32>
      tpu.vector_store %arg7[%swap3A, %swap3A_139], %swap3A_142 {strides = array<i32>} : memref<48x128xi32, #tpu.memory_space<vmem>>, vector<1x16xi32>,
      %get3A_143 = arith.index_cast %scan3A_130 : i32 to index
      %get3A_144 = arith.constant 16 : index
      %get3A_145 = tpu.vector_load %arg7[%get3A_143, %get3A_144] {strides = array<i32>} : memref<48x128xi32, #tpu.memory_space<vmem>>, vector<1x16xi32>,
      %get3A_146 = vector.shape_cast %get3A_145 : vector<1x16xi32> to vector<16xi32>
      %mul3A_147 = arith.constant 4 : i32
      %mul3A_148 = vector.broadcast %mul3A_147 : i32 to vector<16xi32>
      %mul3A_149 = arith.muli %get3A_146, %mul3A_148 : vector<16xi32>
      %add3A_150 = vector.broadcast %add3A_66 : i32 to vector<16xi32>
      %add3A_151 = arith.addi %mul3A_149, %add3A_150 : vector<16xi32>
      %swap3A_152 = arith.index_cast %scan3A_130 : i32 to index
      %swap3A_153 = arith.constant 16 : index
      %swap3A_154 = tpu.vector_load %arg7[%swap3A_152, %swap3A_153] {strides = array<i32>} : memref<48x128xi32, #tpu.memory_space<vmem>>, vector<1x16xi32>,
      %swap3A_155 = vector.shape_cast %swap3A_154 : vector<1x16xi32> to vector<16xi32>
      %swap3A_156 = vector.shape_cast %add3A_151 : vector<16xi32> to vector<1x16xi32>
      tpu.vector_store %arg7[%swap3A_152, %swap3A_153], %swap3A_156 {strides = array<i32>} : memref<48x128xi32, #tpu.memory_space<vmem>>, vector<1x16xi32>,
      %get3A_157 = arith.index_cast %scan3A_130 : i32 to index
      %get3A_158 = arith.constant 32 : index
      %get3A_159 = tpu.vector_load %arg7[%get3A_157, %get3A_158] {strides = array<i32>} : memref<48x128xi32, #tpu.memory_space<vmem>>, vector<1x16xi32>,
      %get3A_160 = vector.shape_cast %get3A_159 : vector<1x16xi32> to vector<16xi32>
      %mul3A_161 = arith.constant 4 : i32
      %mul3A_162 = vector.broadcast %mul3A_161 : i32 to vector<16xi32>
      %mul3A_163 = arith.muli %get3A_160, %mul3A_162 : vector<16xi32>
      %add3A_164 = vector.broadcast %add3A_66 : i32 to vector<16xi32>
      %add3A_165 = arith.addi %mul3A_163, %add3A_164 : vector<16xi32>
      %swap3A_166 = arith.index_cast %scan3A_130 : i32 to index
      %swap3A_167 = arith.constant 32 : index
      %swap3A_168 = tpu.vector_load %arg7[%swap3A_166, %swap3A_167] {strides = array<i32>} : memref<48x128xi32, #tpu.memory_space<vmem>>, vector<1x16xi32>,
      %swap3A_169 = vector.shape_cast %swap3A_168 : vector<1x16xi32> to vector<16xi32>
      %swap3A_170 = vector.shape_cast %add3A_165 : vector<16xi32> to vector<1x16xi32>
      tpu.vector_store %arg7[%swap3A_166, %swap3A_167], %swap3A_170 {strides = array<i32>} : memref<48x128xi32, #tpu.memory_space<vmem>>, vector<1x16xi32>,
      %get3A_171 = arith.index_cast %scan3A_130 : i32 to index
      %get3A_172 = arith.constant 48 : index
      %get3A_173 = tpu.vector_load %arg7[%get3A_171, %get3A_172] {strides = array<i32>} : memref<48x128xi32, #tpu.memory_space<vmem>>, vector<1x16xi32>,
      %get3A_174 = vector.shape_cast %get3A_173 : vector<1x16xi32> to vector<16xi32>
      %mul3A_175 = arith.constant 4 : i32
      %mul3A_176 = vector.broadcast %mul3A_175 : i32 to vector<16xi32>
      %mul3A_177 = arith.muli %get3A_174, %mul3A_176 : vector<16xi32>
      %add3A_178 = vector.broadcast %add3A_66 : i32 to vector<16xi32>
      %add3A_179 = arith.addi %mul3A_177, %add3A_178 : vector<16xi32>
      %swap3A_180 = arith.index_cast %scan3A_130 : i32 to index
      %swap3A_181 = arith.constant 48 : index
      %swap3A_182 = tpu.vector_load %arg7[%swap3A_180, %swap3A_181] {strides = array<i32>} : memref<48x128xi32, #tpu.memory_space<vmem>>, vector<1x16xi32>,
      %swap3A_183 = vector.shape_cast %swap3A_182 : vector<1x16xi32> to vector<16xi32>
      %swap3A_184 = vector.shape_cast %add3A_179 : vector<16xi32> to vector<1x16xi32>
      tpu.vector_store %arg7[%swap3A_180, %swap3A_181], %swap3A_184 {strides = array<i32>} : memref<48x128xi32, #tpu.memory_space<vmem>>, vector<1x16xi32>,
      %get3A_185 = arith.index_cast %scan3A_130 : i32 to index
      %get3A_186 = arith.constant 64 : index
      %get3A_187 = tpu.vector_load %arg7[%get3A_185, %get3A_186] {strides = array<i32>} : memref<48x128xi32, #tpu.memory_space<vmem>>, vector<1x16xi32>,
      %get3A_188 = vector.shape_cast %get3A_187 : vector<1x16xi32> to vector<16xi32>
      %mul3A_189 = arith.constant 4 : i32
      %mul3A_190 = vector.broadcast %mul3A_189 : i32 to vector<16xi32>
      %mul3A_191 = arith.muli %get3A_188, %mul3A_190 : vector<16xi32>
      %add3A_192 = vector.broadcast %add3A_66 : i32 to vector<16xi32>
      %add3A_193 = arith.addi %mul3A_191, %add3A_192 : vector<16xi32>
      %swap3A_194 = arith.index_cast %scan3A_130 : i32 to index
      %swap3A_195 = arith.constant 64 : index
      %swap3A_196 = tpu.vector_load %arg7[%swap3A_194, %swap3A_195] {strides = array<i32>} : memref<48x128xi32, #tpu.memory_space<vmem>>, vector<1x16xi32>,
      %swap3A_197 = vector.shape_cast %swap3A_196 : vector<1x16xi32> to vector<16xi32>
      %swap3A_198 = vector.shape_cast %add3A_193 : vector<16xi32> to vector<1x16xi32>
      tpu.vector_store %arg7[%swap3A_194, %swap3A_195], %swap3A_198 {strides = array<i32>} : memref<48x128xi32, #tpu.memory_space<vmem>>, vector<1x16xi32>,
      %get3A_199 = arith.index_cast %scan3A_130 : i32 to index
      %get3A_200 = arith.constant 80 : index
      %get3A_201 = tpu.vector_load %arg7[%get3A_199, %get3A_200] {strides = array<i32>} : memref<48x128xi32, #tpu.memory_space<vmem>>, vector<1x16xi32>,
      %get3A_202 = vector.shape_cast %get3A_201 : vector<1x16xi32> to vector<16xi32>
      %mul3A_203 = arith.constant 4 : i32
      %mul3A_204 = vector.broadcast %mul3A_203 : i32 to vector<16xi32>
      %mul3A_205 = arith.muli %get3A_202, %mul3A_204 : vector<16xi32>
      %add3A_206 = vector.broadcast %add3A_66 : i32 to vector<16xi32>
      %add3A_207 = arith.addi %mul3A_205, %add3A_206 : vector<16xi32>
      %swap3A_208 = arith.index_cast %scan3A_130 : i32 to index
      %swap3A_209 = arith.constant 80 : index
      %swap3A_210 = tpu.vector_load %arg7[%swap3A_208, %swap3A_209] {strides = array<i32>} : memref<48x128xi32, #tpu.memory_space<vmem>>, vector<1x16xi32>,
      %swap3A_211 = vector.shape_cast %swap3A_210 : vector<1x16xi32> to vector<16xi32>
      %swap3A_212 = vector.shape_cast %add3A_207 : vector<16xi32> to vector<1x16xi32>
      tpu.vector_store %arg7[%swap3A_208, %swap3A_209], %swap3A_212 {strides = array<i32>} : memref<48x128xi32, #tpu.memory_space<vmem>>, vector<1x16xi32>,
      %get3A_213 = arith.index_cast %scan3A_130 : i32 to index
      %get3A_214 = arith.constant 96 : index
      %get3A_215 = tpu.vector_load %arg7[%get3A_213, %get3A_214] {strides = array<i32>} : memref<48x128xi32, #tpu.memory_space<vmem>>, vector<1x16xi32>,
      %get3A_216 = vector.shape_cast %get3A_215 : vector<1x16xi32> to vector<16xi32>
      %mul3A_217 = arith.constant 4 : i32
      %mul3A_218 = vector.broadcast %mul3A_217 : i32 to vector<16xi32>
      %mul3A_219 = arith.muli %get3A_216, %mul3A_218 : vector<16xi32>
      %add3A_220 = vector.broadcast %add3A_66 : i32 to vector<16xi32>
      %add3A_221 = arith.addi %mul3A_219, %add3A_220 : vector<16xi32>
      %swap3A_222 = arith.index_cast %scan3A_130 : i32 to index
      %swap3A_223 = arith.constant 96 : index
      %swap3A_224 = tpu.vector_load %arg7[%swap3A_222, %swap3A_223] {strides = array<i32>} : memref<48x128xi32, #tpu.memory_space<vmem>>, vector<1x16xi32>,
      %swap3A_225 = vector.shape_cast %swap3A_224 : vector<1x16xi32> to vector<16xi32>
      %swap3A_226 = vector.shape_cast %add3A_221 : vector<16xi32> to vector<1x16xi32>
      tpu.vector_store %arg7[%swap3A_222, %swap3A_223], %swap3A_226 {strides = array<i32>} : memref<48x128xi32, #tpu.memory_space<vmem>>, vector<1x16xi32>,
      %get3A_227 = arith.index_cast %scan3A_130 : i32 to index
      %get3A_228 = arith.constant 112 : index
      %get3A_229 = tpu.vector_load %arg7[%get3A_227, %get3A_228] {strides = array<i32>} : memref<48x128xi32, #tpu.memory_space<vmem>>, vector<1x16xi32>,
      %get3A_230 = vector.shape_cast %get3A_229 : vector<1x16xi32> to vector<16xi32>
      %mul3A_231 = arith.constant 4 : i32
      %mul3A_232 = vector.broadcast %mul3A_231 : i32 to vector<16xi32>
      %mul3A_233 = arith.muli %get3A_230, %mul3A_232 : vector<16xi32>
      %add3A_234 = vector.broadcast %add3A_66 : i32 to vector<16xi32>
      %add3A_235 = arith.addi %mul3A_233, %add3A_234 : vector<16xi32>
      %swap3A_236 = arith.index_cast %scan3A_130 : i32 to index
      %swap3A_237 = arith.constant 112 : index
      %swap3A_238 = tpu.vector_load %arg7[%swap3A_236, %swap3A_237] {strides = array<i32>} : memref<48x128xi32, #tpu.memory_space<vmem>>, vector<1x16xi32>,
      %swap3A_239 = vector.shape_cast %swap3A_238 : vector<1x16xi32> to vector<16xi32>
      %swap3A_240 = vector.shape_cast %add3A_235 : vector<16xi32> to vector<1x16xi32>
      tpu.vector_store %arg7[%swap3A_236, %swap3A_237], %swap3A_240 {strides = array<i32>} : memref<48x128xi32, #tpu.memory_space<vmem>>, vector<1x16xi32>,
    }
    %scan3A_107 = arith.constant 48 : i32
    %dma_start3A_108 = arith.constant 0 : i32
    %dma_start3A_109 = arith.constant 0 : i32
    %dma_start3A_110 = tpu.memref_slice %arg7[%dma_start3A_108, %dma_start3A_109] : memref<48x128xi32, #tpu.memory_space<vmem>> -> memref<1x128xi32, #tpu.memory_space<vmem>>
    %dma_start3A_111 = tpu.memref_squeeze %dma_start3A_110 : memref<1x128xi32, #tpu.memory_space<vmem>> -> memref<128xi32, #tpu.memory_space<vmem>>
    %dma_start3A_112 = arith.constant 0 : i32
    %dma_start3A_113 = arith.constant 0 : i32
    %dma_start3A_114 = tpu.memref_slice %arg2[%dma_start3A_112, %dma_start3A_113] : memref<40960x128xf32, #tpu.memory_space<hbm>> -> memref<40960x128xf32, #tpu.memory_space<hbm>>
    tpu.enqueue_indirect_dma source(%dma_start3A_114 : memref<40960x128xf32, #tpu.memory_space<hbm>>) target(%arg9 : memref<128x128xf32, #tpu.memory_space<vmem>>) offsets(%dma_start3A_111 : memref<128xi32, #tpu.memory_space<vmem>>) semaphore(%arg12 : memref<!tpu.dma_semaphore, #tpu.memory_space<semaphore_mem>>)
    %scan3A_115 = arith.constant 0 : i32
    %scan3A_116 = arith.constant 0 : i32
    %scan3A_117 = arith.constant 20 : i32
    %scan3A_118 = arith.addi %scan3A_116, %scan3A_117 : i32
    %scan3A_119 = arith.constant 1 : i32
    scf.for %scan3A_130 = %scan3A_116 to %scan3A_118 step %scan3A_119  : i32 {
      %mul3A_131 = arith.constant 2 : i32
      %mul3A_132 = arith.muli %mul3A_131, %scan3A_130 : i32
      %add3A_133 = arith.constant 1 : i32
      %add3A_134 = arith.addi %mul3A_132, %add3A_133 : i32
      %dma_start3A_135 = arith.constant 0 : i32
      %dma_start3A_136 = tpu.memref_slice %arg7[%add3A_134, %dma_start3A_135] : memref<48x128xi32, #tpu.memory_space<vmem>> -> memref<1x128xi32, #tpu.memory_space<vmem>>
      %dma_start3A_137 = tpu.memref_squeeze %dma_start3A_136 : memref<1x128xi32, #tpu.memory_space<vmem>> -> memref<128xi32, #tpu.memory_space<vmem>>
      %dma_start3A_138 = arith.constant 0 : i32
      %dma_start3A_139 = arith.constant 0 : i32
      %dma_start3A_140 = tpu.memref_slice %arg2[%dma_start3A_138, %dma_start3A_139] : memref<40960x128xf32, #tpu.memory_space<hbm>> -> memref<40960x128xf32, #tpu.memory_space<hbm>>
      tpu.enqueue_indirect_dma source(%dma_start3A_140 : memref<40960x128xf32, #tpu.memory_space<hbm>>) target(%arg10 : memref<128x128xf32, #tpu.memory_space<vmem>>) offsets(%dma_start3A_137 : memref<128xi32, #tpu.memory_space<vmem>>) semaphore(%arg13 : memref<!tpu.dma_semaphore, #tpu.memory_space<semaphore_mem>>)
      %dma_wait3A_141 = arith.constant 0 : i32
      %dma_wait3A_142 = tpu.memref_slice %arg7[%mul3A_132, %dma_wait3A_141] : memref<48x128xi32, #tpu.memory_space<vmem>> -> memref<1x128xi32, #tpu.memory_space<vmem>>
      %dma_wait3A_143 = tpu.memref_squeeze %dma_wait3A_142 : memref<1x128xi32, #tpu.memory_space<vmem>> -> memref<128xi32, #tpu.memory_space<vmem>>
      %dma_wait3A_144 = arith.constant 0 : i32
      %dma_wait3A_145 = arith.constant 0 : i32
      %dma_wait3A_146 = tpu.memref_slice %arg2[%dma_wait3A_144, %dma_wait3A_145] : memref<40960x128xf32, #tpu.memory_space<hbm>> -> memref<40960x128xf32, #tpu.memory_space<hbm>>
      tpu.wait_indirect_dma semaphore(%arg12 : memref<!tpu.dma_semaphore, #tpu.memory_space<semaphore_mem>>) src(%dma_wait3A_146 : memref<40960x128xf32, #tpu.memory_space<hbm>>) dst(%arg9 : memref<128x128xf32, #tpu.memory_space<vmem>>)
      "tpu.region"() ({
        %run_scoped3A = tpu.sem_alloc : memref<!tpu.dma_semaphore, #tpu.memory_space<semaphore_mem>>
        %dma_start3A_165 = arith.constant 0 : i32
        %dma_start3A_166 = tpu.memref_slice %arg8[%mul3A_132, %dma_start3A_165] : memref<40x128xi32, #tpu.memory_space<vmem>> -> memref<1x128xi32, #tpu.memory_space<vmem>>
        %dma_start3A_167 = tpu.memref_squeeze %dma_start3A_166 : memref<1x128xi32, #tpu.memory_space<vmem>> -> memref<128xi32, #tpu.memory_space<vmem>>
        %dma_start3A_168 = arith.constant 0 : i32
        %dma_start3A_169 = arith.constant 0 : i32
        %dma_start3A_170 = tpu.memref_slice %arg11[%dma_start3A_168, %dma_start3A_169] : memref<10240x128xf32, #tpu.memory_space<vmem_shared>> -> memref<10240x128xf32, #tpu.memory_space<vmem_shared>>
        tpu.enqueue_indirect_dma source(%arg9 : memref<128x128xf32, #tpu.memory_space<vmem>>) target(%dma_start3A_170 : memref<10240x128xf32, #tpu.memory_space<vmem_shared>>) offsets(%dma_start3A_167 : memref<128xi32, #tpu.memory_space<vmem>>) semaphore(%run_scoped3A : memref<!tpu.dma_semaphore, #tpu.memory_space<semaphore_mem>>) {add = true}
        %dma_wait3A_171 = arith.constant 0 : i32
        %dma_wait3A_172 = tpu.memref_slice %arg8[%mul3A_132, %dma_wait3A_171] : memref<40x128xi32, #tpu.memory_space<vmem>> -> memref<1x128xi32, #tpu.memory_space<vmem>>
        %dma_wait3A_173 = tpu.memref_squeeze %dma_wait3A_172 : memref<1x128xi32, #tpu.memory_space<vmem>> -> memref<128xi32, #tpu.memory_space<vmem>>
        %dma_wait3A_174 = arith.constant 0 : i32
        %dma_wait3A_175 = arith.constant 0 : i32
        %dma_wait3A_176 = tpu.memref_slice %arg11[%dma_wait3A_174, %dma_wait3A_175] : memref<10240x128xf32, #tpu.memory_space<vmem_shared>> -> memref<10240x128xf32, #tpu.memory_space<vmem_shared>>
        tpu.wait_indirect_dma semaphore(%run_scoped3A : memref<!tpu.dma_semaphore, #tpu.memory_space<semaphore_mem>>) src(%arg9 : memref<128x128xf32, #tpu.memory_space<vmem>>) dst(%dma_wait3A_176 : memref<10240x128xf32, #tpu.memory_space<vmem_shared>>)
        tpu.yield
      }) : () -> ()
      %add3A_147 = arith.constant 2 : i32
      %add3A_148 = arith.addi %mul3A_132, %add3A_147 : i32
      %dma_start3A_149 = arith.constant 0 : i32
      %dma_start3A_150 = tpu.memref_slice %arg7[%add3A_148, %dma_start3A_149] : memref<48x128xi32, #tpu.memory_space<vmem>> -> memref<1x128xi32, #tpu.memory_space<vmem>>
      %dma_start3A_151 = tpu.memref_squeeze %dma_start3A_150 : memref<1x128xi32, #tpu.memory_space<vmem>> -> memref<128xi32, #tpu.memory_space<vmem>>
      %dma_start3A_152 = arith.constant 0 : i32
      %dma_start3A_153 = arith.constant 0 : i32
      %dma_start3A_154 = tpu.memref_slice %arg2[%dma_start3A_152, %dma_start3A_153] : memref<40960x128xf32, #tpu.memory_space<hbm>> -> memref<40960x128xf32, #tpu.memory_space<hbm>>
      tpu.enqueue_indirect_dma source(%dma_start3A_154 : memref<40960x128xf32, #tpu.memory_space<hbm>>) target(%arg9 : memref<128x128xf32, #tpu.memory_space<vmem>>) offsets(%dma_start3A_151 : memref<128xi32, #tpu.memory_space<vmem>>) semaphore(%arg12 : memref<!tpu.dma_semaphore, #tpu.memory_space<semaphore_mem>>)
      %add3A_155 = arith.constant 1 : i32
      %add3A_156 = arith.addi %mul3A_132, %add3A_155 : i32
      %dma_wait3A_157 = arith.constant 0 : i32
      %dma_wait3A_158 = tpu.memref_slice %arg7[%add3A_156, %dma_wait3A_157] : memref<48x128xi32, #tpu.memory_space<vmem>> -> memref<1x128xi32, #tpu.memory_space<vmem>>
      %dma_wait3A_159 = tpu.memref_squeeze %dma_wait3A_158 : memref<1x128xi32, #tpu.memory_space<vmem>> -> memref<128xi32, #tpu.memory_space<vmem>>
      %dma_wait3A_160 = arith.constant 0 : i32
      %dma_wait3A_161 = arith.constant 0 : i32
      %dma_wait3A_162 = tpu.memref_slice %arg2[%dma_wait3A_160, %dma_wait3A_161] : memref<40960x128xf32, #tpu.memory_space<hbm>> -> memref<40960x128xf32, #tpu.memory_space<hbm>>
      tpu.wait_indirect_dma semaphore(%arg13 : memref<!tpu.dma_semaphore, #tpu.memory_space<semaphore_mem>>) src(%dma_wait3A_162 : memref<40960x128xf32, #tpu.memory_space<hbm>>) dst(%arg10 : memref<128x128xf32, #tpu.memory_space<vmem>>)
      %add3A_163 = arith.constant 1 : i32
      %add3A_164 = arith.addi %mul3A_132, %add3A_163 : i32
      "tpu.region"() ({
        %run_scoped3A = tpu.sem_alloc : memref<!tpu.dma_semaphore, #tpu.memory_space<semaphore_mem>>
        %dma_start3A_165 = arith.constant 0 : i32
        %dma_start3A_166 = tpu.memref_slice %arg8[%add3A_164, %dma_start3A_165] : memref<40x128xi32, #tpu.memory_space<vmem>> -> memref<1x128xi32, #tpu.memory_space<vmem>>
        %dma_start3A_167 = tpu.memref_squeeze %dma_start3A_166 : memref<1x128xi32, #tpu.memory_space<vmem>> -> memref<128xi32, #tpu.memory_space<vmem>>
        %dma_start3A_168 = arith.constant 0 : i32
        %dma_start3A_169 = arith.constant 0 : i32
        %dma_start3A_170 = tpu.memref_slice %arg11[%dma_start3A_168, %dma_start3A_169] : memref<10240x128xf32, #tpu.memory_space<vmem_shared>> -> memref<10240x128xf32, #tpu.memory_space<vmem_shared>>
        tpu.enqueue_indirect_dma source(%arg10 : memref<128x128xf32, #tpu.memory_space<vmem>>) target(%dma_start3A_170 : memref<10240x128xf32, #tpu.memory_space<vmem_shared>>) offsets(%dma_start3A_167 : memref<128xi32, #tpu.memory_space<vmem>>) semaphore(%run_scoped3A : memref<!tpu.dma_semaphore, #tpu.memory_space<semaphore_mem>>) {add = true}
        %dma_wait3A_171 = arith.constant 0 : i32
        %dma_wait3A_172 = tpu.memref_slice %arg8[%add3A_164, %dma_wait3A_171] : memref<40x128xi32, #tpu.memory_space<vmem>> -> memref<1x128xi32, #tpu.memory_space<vmem>>
        %dma_wait3A_173 = tpu.memref_squeeze %dma_wait3A_172 : memref<1x128xi32, #tpu.memory_space<vmem>> -> memref<128xi32, #tpu.memory_space<vmem>>
        %dma_wait3A_174 = arith.constant 0 : i32
        %dma_wait3A_175 = arith.constant 0 : i32
        %dma_wait3A_176 = tpu.memref_slice %arg11[%dma_wait3A_174, %dma_wait3A_175] : memref<10240x128xf32, #tpu.memory_space<vmem_shared>> -> memref<10240x128xf32, #tpu.memory_space<vmem_shared>>
        tpu.wait_indirect_dma semaphore(%run_scoped3A : memref<!tpu.dma_semaphore, #tpu.memory_space<semaphore_mem>>) src(%arg10 : memref<128x128xf32, #tpu.memory_space<vmem>>) dst(%dma_wait3A_176 : memref<10240x128xf32, #tpu.memory_space<vmem_shared>>)
        tpu.yield
      }) : () -> ()
    }
    %scan3A_120 = arith.constant 20 : i32
    %dma_wait3A_121 = arith.constant 0 : i32
    %dma_wait3A_122 = arith.constant 0 : i32
    %dma_wait3A_123 = tpu.memref_slice %arg7[%dma_wait3A_121, %dma_wait3A_122] : memref<48x128xi32, #tpu.memory_space<vmem>> -> memref<1x128xi32, #tpu.memory_space<vmem>>
    %dma_wait3A_124 = tpu.memref_squeeze %dma_wait3A_123 : memref<1x128xi32, #tpu.memory_space<vmem>> -> memref<128xi32, #tpu.memory_space<vmem>>
    %dma_wait3A_125 = arith.constant 0 : i32
    %dma_wait3A_126 = arith.constant 0 : i32
    %dma_wait3A_127 = tpu.memref_slice %arg2[%dma_wait3A_125, %dma_wait3A_126] : memref<40960x128xf32, #tpu.memory_space<hbm>> -> memref<40960x128xf32, #tpu.memory_space<hbm>>
    tpu.wait_indirect_dma semaphore(%arg12 : memref<!tpu.dma_semaphore, #tpu.memory_space<semaphore_mem>>) src(%dma_wait3A_127 : memref<40960x128xf32, #tpu.memory_space<hbm>>) dst(%arg9 : memref<128x128xf32, #tpu.memory_space<vmem>>)
    %barrier3A_128 = arith.constant 0 : index
    tpu.barrier barrier_id(%barrier3A_128)
    "tpu.region"() ({
      %run_scoped3A = tpu.sem_alloc : memref<!tpu.dma_semaphore, #tpu.memory_space<semaphore_mem>>
      %dma_start3A_130 = arith.constant 0 : i32
      %dma_start3A_131 = tpu.memref_slice %arg6[%add3A_66, %mul3A_0, %dma_start3A_130] : memref<4x10240x128xf32, #tpu.memory_space<hbm>> -> memref<1x640x128xf32, #tpu.memory_space<hbm>>
      %dma_start3A_132 = tpu.memref_squeeze %dma_start3A_131 : memref<1x640x128xf32, #tpu.memory_space<hbm>> -> memref<640x128xf32, #tpu.memory_space<hbm>>
      %dma_start3A_133 = arith.constant 0 : i32
      %dma_start3A_134 = tpu.memref_slice %arg11[%mul3A_0, %dma_start3A_133] : memref<10240x128xf32, #tpu.memory_space<vmem_shared>> -> memref<640x128xf32, #tpu.memory_space<vmem_shared>>
      tpu.enqueue_dma source(%dma_start3A_134 : memref<640x128xf32, #tpu.memory_space<vmem_shared>>) target(%dma_start3A_132 : memref<640x128xf32, #tpu.memory_space<hbm>>) target_semaphore(%run_scoped3A : memref<!tpu.dma_semaphore, #tpu.memory_space<semaphore_mem>>)
      %dma_wait3A_135 = arith.constant 0 : i32
      %dma_wait3A_136 = tpu.memref_slice %arg6[%add3A_66, %mul3A_0, %dma_wait3A_135] : memref<4x10240x128xf32, #tpu.memory_space<hbm>> -> memref<1x640x128xf32, #tpu.memory_space<hbm>>
      %dma_wait3A_137 = tpu.memref_squeeze %dma_wait3A_136 : memref<1x640x128xf32, #tpu.memory_space<hbm>> -> memref<640x128xf32, #tpu.memory_space<hbm>>
      %dma_wait3A_138 = arith.constant 0 : i32
      %dma_wait3A_139 = tpu.memref_slice %arg11[%mul3A_0, %dma_wait3A_138] : memref<10240x128xf32, #tpu.memory_space<vmem_shared>> -> memref<640x128xf32, #tpu.memory_space<vmem_shared>>
      tpu.wait_dma2 semaphore(%run_scoped3A : memref<!tpu.dma_semaphore, #tpu.memory_space<semaphore_mem>>) src(%dma_wait3A_139 : memref<640x128xf32, #tpu.memory_space<vmem_shared>>) dst(%dma_wait3A_137 : memref<640x128xf32, #tpu.memory_space<hbm>>)
      tpu.yield
    }) : () -> ()
    %barrier3A_129 = arith.constant 0 : index
    tpu.barrier barrier_id(%barrier3A_129)
    return
  }
}

module attributes {stable_mosaic.version = 14 : i64} {
  func.func @_tc1_body(%arg0: i32, %arg1: memref<2x512x128xf32, #tpu.memory_space<vmem>>, %arg2: memref<2x512x1xf32, #tpu.memory_space<vmem>>, %arg3: memref<512x128xf32, #tpu.memory_space<vmem>>, %arg4: memref<128x512xf32, #tpu.memory_space<vmem>>, %arg5: memref<128x512xf32, #tpu.memory_space<vmem>>, %arg6: memref<1x512xf32, #tpu.memory_space<vmem>>, %arg7: memref<512x512xf32, #tpu.memory_space<vmem>>) attributes {dimension_semantics = [#tpu.dimension_semantics<arbitrary>], iteration_bounds = array<i64: 20>, scalar_prefetch = 0 : i64, scratch_operands = 0 : i64, tpu.core_type = #tpu.core_type<tc>, window_params = [{transform_indices = @transform_0, window_bounds = array<i64: 2, 512, 128>}, {transform_indices = @transform_1, window_bounds = array<i64: 2, 512, 1>}, {transform_indices = @transform_2, window_bounds = array<i64: 512, 128>}, {pipeline_mode = #tpu.pipeline_mode<synchronous>, transform_indices = @transform_3, window_bounds = array<i64: 128, 512>}, {pipeline_mode = #tpu.pipeline_mode<synchronous>, transform_indices = @transform_4, window_bounds = array<i64: 128, 512>}, {pipeline_mode = #tpu.pipeline_mode<synchronous>, transform_indices = @transform_5, window_bounds = array<i64: 1, 512>}, {transform_indices = @transform_6, window_bounds = array<i64: 512, 512>}]} {
    %get3A = arith.constant 0 : index
    %get3A_0 = arith.constant 0 : index
    %get3A_1 = arith.constant 0 : index
    %get3A_2 = vector.load %arg2[%get3A, %get3A_0, %get3A_1] : memref<2x512x1xf32, #tpu.memory_space<vmem>>, vector<1x512x1xf32>
    %get3A_3 = vector.shape_cast %get3A_2 : vector<1x512x1xf32> to vector<512x1xf32>
    %get3A_4 = arith.constant 1 : index
    %get3A_5 = arith.constant 0 : index
    %get3A_6 = arith.constant 0 : index
    %get3A_7 = vector.load %arg2[%get3A_4, %get3A_5, %get3A_6] : memref<2x512x1xf32, #tpu.memory_space<vmem>>, vector<1x512x1xf32>
    %get3A_8 = vector.shape_cast %get3A_7 : vector<1x512x1xf32> to vector<512x1xf32>
    %add3A = arith.addf %get3A_3, %get3A_8 : vector<512x1xf32>
    %max3A = arith.constant 1.000000e+00 : f32
    %max3A_9 = vector.broadcast %max3A : f32 to vector<512x1xf32>
    %max3A_10 = arith.maximumf %add3A, %max3A_9 : vector<512x1xf32>
    %get3A_11 = arith.constant 0 : index
    %get3A_12 = arith.constant 0 : index
    %get3A_13 = arith.constant 0 : index
    %get3A_14 = vector.load %arg1[%get3A_11, %get3A_12, %get3A_13] : memref<2x512x128xf32, #tpu.memory_space<vmem>>, vector<1x512x128xf32>
    %get3A_15 = vector.shape_cast %get3A_14 : vector<1x512x128xf32> to vector<512x128xf32>
    %get3A_16 = arith.constant 1 : index
    %get3A_17 = arith.constant 0 : index
    %get3A_18 = arith.constant 0 : index
    %get3A_19 = vector.load %arg1[%get3A_16, %get3A_17, %get3A_18] : memref<2x512x128xf32, #tpu.memory_space<vmem>>, vector<1x512x128xf32>
    %get3A_20 = vector.shape_cast %get3A_19 : vector<1x512x128xf32> to vector<512x128xf32>
    %add3A_21 = arith.addf %get3A_15, %get3A_20 : vector<512x128xf32>
    %div3A = vector.broadcast %max3A_10 : vector<512x1xf32> to vector<512x128xf32>
    %div3A_22 = arith.divf %add3A_21, %div3A : vector<512x128xf32>
    %get3A_23 = arith.constant 0 : index
    %get3A_24 = arith.constant 0 : index
    %get3A_25 = vector.load %arg4[%get3A_23, %get3A_24] : memref<128x512xf32, #tpu.memory_space<vmem>>, vector<128x512xf32>
    %dot_general3A = arith.constant dense<0.000000e+00> : vector<512x512xf32>
    %dot_general3A_26 = tpu.matmul %div3A_22, %get3A_25, %dot_general3A {dimension_numbers = #tpu.dot_dimension_numbers<[1], [0], [0], [1], [0, 0, 1, 1], [], []>, transpose_lhs_hint = false} : vector<512x128xf32>, vector<128x512xf32>, vector<512x512xf32> -> vector<512x512xf32>
    %get3A_27 = arith.constant 0 : index
    %get3A_28 = arith.constant 0 : index
    %get3A_29 = vector.load %arg3[%get3A_27, %get3A_28] : memref<512x128xf32, #tpu.memory_space<vmem>>, vector<512x128xf32>
    %get3A_30 = arith.constant 0 : index
    %get3A_31 = arith.constant 0 : index
    %get3A_32 = vector.load %arg5[%get3A_30, %get3A_31] : memref<128x512xf32, #tpu.memory_space<vmem>>, vector<128x512xf32>
    %dot_general3A_33 = arith.constant dense<0.000000e+00> : vector<512x512xf32>
    %dot_general3A_34 = tpu.matmul %get3A_29, %get3A_32, %dot_general3A_33 {dimension_numbers = #tpu.dot_dimension_numbers<[1], [0], [0], [1], [0, 0, 1, 1], [], []>, transpose_lhs_hint = false} : vector<512x128xf32>, vector<128x512xf32>, vector<512x512xf32> -> vector<512x512xf32>
    %add3A_35 = arith.addf %dot_general3A_26, %dot_general3A_34 : vector<512x512xf32>
    %get3A_36 = arith.constant 0 : index
    %get3A_37 = arith.constant 0 : index
    %get3A_38 = vector.load %arg6[%get3A_36, %get3A_37] : memref<1x512xf32, #tpu.memory_space<vmem>>, vector<1x512xf32>
    %add3A_39 = vector.broadcast %get3A_38 : vector<1x512xf32> to vector<512x512xf32>
    %add3A_40 = arith.addf %add3A_35, %add3A_39 : vector<512x512xf32>
    %max3A_41 = arith.constant 0.000000e+00 : f32
    %max3A_42 = vector.broadcast %max3A_41 : f32 to vector<512x512xf32>
    %max3A_43 = arith.maximumf %add3A_40, %max3A_42 : vector<512x512xf32>
    %swap3A = arith.constant 0 : index
    %swap3A_44 = arith.constant 0 : index
    %swap3A_45 = vector.load %arg7[%swap3A, %swap3A_44] : memref<512x512xf32, #tpu.memory_space<vmem>>, vector<512x512xf32>
    tpu.vector_store %arg7[%swap3A, %swap3A_44], %max3A_43 {strides = array<i32>} : memref<512x512xf32, #tpu.memory_space<vmem>>, vector<512x512xf32>,
    return
  }
  func.func @transform_0(%arg0: i32) -> (i32, i32, i32) {
    %c0_i32 = arith.constant 0 : i32
    %c0_i32_0 = arith.constant 0 : i32
    %c0_i32_1 = arith.constant 0 : i32
    return %c0_i32, %arg0, %c0_i32_0 : i32, i32, i32
  }
  func.func @transform_1(%arg0: i32) -> (i32, i32, i32) {
    %c0_i32 = arith.constant 0 : i32
    %c0_i32_0 = arith.constant 0 : i32
    %c0_i32_1 = arith.constant 0 : i32
    return %c0_i32, %arg0, %c0_i32_0 : i32, i32, i32
  }
  func.func @transform_2(%arg0: i32) -> (i32, i32) {
    %c0_i32 = arith.constant 0 : i32
    %c0_i32_0 = arith.constant 0 : i32
    return %arg0, %c0_i32 : i32, i32
  }
  func.func @transform_3(%arg0: i32) -> (i32, i32) {
    %c0_i32 = arith.constant 0 : i32
    %c0_i32_0 = arith.constant 0 : i32
    %c0_i32_1 = arith.constant 0 : i32
    return %c0_i32, %c0_i32_0 : i32, i32
  }
  func.func @transform_4(%arg0: i32) -> (i32, i32) {
    %c0_i32 = arith.constant 0 : i32
    %c0_i32_0 = arith.constant 0 : i32
    %c0_i32_1 = arith.constant 0 : i32
    return %c0_i32, %c0_i32_0 : i32, i32
  }
  func.func @transform_5(%arg0: i32) -> (i32, i32) {
    %c0_i32 = arith.constant 0 : i32
    %c0_i32_0 = arith.constant 0 : i32
    %c0_i32_1 = arith.constant 0 : i32
    return %c0_i32, %c0_i32_0 : i32, i32
  }
  func.func @transform_6(%arg0: i32) -> (i32, i32) {
    %c0_i32 = arith.constant 0 : i32
    %c0_i32_0 = arith.constant 0 : i32
    return %arg0, %c0_i32 : i32, i32
  }
}

module attributes {stable_mosaic.version = 14 : i64} {
  func.func @_tc2_body(%arg0: i32, %arg1: memref<4x512x128xf32, #tpu.memory_space<vmem>>, %arg2: memref<2x512x1xf32, #tpu.memory_space<vmem>>, %arg3: memref<512x512xf32, #tpu.memory_space<vmem>>, %arg4: memref<4x128x1024xf32, #tpu.memory_space<vmem>>, %arg5: memref<512x1024xf32, #tpu.memory_space<vmem>>, %arg6: memref<1x1024xf32, #tpu.memory_space<vmem>>, %arg7: memref<1024x128xf32, #tpu.memory_space<vmem>>, %arg8: memref<512x1024xf32, #tpu.memory_space<vmem>>, %arg9: memref<512x128xf32, #tpu.memory_space<vmem>>) attributes {dimension_semantics = [#tpu.dimension_semantics<arbitrary>], iteration_bounds = array<i64: 20>, scalar_prefetch = 0 : i64, scratch_operands = 0 : i64, tpu.core_type = #tpu.core_type<tc>, window_params = [{transform_indices = @transform_0, window_bounds = array<i64: 4, 512, 128>}, {transform_indices = @transform_1, window_bounds = array<i64: 2, 512, 1>}, {transform_indices = @transform_2, window_bounds = array<i64: 512, 512>}, {pipeline_mode = #tpu.pipeline_mode<synchronous>, transform_indices = @transform_3, window_bounds = array<i64: 4, 128, 1024>}, {pipeline_mode = #tpu.pipeline_mode<synchronous>, transform_indices = @transform_4, window_bounds = array<i64: 512, 1024>}, {pipeline_mode = #tpu.pipeline_mode<synchronous>, transform_indices = @transform_5, window_bounds = array<i64: 1, 1024>}, {pipeline_mode = #tpu.pipeline_mode<synchronous>, transform_indices = @transform_6, window_bounds = array<i64: 1024, 128>}, {transform_indices = @transform_7, window_bounds = array<i64: 512, 1024>}, {transform_indices = @transform_8, window_bounds = array<i64: 512, 128>}]} {
    %get3A = arith.constant 0 : index
    %get3A_0 = arith.constant 0 : index
    %get3A_1 = arith.constant 0 : index
    %get3A_2 = vector.load %arg2[%get3A, %get3A_0, %get3A_1] : memref<2x512x1xf32, #tpu.memory_space<vmem>>, vector<1x512x1xf32>
    %get3A_3 = vector.shape_cast %get3A_2 : vector<1x512x1xf32> to vector<512x1xf32>
    %get3A_4 = arith.constant 1 : index
    %get3A_5 = arith.constant 0 : index
    %get3A_6 = arith.constant 0 : index
    %get3A_7 = vector.load %arg2[%get3A_4, %get3A_5, %get3A_6] : memref<2x512x1xf32, #tpu.memory_space<vmem>>, vector<1x512x1xf32>
    %get3A_8 = vector.shape_cast %get3A_7 : vector<1x512x1xf32> to vector<512x1xf32>
    %add3A = arith.addf %get3A_3, %get3A_8 : vector<512x1xf32>
    %max3A = arith.constant 1.000000e+00 : f32
    %max3A_9 = vector.broadcast %max3A : f32 to vector<512x1xf32>
    %max3A_10 = arith.maximumf %add3A, %max3A_9 : vector<512x1xf32>
    %get3A_11 = arith.constant 0 : index
    %get3A_12 = arith.constant 0 : index
    %get3A_13 = vector.load %arg3[%get3A_11, %get3A_12] : memref<512x512xf32, #tpu.memory_space<vmem>>, vector<512x512xf32>
    %get3A_14 = arith.constant 0 : index
    %get3A_15 = arith.constant 0 : index
    %get3A_16 = vector.load %arg5[%get3A_14, %get3A_15] : memref<512x1024xf32, #tpu.memory_space<vmem>>, vector<512x1024xf32>
    %dot_general3A = arith.constant dense<0.000000e+00> : vector<512x1024xf32>
    %dot_general3A_17 = tpu.matmul %get3A_13, %get3A_16, %dot_general3A {dimension_numbers = #tpu.dot_dimension_numbers<[1], [0], [0], [1], [0, 0, 1, 1], [], []>, transpose_lhs_hint = false} : vector<512x512xf32>, vector<512x1024xf32>, vector<512x1024xf32> -> vector<512x1024xf32>
    %get3A_18 = arith.constant 0 : index
    %get3A_19 = arith.constant 0 : index
    %get3A_20 = arith.constant 0 : index
    %get3A_21 = vector.load %arg1[%get3A_18, %get3A_19, %get3A_20] : memref<4x512x128xf32, #tpu.memory_space<vmem>>, vector<1x512x128xf32>
    %get3A_22 = vector.shape_cast %get3A_21 : vector<1x512x128xf32> to vector<512x128xf32>
    %div3A = vector.broadcast %max3A_10 : vector<512x1xf32> to vector<512x128xf32>
    %div3A_23 = arith.divf %get3A_22, %div3A : vector<512x128xf32>
    %get3A_24 = arith.constant 0 : index
    %get3A_25 = arith.constant 0 : index
    %get3A_26 = arith.constant 0 : index
    %get3A_27 = vector.load %arg4[%get3A_24, %get3A_25, %get3A_26] : memref<4x128x1024xf32, #tpu.memory_space<vmem>>, vector<1x128x1024xf32>
    %get3A_28 = vector.shape_cast %get3A_27 : vector<1x128x1024xf32> to vector<128x1024xf32>
    %dot_general3A_29 = arith.constant dense<0.000000e+00> : vector<512x1024xf32>
    %dot_general3A_30 = tpu.matmul %div3A_23, %get3A_28, %dot_general3A_29 {dimension_numbers = #tpu.dot_dimension_numbers<[1], [0], [0], [1], [0, 0, 1, 1], [], []>, transpose_lhs_hint = false} : vector<512x128xf32>, vector<128x1024xf32>, vector<512x1024xf32> -> vector<512x1024xf32>
    %add3A_31 = arith.addf %dot_general3A_17, %dot_general3A_30 : vector<512x1024xf32>
    %get3A_32 = arith.constant 1 : index
    %get3A_33 = arith.constant 0 : index
    %get3A_34 = arith.constant 0 : index
    %get3A_35 = vector.load %arg1[%get3A_32, %get3A_33, %get3A_34] : memref<4x512x128xf32, #tpu.memory_space<vmem>>, vector<1x512x128xf32>
    %get3A_36 = vector.shape_cast %get3A_35 : vector<1x512x128xf32> to vector<512x128xf32>
    %div3A_37 = vector.broadcast %max3A_10 : vector<512x1xf32> to vector<512x128xf32>
    %div3A_38 = arith.divf %get3A_36, %div3A_37 : vector<512x128xf32>
    %get3A_39 = arith.constant 1 : index
    %get3A_40 = arith.constant 0 : index
    %get3A_41 = arith.constant 0 : index
    %get3A_42 = vector.load %arg4[%get3A_39, %get3A_40, %get3A_41] : memref<4x128x1024xf32, #tpu.memory_space<vmem>>, vector<1x128x1024xf32>
    %get3A_43 = vector.shape_cast %get3A_42 : vector<1x128x1024xf32> to vector<128x1024xf32>
    %dot_general3A_44 = arith.constant dense<0.000000e+00> : vector<512x1024xf32>
    %dot_general3A_45 = tpu.matmul %div3A_38, %get3A_43, %dot_general3A_44 {dimension_numbers = #tpu.dot_dimension_numbers<[1], [0], [0], [1], [0, 0, 1, 1], [], []>, transpose_lhs_hint = false} : vector<512x128xf32>, vector<128x1024xf32>, vector<512x1024xf32> -> vector<512x1024xf32>
    %add3A_46 = arith.addf %add3A_31, %dot_general3A_45 : vector<512x1024xf32>
    %get3A_47 = arith.constant 2 : index
    %get3A_48 = arith.constant 0 : index
    %get3A_49 = arith.constant 0 : index
    %get3A_50 = vector.load %arg1[%get3A_47, %get3A_48, %get3A_49] : memref<4x512x128xf32, #tpu.memory_space<vmem>>, vector<1x512x128xf32>
    %get3A_51 = vector.shape_cast %get3A_50 : vector<1x512x128xf32> to vector<512x128xf32>
    %div3A_52 = vector.broadcast %max3A_10 : vector<512x1xf32> to vector<512x128xf32>
    %div3A_53 = arith.divf %get3A_51, %div3A_52 : vector<512x128xf32>
    %get3A_54 = arith.constant 2 : index
    %get3A_55 = arith.constant 0 : index
    %get3A_56 = arith.constant 0 : index
    %get3A_57 = vector.load %arg4[%get3A_54, %get3A_55, %get3A_56] : memref<4x128x1024xf32, #tpu.memory_space<vmem>>, vector<1x128x1024xf32>
    %get3A_58 = vector.shape_cast %get3A_57 : vector<1x128x1024xf32> to vector<128x1024xf32>
    %dot_general3A_59 = arith.constant dense<0.000000e+00> : vector<512x1024xf32>
    %dot_general3A_60 = tpu.matmul %div3A_53, %get3A_58, %dot_general3A_59 {dimension_numbers = #tpu.dot_dimension_numbers<[1], [0], [0], [1], [0, 0, 1, 1], [], []>, transpose_lhs_hint = false} : vector<512x128xf32>, vector<128x1024xf32>, vector<512x1024xf32> -> vector<512x1024xf32>
    %add3A_61 = arith.addf %add3A_46, %dot_general3A_60 : vector<512x1024xf32>
    %get3A_62 = arith.constant 3 : index
    %get3A_63 = arith.constant 0 : index
    %get3A_64 = arith.constant 0 : index
    %get3A_65 = vector.load %arg1[%get3A_62, %get3A_63, %get3A_64] : memref<4x512x128xf32, #tpu.memory_space<vmem>>, vector<1x512x128xf32>
    %get3A_66 = vector.shape_cast %get3A_65 : vector<1x512x128xf32> to vector<512x128xf32>
    %div3A_67 = vector.broadcast %max3A_10 : vector<512x1xf32> to vector<512x128xf32>
    %div3A_68 = arith.divf %get3A_66, %div3A_67 : vector<512x128xf32>
    %get3A_69 = arith.constant 3 : index
    %get3A_70 = arith.constant 0 : index
    %get3A_71 = arith.constant 0 : index
    %get3A_72 = vector.load %arg4[%get3A_69, %get3A_70, %get3A_71] : memref<4x128x1024xf32, #tpu.memory_space<vmem>>, vector<1x128x1024xf32>
    %get3A_73 = vector.shape_cast %get3A_72 : vector<1x128x1024xf32> to vector<128x1024xf32>
    %dot_general3A_74 = arith.constant dense<0.000000e+00> : vector<512x1024xf32>
    %dot_general3A_75 = tpu.matmul %div3A_68, %get3A_73, %dot_general3A_74 {dimension_numbers = #tpu.dot_dimension_numbers<[1], [0], [0], [1], [0, 0, 1, 1], [], []>, transpose_lhs_hint = false} : vector<512x128xf32>, vector<128x1024xf32>, vector<512x1024xf32> -> vector<512x1024xf32>
    %add3A_76 = arith.addf %add3A_61, %dot_general3A_75 : vector<512x1024xf32>
    %get3A_77 = arith.constant 0 : index
    %get3A_78 = arith.constant 0 : index
    %get3A_79 = vector.load %arg6[%get3A_77, %get3A_78] : memref<1x1024xf32, #tpu.memory_space<vmem>>, vector<1x1024xf32>
    %add3A_80 = vector.broadcast %get3A_79 : vector<1x1024xf32> to vector<512x1024xf32>
    %add3A_81 = arith.addf %add3A_76, %add3A_80 : vector<512x1024xf32>
    %max3A_82 = arith.constant 0.000000e+00 : f32
    %max3A_83 = vector.broadcast %max3A_82 : f32 to vector<512x1024xf32>
    %max3A_84 = arith.maximumf %add3A_81, %max3A_83 : vector<512x1024xf32>
    %swap3A = arith.constant 0 : index
    %swap3A_85 = arith.constant 0 : index
    %swap3A_86 = vector.load %arg8[%swap3A, %swap3A_85] : memref<512x1024xf32, #tpu.memory_space<vmem>>, vector<512x1024xf32>
    tpu.vector_store %arg8[%swap3A, %swap3A_85], %max3A_84 {strides = array<i32>} : memref<512x1024xf32, #tpu.memory_space<vmem>>, vector<512x1024xf32>,
    %get3A_87 = arith.constant 0 : index
    %get3A_88 = arith.constant 0 : index
    %get3A_89 = vector.load %arg7[%get3A_87, %get3A_88] : memref<1024x128xf32, #tpu.memory_space<vmem>>, vector<1024x128xf32>
    %dot_general3A_90 = arith.constant dense<0.000000e+00> : vector<512x128xf32>
    %dot_general3A_91 = tpu.matmul %max3A_84, %get3A_89, %dot_general3A_90 {dimension_numbers = #tpu.dot_dimension_numbers<[1], [0], [0], [1], [0, 0, 1, 1], [], []>, transpose_lhs_hint = false} : vector<512x1024xf32>, vector<1024x128xf32>, vector<512x128xf32> -> vector<512x128xf32>
    %swap3A_92 = arith.constant 0 : index
    %swap3A_93 = arith.constant 0 : index
    %swap3A_94 = vector.load %arg9[%swap3A_92, %swap3A_93] : memref<512x128xf32, #tpu.memory_space<vmem>>, vector<512x128xf32>
    tpu.vector_store %arg9[%swap3A_92, %swap3A_93], %dot_general3A_91 {strides = array<i32>} : memref<512x128xf32, #tpu.memory_space<vmem>>, vector<512x128xf32>,
    return
  }
  func.func @transform_0(%arg0: i32) -> (i32, i32, i32) {
    %c0_i32 = arith.constant 0 : i32
    %c0_i32_0 = arith.constant 0 : i32
    %c0_i32_1 = arith.constant 0 : i32
    return %c0_i32, %arg0, %c0_i32_0 : i32, i32, i32
  }
  func.func @transform_1(%arg0: i32) -> (i32, i32, i32) {
    %c0_i32 = arith.constant 0 : i32
    %c0_i32_0 = arith.constant 0 : i32
    %c0_i32_1 = arith.constant 0 : i32
    return %c0_i32, %arg0, %c0_i32_0 : i32, i32, i32
  }
  func.func @transform_2(%arg0: i32) -> (i32, i32) {
    %c0_i32 = arith.constant 0 : i32
    %c0_i32_0 = arith.constant 0 : i32
    return %arg0, %c0_i32 : i32, i32
  }
  func.func @transform_3(%arg0: i32) -> (i32, i32, i32) {
    %c0_i32 = arith.constant 0 : i32
    %c0_i32_0 = arith.constant 0 : i32
    %c0_i32_1 = arith.constant 0 : i32
    %c0_i32_2 = arith.constant 0 : i32
    return %c0_i32, %c0_i32_0, %c0_i32_1 : i32, i32, i32
  }
  func.func @transform_4(%arg0: i32) -> (i32, i32) {
    %c0_i32 = arith.constant 0 : i32
    %c0_i32_0 = arith.constant 0 : i32
    %c0_i32_1 = arith.constant 0 : i32
    return %c0_i32, %c0_i32_0 : i32, i32
  }
  func.func @transform_5(%arg0: i32) -> (i32, i32) {
    %c0_i32 = arith.constant 0 : i32
    %c0_i32_0 = arith.constant 0 : i32
    %c0_i32_1 = arith.constant 0 : i32
    return %c0_i32, %c0_i32_0 : i32, i32
  }
  func.func @transform_6(%arg0: i32) -> (i32, i32) {
    %c0_i32 = arith.constant 0 : i32
    %c0_i32_0 = arith.constant 0 : i32
    %c0_i32_1 = arith.constant 0 : i32
    return %c0_i32, %c0_i32_0 : i32, i32
  }
  func.func @transform_7(%arg0: i32) -> (i32, i32) {
    %c0_i32 = arith.constant 0 : i32
    %c0_i32_0 = arith.constant 0 : i32
    return %arg0, %c0_i32 : i32, i32
  }
  func.func @transform_8(%arg0: i32) -> (i32, i32) {
    %c0_i32 = arith.constant 0 : i32
    %c0_i32_0 = arith.constant 0 : i32
    return %arg0, %c0_i32 : i32, i32
  }
}

module attributes {stable_mosaic.version = 14 : i64} {
  func.func @_tc3_body(%arg0: i32, %arg1: memref<2x1024x128xf32, #tpu.memory_space<vmem>>, %arg2: memref<2x1024x1xf32, #tpu.memory_space<vmem>>, %arg3: memref<1024x128xf32, #tpu.memory_space<vmem>>, %arg4: memref<1x2xf32, #tpu.memory_space<vmem>>, %arg5: memref<1024x2xf32, #tpu.memory_space<vmem>>) attributes {dimension_semantics = [#tpu.dimension_semantics<arbitrary>], iteration_bounds = array<i64: 10>, scalar_prefetch = 0 : i64, scratch_operands = 0 : i64, tpu.core_type = #tpu.core_type<tc>, window_params = [{transform_indices = @transform_0, window_bounds = array<i64: 2, 1024, 128>}, {transform_indices = @transform_1, window_bounds = array<i64: 2, 1024, 1>}, {transform_indices = @transform_2, window_bounds = array<i64: 1024, 128>}, {pipeline_mode = #tpu.pipeline_mode<synchronous>, transform_indices = @transform_3, window_bounds = array<i64: 1, 2>}, {transform_indices = @transform_4, window_bounds = array<i64: 1024, 2>}]} {
    %get3A = arith.constant 0 : index
    %get3A_0 = arith.constant 0 : index
    %get3A_1 = arith.constant 0 : index
    %get3A_2 = vector.load %arg2[%get3A, %get3A_0, %get3A_1] : memref<2x1024x1xf32, #tpu.memory_space<vmem>>, vector<1x1024x1xf32>
    %get3A_3 = vector.shape_cast %get3A_2 : vector<1x1024x1xf32> to vector<1024x1xf32>
    %get3A_4 = arith.constant 1 : index
    %get3A_5 = arith.constant 0 : index
    %get3A_6 = arith.constant 0 : index
    %get3A_7 = vector.load %arg2[%get3A_4, %get3A_5, %get3A_6] : memref<2x1024x1xf32, #tpu.memory_space<vmem>>, vector<1x1024x1xf32>
    %get3A_8 = vector.shape_cast %get3A_7 : vector<1x1024x1xf32> to vector<1024x1xf32>
    %add3A = arith.addf %get3A_3, %get3A_8 : vector<1024x1xf32>
    %max3A = arith.constant 1.000000e+00 : f32
    %max3A_9 = vector.broadcast %max3A : f32 to vector<1024x1xf32>
    %max3A_10 = arith.maximumf %add3A, %max3A_9 : vector<1024x1xf32>
    %get3A_11 = arith.constant 0 : index
    %get3A_12 = arith.constant 0 : index
    %get3A_13 = arith.constant 0 : index
    %get3A_14 = vector.load %arg1[%get3A_11, %get3A_12, %get3A_13] : memref<2x1024x128xf32, #tpu.memory_space<vmem>>, vector<1x1024x2xf32>
    %get3A_15 = vector.shape_cast %get3A_14 : vector<1x1024x2xf32> to vector<1024x2xf32>
    %get3A_16 = arith.constant 1 : index
    %get3A_17 = arith.constant 0 : index
    %get3A_18 = arith.constant 0 : index
    %get3A_19 = vector.load %arg1[%get3A_16, %get3A_17, %get3A_18] : memref<2x1024x128xf32, #tpu.memory_space<vmem>>, vector<1x1024x2xf32>
    %get3A_20 = vector.shape_cast %get3A_19 : vector<1x1024x2xf32> to vector<1024x2xf32>
    %add3A_21 = arith.addf %get3A_15, %get3A_20 : vector<1024x2xf32>
    %div3A = vector.broadcast %max3A_10 : vector<1024x1xf32> to vector<1024x2xf32>
    %div3A_22 = arith.divf %add3A_21, %div3A : vector<1024x2xf32>
    %get3A_23 = arith.constant 0 : index
    %get3A_24 = arith.constant 2 : index
    %get3A_25 = vector.load %arg3[%get3A_23, %get3A_24] : memref<1024x128xf32, #tpu.memory_space<vmem>>, vector<1024x2xf32>
    %add3A_26 = arith.addf %div3A_22, %get3A_25 : vector<1024x2xf32>
    %get3A_27 = arith.constant 0 : index
    %get3A_28 = arith.constant 0 : index
    %get3A_29 = vector.load %arg4[%get3A_27, %get3A_28] : memref<1x2xf32, #tpu.memory_space<vmem>>, vector<1x2xf32>
    %add3A_30 = vector.broadcast %get3A_29 : vector<1x2xf32> to vector<1024x2xf32>
    %add3A_31 = arith.addf %add3A_26, %add3A_30 : vector<1024x2xf32>
    %max3A_32 = arith.constant 0.000000e+00 : f32
    %max3A_33 = vector.broadcast %max3A_32 : f32 to vector<1024x2xf32>
    %max3A_34 = arith.maximumf %add3A_31, %max3A_33 : vector<1024x2xf32>
    %swap3A = arith.constant 0 : index
    %swap3A_35 = arith.constant 0 : index
    %swap3A_36 = vector.load %arg5[%swap3A, %swap3A_35] : memref<1024x2xf32, #tpu.memory_space<vmem>>, vector<1024x2xf32>
    tpu.vector_store %arg5[%swap3A, %swap3A_35], %max3A_34 {strides = array<i32>} : memref<1024x2xf32, #tpu.memory_space<vmem>>, vector<1024x2xf32>,
    return
  }
  func.func @transform_0(%arg0: i32) -> (i32, i32, i32) {
    %c0_i32 = arith.constant 0 : i32
    %c0_i32_0 = arith.constant 0 : i32
    %c0_i32_1 = arith.constant 0 : i32
    return %c0_i32, %arg0, %c0_i32_0 : i32, i32, i32
  }
  func.func @transform_1(%arg0: i32) -> (i32, i32, i32) {
    %c0_i32 = arith.constant 0 : i32
    %c0_i32_0 = arith.constant 0 : i32
    %c0_i32_1 = arith.constant 0 : i32
    return %c0_i32, %arg0, %c0_i32_0 : i32, i32, i32
  }
  func.func @transform_2(%arg0: i32) -> (i32, i32) {
    %c0_i32 = arith.constant 0 : i32
    %c0_i32_0 = arith.constant 0 : i32
    return %arg0, %c0_i32 : i32, i32
  }
  func.func @transform_3(%arg0: i32) -> (i32, i32) {
    %c0_i32 = arith.constant 0 : i32
    %c0_i32_0 = arith.constant 0 : i32
    %c0_i32_1 = arith.constant 0 : i32
    return %c0_i32, %c0_i32_0 : i32, i32
  }
  func.func @transform_4(%arg0: i32) -> (i32, i32) {
    %c0_i32 = arith.constant 0 : i32
    %c0_i32_0 = arith.constant 0 : i32
    return %arg0, %c0_i32 : i32, i32
  }
}

</mosaic_0001>

<sc_bundles>
// kernel: kernel.11.cloned.1.call-start
scs
__scs_entry_jumppad:
0x0: {  	(pc) =	sbr.rel $0x88, $3  }
0x1: {  	(tag) =	ssettag $0x0;
	lr =	simm.s32 $0x1  }
0x2: {  	[smem:$0x3F96] =	sst lr;
	_ =	strace $0xD0000000  }
0x3: {  	_ = 	snop  }
0x4: {  	_ = 	snop  }
0x5: {  	_ = 	snop  }
0x6: {  	_ = 	snop  }
0x7: {  	_ = 	snop  }
__scs_overlays_trampoline_lowered:
0x8: {  	[smem:$0x3FA5] =	sst s0  }
0x9: {  	[smem:$0x3FA6] =	sst s1  }
0xa: {  	[smem:$0x3FA7] =	sst s2  }
0xb: {  	[smem:$0x3FA8] =	sst s3  }
0xc: {  	[smem:$0x3FA9] =	sst s4  }
0xd: {  	[smem:$0x3FAA] =	sst s5  }
0xe: {  	[smem:$0x3FAB] =	sst s6  }
0xf: {  	[smem:$0x3FAC] =	sst s7  }
0x10: {  	[smem:$0x3FAD] =	sst s8  }
0x11: {  	[smem:$0x3FAE] =	sst s9;
	s0 =	simm.s32 @!p0 $0x0  }
0x12: {  	s1 =	sld [smem:$0x3F94];
	s0 =	simm.s32 @p0 $0x1  }
0x13: {  	[smem:$0x3FAF] =	sst s0;
	s0 =	simm.s32 @!p1 $0x0  }
0x14: {  	s2 =	sld [smem:$0x3F93];
	s0 =	simm.s32 @p1 $0x1  }
0x15: {  	[smem:$0x3FB0] =	sst s0;
	s0 =	simm.s32 @!p2 $0x0  }
0x16: {  	s3 =	sld [smem:$0x3FDB];
	s0 =	simm.s32 @p2 $0x1  }
0x17: {  	s4 =	simm.s32 $0x1BF5;
	[smem:$0x3FB2] =	sst s0  }
0x18: {  	s0 =	sld [smem:$0x3F95];
	_ =	swait.ge [sflag:s4], $0x0  }
0x19: {  	s7 =	sld [smem:$0x3F96]  }
0x1a: {  	s8 =	sadd.s32 $0xFFFFE003, lr  }
0x1b: {  	s9 =	sadd.s32 $0xFFFFFEF7, lr;
	s5 =	simm.s32 $0xFFFFFFFF;
	p2 =	slt.u32 s8, $0xFFFFF086  }
0x1c: {  	p1 =	slt.u32 s9, $0xF7A;
	s5 =	simm.s32 @!p2 $0x0  }
0x1d: {  	s5 =	simm.s32 @p1 $0x1;
	p0 =	seq.s32 s7, s2  }
0x1e: {  	s7 =	smul.u32 @!p0 $0xF7A, s2;
	p2 =	seq.s32 @!p0 s5, $0x0  }
0x1f: {  	s9 =	smul.u32 $0xF7A, s1;
	s8 =	simm.s32 @!p0 $0x1BF5;
	p2 =	por !p2, p0  }
0x20: {  	[sflag:s8] =	ssyncset.s32 @!p0 $0xFFFFF086;
	s6 =	sadd.s32 @!p0 s3, s7;
	s7 =	simm.s32 @!p0 $0x108  }
0x21: {  	s3 =	sadd.s32 s3, s9;
	s6 =	sadd.s32 @!p0 $0x88, s6;
	s7 =	simm.s32 @p2 $0x1082  }
0x22: {  	[simem:s7], [sflag:s8] =	dma.local @!p0 [hbm:s6], $0xF7A  }
0x23: {  	s9 =	sor.u32 $0xD0000000, s2;
	s6 =	simm.s32 $0x108;
	_ =	swait.ge @!p0 [sflag:s8], $0x0  }
0x24: {  	s3 =	sadd.s32 $0x88, s3;
	s6 =	simm.s32 @!p1 $0x1082;
	[sflag:s4] =	ssyncset.s32 $0xFFFFF086  }
0x25: {  	[simem:s6], [sflag:s4] =	dma.local [hbm:s3], $0xF7A  }
0x26: {  	[smem:$0x3F96] =	sst s1;
	(tag) =	ssettag s2;
	_ =	strace s9  }
0x27: {  	s1 =	sld [smem:$0x3FA6]  }
0x28: {  	s2 =	sld [smem:$0x3FA7]  }
0x29: {  	s4 =	sld [smem:$0x3FA9]  }
0x2a: {  	p0 =	seq.s32 s5, $0x0;
	s5 =	sld [smem:$0x3FAA]  }
0x2b: {  	s6 =	sld [smem:$0x3FAB]  }
0x2c: {  	s7 =	sld [smem:$0x3FAC]  }
0x2d: {  	s3 =	simm.s32 $0x108;
	s8 =	sld [smem:$0x3FAD]  }
0x2e: {  	s3 =	simm.s32 @!p0 $0x1082;
	s9 =	sld [smem:$0x3FAE]  }
0x2f: {  	lr =	sadd.s32 s0, s3;
	s0 =	sld [smem:$0x3FA5]  }
0x30: {  	s3 =	sld [smem:$0x3FA8]  }
0x31: {  	[smem:$0x3FB1] =	sst s10  }
0x32: {  	s10 =	sld [smem:$0x3FAF];
	_ =	sdelay $0x3  }
0x33: {  	p0 =	seq.s32 s10, $0x1;
	s10 =	sld [smem:$0x3FB1];
	_ =	sdelay $0x3  }
0x34: {  	[smem:$0x3FB1] =	sst s10  }
0x35: {  	s10 =	sld [smem:$0x3FB0];
	_ =	sdelay $0x3  }
0x36: {  	p1 =	seq.s32 s10, $0x1;
	s10 =	sld [smem:$0x3FB1];
	_ =	sdelay $0x3  }
0x37: {  	[smem:$0x3FB1] =	sst s10  }
0x38: {  	s10 =	sld [smem:$0x3FB2]  }
0x39: {  	_ = 	snop;
	(pc) =	sbr.ind lr, $3  }
0x3a: {  	_ = 	snop  }
0x3b: {  	_ = 	snop  }
0x3c: {  	p2 =	seq.s32 s10, $0x1;
	s10 =	sld [smem:$0x3FB1]  }
0x3d: {  	_ =	shalt  }
0x3e: {  	_ =	shalt  }
0x3f: {  	_ =	shalt  }
0x40: {  	_ =	shalt  }
0x41: {  	_ =	shalt  }
0x42: {  	_ =	shalt  }
0x43: {  	_ =	shalt  }
0x44: {  	_ =	shalt  }
0x45: {  	_ =	shalt  }
0x46: {  	_ =	shalt  }
0x47: {  	_ =	shalt  }
0x48: {  	_ =	shalt  }
0x49: {  	_ =	shalt  }
0x4a: {  	_ =	shalt  }
0x4b: {  	_ =	shalt  }
0x4c: {  	_ =	shalt  }
0x4d: {  	_ =	shalt  }
0x4e: {  	_ =	shalt  }
0x4f: {  	_ =	shalt  }
0x50: {  	_ =	shalt  }
0x51: {  	_ =	shalt  }
0x52: {  	_ =	shalt  }
0x53: {  	_ =	shalt  }
0x54: {  	_ =	shalt  }
0x55: {  	_ =	shalt  }
0x56: {  	_ =	shalt  }
0x57: {  	_ =	shalt  }
0x58: {  	_ =	shalt  }
0x59: {  	_ =	shalt  }
0x5a: {  	_ =	shalt  }
0x5b: {  	_ =	shalt  }
0x5c: {  	_ =	shalt  }
0x5d: {  	_ =	shalt  }
0x5e: {  	_ =	shalt  }
0x5f: {  	_ =	shalt  }
0x60: {  	_ =	shalt  }
0x61: {  	_ =	shalt  }
0x62: {  	_ =	shalt  }
0x63: {  	_ =	shalt  }
0x64: {  	_ =	shalt  }
0x65: {  	_ =	shalt  }
0x66: {  	_ =	shalt  }
0x67: {  	_ =	shalt  }
0x68: {  	_ =	shalt  }
0x69: {  	_ =	shalt  }
0x6a: {  	_ =	shalt  }
0x6b: {  	_ =	shalt  }
0x6c: {  	_ =	shalt  }
0x6d: {  	_ =	shalt  }
0x6e: {  	_ =	shalt  }
0x6f: {  	_ =	shalt  }
0x70: {  	_ =	shalt  }
0x71: {  	_ =	shalt  }
0x72: {  	_ =	shalt  }
0x73: {  	_ =	shalt  }
0x74: {  	_ =	shalt  }
0x75: {  	_ =	shalt  }
0x76: {  	_ =	shalt  }
0x77: {  	_ =	shalt  }
0x78: {  	_ =	shalt  }
0x79: {  	_ =	shalt  }
0x7a: {  	_ =	shalt  }
0x7b: {  	_ =	shalt  }
0x7c: {  	_ =	shalt  }
0x7d: {  	_ =	shalt  }
0x7e: {  	_ =	shalt  }
0x7f: {  	_ =	shalt  }
0x80: {  	_ =	shalt  }
0x81: {  	_ =	shalt  }
0x82: {  	_ =	shalt  }
0x83: {  	_ =	shalt  }
0x84: {  	_ =	shalt  }
0x85: {  	_ =	shalt  }
0x86: {  	_ =	shalt  }
0x87: {  	_ =	shalt  }
.Lfunc_end0:
.L_simem_size_0:
called_computation.1_lowered:
.L_overlay_start_0:
0x88: {  	s2 =	sld [smem:$0x3FD9]  }
0x89: {  	s3 =	sld [smem:$0x3FFE];
	_ =	sdelay $0x1  }
0x8a: {  	s1 =	srdreg.scid  }
0x8b: {  	s0 =	sand.u32 $0x1, s1  }
0x8c: {  	s16 =	sshll.u32 s0, $0xA;
	s2 =	sadd.s32 s3, s2  }
0x8d: {  	s2 =	sadd.s32 s2, s16  }
0x8e: {  	[smem:$0x3FBD] =	sst s2  }
0x8f: {  	_ = 	snop  }
0x90: {  	(tm) =	ssettm $0x1  }
0x91: {  	s17 =	sld [smem:$0x3FFB];
	_ =	sdelay $0x3  }
0x92: {  	_ =	strace s17  }
0x93: {  	s2 =	sld [smem:$0x3FFC];
	_ =	sdelay $0x3  }
0x94: {  	_ =	strace s2  }
0x95: {  	s2 =	sld [smem:$0x3FFD];
	_ =	sdelay $0x3  }
0x96: {  	_ =	strace s2  }
0x97: {  	_ =	strace $0x8FFFFFFF  }
0x98: {  	s18 =	sld [smem:$0x3FDB];
	_ =	sdelay $0x1  }
0x99: {  	s19 =	simm.s32 $_scs_section_size  }
0x9a: {  	s4 =	simm.s32 $_size__tile_overlayer_lowered;
	s5 =	simm.s32 $_tile_overlayer_lowered  }
0x9b: {  	s22 =	simm.s32 $0x1BFF;
	s21 =	sshll.u32 s5, $0x1;
	s2 =	sadd.s32 s19, s18  }
0x9c: {  	s6 =	simm.s32 $0x0;
	s20 =	sshll.u32 s4, $0x1;
	s4 =	sadd.s32 s21, s2  }
0x9d: {  	[timem:s6], [sflag:s22] =	dma.local [hbm:s4], s20  }
0x9e: {  	_ =	swait.ge [sflag:s22], s20  }
0x9f: {  	s3 =	ssub.s32 $0x0, s20;
	[sflag:s22] =	ssyncset.done $0x0  }
0xa0: {  	[sflag:s22] =	ssyncadd.s32 s3;
	_ =	sdelay $0x1  }
0xa1: {  	s23 =	simm.s32 $0x1B8B  }
0xa2: {  	_ =	swait.ge [sflag:s23], $0x1  }
0xa3: {  	[sflag:s23] =	ssyncset.done $0x0  }
0xa4: {  	s25 =	simm.s32 $0x1B8E;
	s24 =	sld [smem:$0x3FFE];
	[sflag:s23] =	ssyncadd.s32 $0xFFFFFFFF  }
0xa5: {  	s26 =	simm.s32 $execute0_lowered;
	[smem:$0x3FD2] =	sst s25  }
0xa6: {  	s4 =	sshll.u32 s26, $0x1;
	_ =	strace $0x80000049;
	[dreg:$0x1] =	wrdreg $0xFFFFFFFF  }
0xa7: {  	s28 =	simm.s32 $_size_execute0_lowered;
	s2 =	sadd.s32 s2, s4;
	[dreg:$0x0] =	wrdreg $0x0  }
0xa8: {  	s4 =	sshll.u32 s28, $0x1;
	[dreg:$0x2] =	wrdreg s2  }
0xa9: {  	[dreg:$0x3] =	wrdreg s4  }
0xaa: {  	[dreg:$0x4] =	wrdreg $0xC0  }
0xab: {  	_ =	task [dreg:s6], $0x5FFFF  }
0xac: {  	[dreg:$0x1] =	wrdreg $0xFFFFFFFF  }
0xad: {  	[dreg:$0x0] =	wrdreg $0x60  }
0xae: {  	[dreg:$0x2] =	wrdreg s24  }
0xaf: {  	[dreg:$0x3] =	wrdreg $0xAC000  }
0xb0: {  	[dreg:$0x4] =	wrdreg $0x9  }
0xb1: {  	_ =	task.clear_ibuf [dreg:s6], $0x5FFFF;
	_ =	strace $0x90000049  }
0xb2: {  	s29 =	simm.s32 $0x9;
	_ =	strace $0x8000004B  }
0xb3: {  	_ =	swait.ge [sflag:s29], $0x1  }
0xb4: {  	[sflag:s29] =	ssyncadd.s32 $0xFFFFFFFF  }
0xb5: {  	_ =	strace $0x9000004B  }
0xb6: {  	_ =	sfence  }
0xb7: {  	s30 =	sld [smem:$0x0];
	_ =	sdelay $0x2  }
0xb8: {  	s31 =	sshll.u32 s1, $0xD;
	s1 =	sshrl.u32 s1, $0x2  }
0xb9: {  	s3 =	sand.u32 $0x4000, s31;
	s1 =	sadd.s32 s1, s30  }
0xba: {  	s0 =	sor.u32 s3, s0;
	s1 =	sshll.u32 s1, $0x11  }
0xbb: {  	s0 =	sor.u32 s1, s0  }
0xbc: {  	s0 =	sadd.s32 $0x8F2B, s0  }
0xbd: {  	[sflag:s0] =	ssyncadd.remote.s32 $0x1  }
0xbe: {  	_ =	sfence.sel $0xFFFF  }
0xbf: {  	[dreg:$0x0] =	wrdreg $0xFFFFFFFF;
	(pc) =	sbr.abs _section_cstart, $3  }
0xc0: {  	[dreg:$0x1] =	wrdreg $0xFFFFFFFF  }
0xc1: {  	_ =	task.clear_ibuf [dreg:s6], $0x2FFFF;
	_ =	strace $0x9FFFFFFF  }
0xc2: {  	(tm) =	ssettm $0x7FFFFFFF  }
0xc3: {  	_ =	shalt  }
tec
execute0_lowered:
.L_overlay_start_1:
0x0: {  	(tag) =	ssettag $0x1  }
0x1: {  	s5 =	rddreg [dreg:$0x0]  }
0x2: {  	s1 =	rddreg [dreg:$0x1]  }
0x3: {  	s0 =	rddreg [dreg:$0x2];
	s3 =	simm.s32 $0x0;
	s2 =	stileid.u32  }
0x4: {  	s6 =	srdreg.scid;
	s19 =	simm.s32 $0x6C00;
	s10 =	smul.u32 $0x14000, s2  }
0x5: {  	[smem:$0x7FF] =	sst s3;
	s4 =	sadd.s32 $0x19E600, s5;
	s13 =	smul.u32 $0x50000, s2  }
0x6: {  	s6 =	sand.u32 $0x1, s6;
	s9 =	sadd.s32 $0x3A00, s5;
	s23 =	smul.u32 $0x500, s2  }
0x7: {  	s11 =	sadd.s32 $0x8C00, s5;
	s14 =	sadd.s32 $0x23E600, s5;
	s24 =	smul.u32 $0x2800, s2  }
0x8: {  	s25 =	sshll.u32 s2, $0x6;
	_ =	strace $0x8000004A;
	s7 =	ssub.s32 $0x2, s6  }
0x9: {  	s20 =	sshll.u32 s6, $0x1;
	s26 =	smul.u32 $0x280000, s6;
	s21 =	sshllo.u32 s6, $0x1  }
0xa: {  	s6 =	sor.u32 $0x1C03, s25;
	s8 =	sshrl.u32 s10, $0x3;
	s12 =	sshrl.u32 s7, $0x1  }
0xb: {  	s22 =	sshrl.u32 s13, $0x2;
	s17 =	sshrl.u32 s24, $0x3;
	s18 =	smul.u32 $0x140000, s21  }
0xc: {  	v0 =	vmov s20;
	v1 =	vmov s21;
	s20 =	simm.s32 $0x1;
	s21 =	simm.s32 $0x2;
	s8 =	sadd.s32 s8, s5  }
0xd: {  	s15 =	ssub.s32 s7, s12;
	s16 =	sadd.s32 s22, s1;
	s7 =	sadd.s32 s9, s23  }
0xe: {  	s28 =	sadd.s32 $0x280, s17;
	s13 =	sadd.s32 s10, s26;
	s17 =	simm.s32 $0x80  }
0xf: {  	s22 =	simm.s32 $0x0;
	s5 =	sadd.s32 $0x35C00, s8;
	s8 =	sadd.s32 s11, s23  }
0x10: {  	s9 =	sadd.s32 s9, s28;
	s29 =	sadd.s32 s10, s18;
	s10 =	sadd.s32 s11, s28  }
0x11: {  	s30 =	sshrl.u32 s13, $0x3;
	s13 =	smax.u32 s15, $0x1;
	s15 =	simm.s32 $0x3  }
0x12: {  	s18 =	simm.s32 $0x2C00;
	s31 =	sshrl.u32 s29, $0x3;
	s11 =	sadd.s32 s14, s30  }
0x13: {  	s12 =	sadd.s32 s14, s31;
	s14 =	sshrl.u32 s16, $0x3;
	s16 =	simm.s32 $0x1800  }
.LBB2_1:
0x14: {  	[spmem:s14], [sflag:s6] =	dma.local [hbm:s5], $0x2800  }
0x15: {  	_ =	swait.ge [sflag:s15], $0x2800  }
0x16: {  	[sflag:s15] =	ssyncset.done $0x0  }
0x17: {  	[sflag:s15] =	ssyncadd.s32 $0xFFFFD800  }
0x18: {  	[bflag:$0x0] =	sbarrier.arrive $0xFFFF  }
0x19: {  	[tilespmem:s3], [sflag:$0x3] =	stream.linear.gather [hbm4b:s7+s3], $0x1800, $0x38;
	[tilespmem:$0x1EC00] =	vst v63  }
0x1a: {  	_ =	swait.ge [sflag:s15], $0x1800  }
0x1b: {  	[sflag:s15] =	ssyncset.done $0x0  }
0x1c: {  	[sflag:s15] =	ssyncadd.s32 $0xFFFFE800  }
0x1d: {  	[tilespmem:s16], [sflag:$0x3] =	stream.linear.gather [hbm4b:s8+s3], $0x1400, $0x38;
	[tilespmem:$0x1EC00] =	vst v63  }
0x1e: {  	_ =	swait.ge [sflag:s15], $0x1400  }
0x1f: {  	[sflag:s15] =	ssyncset.done $0x0  }
0x20: {  	s23 =	simm.s32 $0x0;
	[sflag:s15] =	ssyncadd.s32 $0xFFFFEC00  }
0x21: {  	v3 =	vld [tilespmem:s23+$0x0]  }
0x22: {  	v4 =	vld [tilespmem:s23+$0x10]  }
0x23: {  	v6 =	vld [tilespmem:s23+$0x20]  }
0x24: {  	v5 =	vld [tilespmem:s23+$0x30]  }
0x25: {  	v2 =	vld [tilespmem:s23+$0x40]  }
0x26: {  	v7 =	vshll.u32 v3, $0x2;
	v3 =	vld [tilespmem:s23+$0x50]  }
0x27: {  	s24 =	simm.s32 $0x200;
	v8 =	vshll.u32 v4, $0x2;
	v4 =	vld [tilespmem:s23+$0x60];
	v7 =	vor.u32 v0, v7  }
.LBB2_2:
0x28: {  	s25 =	sshra.s32 s24, $0x2;
	p0 =	sne.s32 s24, $0x5E00;
	[tilespmem:s23+$0x0] =	vst v7;
	v7 =	vor.u32 v0, v8;
	v6 =	vshll.u32 v6, $0x2;
	v8 =	vld [tilespmem:s23+$0x70]  }
0x29: {  	v9 =	vld [tilespmem:s25+$0x0];
	[tilespmem:s23+$0x10] =	vst v7;
	v6 =	vor.u32 v0, v6;
	v5 =	vshll.u32 v5, $0x2  }
0x2a: {  	v10 =	vld [tilespmem:s25+$0x10];
	[tilespmem:s23+$0x20] =	vst v6;
	v5 =	vor.u32 v0, v5;
	v2 =	vshll.u32 v2, $0x2  }
.Ltmp0:
0x2b: {  	v6 =	vld [tilespmem:s25+$0x20];
	[tilespmem:s23+$0x30] =	vst v5;
	v2 =	vor.u32 v0, v2;
	v3 =	vshll.u32 v3, $0x2;
	(pc) =	sbr.rel @p0 .LBB2_2-.Ltmp0, $4  }
0x2c: {  	v5 =	vld [tilespmem:s25+$0x30];
	[tilespmem:s23+$0x40] =	vst v2;
	v3 =	vor.u32 v0, v3;
	v4 =	vshll.u32 v4, $0x2  }
0x2d: {  	v2 =	vld [tilespmem:s25+$0x40];
	[tilespmem:s23+$0x50] =	vst v3;
	v4 =	vor.u32 v0, v4;
	v7 =	vshll.u32 v8, $0x2  }
0x2e: {  	v8 =	vshll.u32 v9, $0x2;
	v3 =	vld [tilespmem:s25+$0x50];
	[tilespmem:s23+$0x60] =	vst v4;
	v9 =	vor.u32 v0, v7  }
0x2f: {  	s24 =	sadd.s32 $0x200, s24;
	v7 =	vor.u32 v0, v8;
	v8 =	vshll.u32 v10, $0x2;
	v4 =	vld [tilespmem:s25+$0x60];
	[tilespmem:s23+$0x70] =	vst v9;
	s23 =	smov.u32 s25  }
0x30: {  	[tilespmem:s23+$0x0] =	vst v7;
	v62 =	vor.u32 v0, v8;
	v6 =	vshll.u32 v6, $0x2;
	v63 =	vld [tilespmem:s23+$0x70]  }
0x31: {  	[tilespmem:s23+$0x10] =	vst v62;
	v6 =	vor.u32 v0, v6;
	v5 =	vshll.u32 v5, $0x2  }
0x32: {  	[tilespmem:s23+$0x20] =	vst v6;
	v5 =	vor.u32 v0, v5;
	v2 =	vshll.u32 v2, $0x2  }
0x33: {  	[tilespmem:s23+$0x30] =	vst v5;
	v2 =	vor.u32 v0, v2;
	v3 =	vshll.u32 v3, $0x2  }
0x34: {  	[tilespmem:s23+$0x40] =	vst v2;
	v2 =	vor.u32 v0, v3;
	v3 =	vshll.u32 v4, $0x2  }
0x35: {  	[tilespmem:s23+$0x50] =	vst v2;
	v2 =	vor.u32 v0, v3;
	v3 =	vshll.u32 v63, $0x2  }
0x36: {  	[tilespmem:s23+$0x60] =	vst v2;
	v2 =	vor.u32 v0, v3  }
0x37: {  	s26 =	simm.s32 $0x0;
	[tilespmem:s23+$0x70] =	vst v2  }
0x38: {  	[tilespmem:s18], [sflag:$0x1] =	stream.indirect.gather [hbm4b:s4+s17], $0x80, s26, s17, $0xb8;
	[tilespmem:$0x1EC00] =	vst v63  }
0x39: {  	s28 =	simm.s32 $0x80  }
0x3a: {  	[tilespmem:s19], [sflag:$0x2] =	stream.indirect.gather [hbm4b:s4+s17], $0x80, s28, s17, $0xb8;
	[tilespmem:$0x1EC00] =	vst v63  }
0x3b: {  	_ =	swait.ge [sflag:s20], $0x4000  }
0x3c: {  	[sflag:s20] =	ssyncset.done $0x0  }
0x3d: {  	s29 =	simm.s32 $0x1800;
	[sflag:s20] =	ssyncadd.s32 $0xFFFFC000  }
0x3e: {  	[spmem:s1] =	stream.indirect.scatter.add.f32 [tilespmem:s18], [sflag:$0x3], $0x80, s29, s17, $0xb8;
	[tilespmem:$0x1EC00] =	vst v63  }
0x3f: {  	_ =	swait.ge [sflag:s15], $0x4000  }
0x40: {  	[sflag:s15] =	ssyncset.done $0x0  }
0x41: {  	s30 =	simm.s32 $0x100;
	[sflag:s15] =	ssyncadd.s32 $0xFFFFC000  }
0x42: {  	[tilespmem:s18], [sflag:$0x1] =	stream.indirect.gather [hbm4b:s4+s17], $0x80, s30, s17, $0xb8;
	[tilespmem:$0x1EC00] =	vst v63  }
0x43: {  	_ =	swait.ge [sflag:s21], $0x4000  }
0x44: {  	[sflag:s21] =	ssyncset.done $0x0  }
0x45: {  	s31 =	simm.s32 $0x1880;
	[sflag:s21] =	ssyncadd.s32 $0xFFFFC000  }
0x46: {  	[spmem:s1] =	stream.indirect.scatter.add.f32 [tilespmem:s19], [sflag:$0x3], $0x80, s31, s17, $0xb8;
	[tilespmem:$0x1EC00] =	vst v63  }
0x47: {  	_ =	swait.ge [sflag:s15], $0x4000  }
0x48: {  	s24 =	simm.s32 $0x800;
	s23 =	simm.s32 $0x100;
	[sflag:s15] =	ssyncset.done $0x0  }
.LBB2_4:
0x49: {  	s25 =	sadd.s32 $0x80, s23  }
0x4a: {  	[sflag:s15] =	ssyncadd.s32 $0xFFFFC000;
	s26 =	smov.u32 s24;
	s28 =	sadd.s32 $0x400, s24  }
0x4b: {  	[tilespmem:s19], [sflag:$0x2] =	stream.indirect.gather [hbm4b:s4+s17], $0x80, s25, s17, $0xb8;
	[tilespmem:$0x1EC00] =	vst v63  }
0x4c: {  	p0 =	sne.s32 s24, $0x4C00;
	_ =	swait.ge [sflag:s20], $0x4000  }
0x4d: {  	[sflag:s20] =	ssyncset.done $0x0  }
0x4e: {  	s24 =	sadd.s32 $0x1800, s23;
	[sflag:s20] =	ssyncadd.s32 $0xFFFFC000  }
0x4f: {  	[spmem:s1] =	stream.indirect.scatter.add.f32 [tilespmem:s18], [sflag:$0x3], $0x80, s24, s17, $0xb8;
	[tilespmem:$0x1EC00] =	vst v63  }
0x50: {  	_ =	swait.ge [sflag:s15], $0x4000  }
0x51: {  	[sflag:s15] =	ssyncset.done $0x0  }
0x52: {  	s24 =	sadd.s32 $0x100, s23;
	[sflag:s15] =	ssyncadd.s32 $0xFFFFC000  }
0x53: {  	[tilespmem:s18], [sflag:$0x1] =	stream.indirect.gather [hbm4b:s4+s17], $0x80, s24, s17, $0xb8;
	[tilespmem:$0x1EC00] =	vst v63  }
0x54: {  	_ =	swait.ge [sflag:s21], $0x4000  }
.Ltmp1:
0x55: {  	[sflag:s21] =	ssyncset.done $0x0;
	(pc) =	sbr.rel @p0 .LBB2_4-.Ltmp1, $4  }
0x56: {  	s23 =	sadd.s32 $0x1880, s23;
	[sflag:s21] =	ssyncadd.s32 $0xFFFFC000  }
0x57: {  	[spmem:s1] =	stream.indirect.scatter.add.f32 [tilespmem:s19], [sflag:$0x3], $0x80, s23, s17, $0xb8;
	[tilespmem:$0x1EC00] =	vst v63  }
0x58: {  	_ =	swait.ge [sflag:s15], $0x4000  }
0x59: {  	s24 =	smov.u32 s28;
	s23 =	sshra.s32 s26, $0x2;
	[sflag:s15] =	ssyncset.done $0x0  }
0x5a: {  	s24 =	sadd.s32 $0x80, s23;
	[sflag:s15] =	ssyncadd.s32 $0xFFFFC000  }
0x5b: {  	[tilespmem:s19], [sflag:$0x2] =	stream.indirect.gather [hbm4b:s4+s17], $0x80, s24, s17, $0xb8;
	[tilespmem:$0x1EC00] =	vst v63  }
0x5c: {  	_ =	swait.ge [sflag:s20], $0x4000  }
0x5d: {  	[sflag:s20] =	ssyncset.done $0x0  }
0x5e: {  	s28 =	sadd.s32 $0x1800, s23;
	[sflag:s20] =	ssyncadd.s32 $0xFFFFC000  }
0x5f: {  	[spmem:s1] =	stream.indirect.scatter.add.f32 [tilespmem:s18], [sflag:$0x3], $0x80, s28, s17, $0xb8;
	[tilespmem:$0x1EC00] =	vst v63  }
0x60: {  	_ =	swait.ge [sflag:s15], $0x4000  }
0x61: {  	[sflag:s15] =	ssyncset.done $0x0  }
0x62: {  	s29 =	sadd.s32 $0x100, s23;
	[sflag:s15] =	ssyncadd.s32 $0xFFFFC000  }
0x63: {  	[tilespmem:s18], [sflag:$0x1] =	stream.indirect.gather [hbm4b:s4+s17], $0x80, s29, s17, $0xb8;
	[tilespmem:$0x1EC00] =	vst v63  }
0x64: {  	_ =	swait.ge [sflag:s21], $0x4000  }
0x65: {  	[sflag:s21] =	ssyncset.done $0x0  }
0x66: {  	s30 =	sadd.s32 $0x1880, s23;
	[sflag:s21] =	ssyncadd.s32 $0xFFFFC000  }
0x67: {  	[spmem:s1] =	stream.indirect.scatter.add.f32 [tilespmem:s19], [sflag:$0x3], $0x80, s30, s17, $0xb8;
	[tilespmem:$0x1EC00] =	vst v63  }
0x68: {  	_ =	swait.ge [sflag:s15], $0x4000  }
0x69: {  	[sflag:s15] =	ssyncset.done $0x0  }
0x6a: {  	[sflag:s15] =	ssyncadd.s32 $0xFFFFC000  }
0x6b: {  	_ =	swait.ge [sflag:s20], $0x4000  }
0x6c: {  	[sflag:s20] =	ssyncset.done $0x0  }
0x6d: {  	s31 =	simm.s32 $0x0;
	[sflag:s20] =	ssyncadd.s32 $0xFFFFC000  }
0x6e: {  	[tilespmem:s31], [sflag:$0x3] =	stream.linear.gather [hbm4b:s9+s31], $0x1800, $0x38;
	[tilespmem:$0x1EC00] =	vst v63  }
0x6f: {  	_ =	swait.ge [sflag:s15], $0x1800  }
0x70: {  	[sflag:s15] =	ssyncset.done $0x0  }
0x71: {  	[sflag:s15] =	ssyncadd.s32 $0xFFFFE800  }
0x72: {  	[tilespmem:s16], [sflag:$0x3] =	stream.linear.gather [hbm4b:s10+s31], $0x1400, $0x38;
	[tilespmem:$0x1EC00] =	vst v63  }
0x73: {  	_ =	swait.ge [sflag:s15], $0x1400  }
0x74: {  	[sflag:s15] =	ssyncset.done $0x0  }
0x75: {  	s23 =	simm.s32 $0x0;
	[sflag:s15] =	ssyncadd.s32 $0xFFFFEC00  }
0x76: {  	v3 =	vld [tilespmem:s23+$0x0]  }
0x77: {  	v4 =	vld [tilespmem:s23+$0x10]  }
0x78: {  	v6 =	vld [tilespmem:s23+$0x20]  }
0x79: {  	v5 =	vld [tilespmem:s23+$0x30]  }
0x7a: {  	v2 =	vld [tilespmem:s23+$0x40]  }
0x7b: {  	v7 =	vshll.u32 v3, $0x2;
	v3 =	vld [tilespmem:s23+$0x50]  }
0x7c: {  	s24 =	simm.s32 $0x200;
	v8 =	vshll.u32 v4, $0x2;
	v4 =	vld [tilespmem:s23+$0x60];
	v7 =	vor.u32 v0, v7  }
.LBB2_6:
0x7d: {  	s25 =	sshra.s32 s24, $0x2;
	p0 =	sne.s32 s24, $0x5E00;
	[tilespmem:s23+$0x0] =	vst v7;
	v7 =	vor.u32 v0, v8;
	v6 =	vshll.u32 v6, $0x2;
	v8 =	vld [tilespmem:s23+$0x70]  }
0x7e: {  	v9 =	vld [tilespmem:s25+$0x0];
	[tilespmem:s23+$0x10] =	vst v7;
	v6 =	vor.u32 v0, v6;
	v5 =	vshll.u32 v5, $0x2  }
0x7f: {  	v10 =	vld [tilespmem:s25+$0x10];
	[tilespmem:s23+$0x20] =	vst v6;
	v5 =	vor.u32 v0, v5;
	v2 =	vshll.u32 v2, $0x2  }
.Ltmp2:
0x80: {  	v6 =	vld [tilespmem:s25+$0x20];
	[tilespmem:s23+$0x30] =	vst v5;
	v2 =	vor.u32 v0, v2;
	v3 =	vshll.u32 v3, $0x2;
	(pc) =	sbr.rel @p0 .LBB2_6-.Ltmp2, $4  }
0x81: {  	v5 =	vld [tilespmem:s25+$0x30];
	[tilespmem:s23+$0x40] =	vst v2;
	v3 =	vor.u32 v0, v3;
	v4 =	vshll.u32 v4, $0x2  }
0x82: {  	v2 =	vld [tilespmem:s25+$0x40];
	[tilespmem:s23+$0x50] =	vst v3;
	v4 =	vor.u32 v0, v4;
	v7 =	vshll.u32 v8, $0x2  }
0x83: {  	v8 =	vshll.u32 v9, $0x2;
	v3 =	vld [tilespmem:s25+$0x50];
	[tilespmem:s23+$0x60] =	vst v4;
	v9 =	vor.u32 v0, v7  }
0x84: {  	s24 =	sadd.s32 $0x200, s24;
	v7 =	vor.u32 v0, v8;
	v8 =	vshll.u32 v10, $0x2;
	v4 =	vld [tilespmem:s25+$0x60];
	[tilespmem:s23+$0x70] =	vst v9;
	s23 =	smov.u32 s25  }
0x85: {  	[tilespmem:s23+$0x0] =	vst v7;
	v62 =	vor.u32 v0, v8;
	v6 =	vshll.u32 v6, $0x2;
	v63 =	vld [tilespmem:s23+$0x70]  }
0x86: {  	[tilespmem:s23+$0x10] =	vst v62;
	v6 =	vor.u32 v0, v6;
	v5 =	vshll.u32 v5, $0x2  }
0x87: {  	[tilespmem:s23+$0x20] =	vst v6;
	v5 =	vor.u32 v0, v5;
	v2 =	vshll.u32 v2, $0x2  }
0x88: {  	[tilespmem:s23+$0x30] =	vst v5;
	v2 =	vor.u32 v0, v2;
	v3 =	vshll.u32 v3, $0x2  }
0x89: {  	[tilespmem:s23+$0x40] =	vst v2;
	v2 =	vor.u32 v0, v3;
	v3 =	vshll.u32 v4, $0x2  }
0x8a: {  	[tilespmem:s23+$0x50] =	vst v2;
	v2 =	vor.u32 v0, v3;
	v3 =	vshll.u32 v63, $0x2  }
0x8b: {  	[tilespmem:s23+$0x60] =	vst v2;
	v2 =	vor.u32 v0, v3  }
0x8c: {  	s26 =	simm.s32 $0x0;
	[tilespmem:s23+$0x70] =	vst v2  }
0x8d: {  	[tilespmem:s18], [sflag:$0x1] =	stream.indirect.gather [hbm4b:s4+s17], $0x80, s26, s17, $0xb8;
	[tilespmem:$0x1EC00] =	vst v63  }
0x8e: {  	s28 =	simm.s32 $0x80  }
0x8f: {  	[tilespmem:s19], [sflag:$0x2] =	stream.indirect.gather [hbm4b:s4+s17], $0x80, s28, s17, $0xb8;
	[tilespmem:$0x1EC00] =	vst v63  }
0x90: {  	_ =	swait.ge [sflag:s20], $0x4000  }
0x91: {  	[sflag:s20] =	ssyncset.done $0x0  }
0x92: {  	s29 =	simm.s32 $0x1800;
	[sflag:s20] =	ssyncadd.s32 $0xFFFFC000  }
0x93: {  	[spmem:s1] =	stream.indirect.scatter.add.f32 [tilespmem:s18], [sflag:$0x3], $0x80, s29, s17, $0xb8;
	[tilespmem:$0x1EC00] =	vst v63  }
0x94: {  	_ =	swait.ge [sflag:s15], $0x4000  }
0x95: {  	[sflag:s15] =	ssyncset.done $0x0  }
0x96: {  	s30 =	simm.s32 $0x100;
	[sflag:s15] =	ssyncadd.s32 $0xFFFFC000  }
0x97: {  	[tilespmem:s18], [sflag:$0x1] =	stream.indirect.gather [hbm4b:s4+s17], $0x80, s30, s17, $0xb8;
	[tilespmem:$0x1EC00] =	vst v63  }
0x98: {  	_ =	swait.ge [sflag:s21], $0x4000  }
0x99: {  	[sflag:s21] =	ssyncset.done $0x0  }
0x9a: {  	s31 =	simm.s32 $0x1880;
	[sflag:s21] =	ssyncadd.s32 $0xFFFFC000  }
0x9b: {  	[spmem:s1] =	stream.indirect.scatter.add.f32 [tilespmem:s19], [sflag:$0x3], $0x80, s31, s17, $0xb8;
	[tilespmem:$0x1EC00] =	vst v63  }
0x9c: {  	_ =	swait.ge [sflag:s15], $0x4000  }
0x9d: {  	s24 =	simm.s32 $0x800;
	s23 =	simm.s32 $0x100;
	[sflag:s15] =	ssyncset.done $0x0  }
.LBB2_8:
0x9e: {  	s25 =	sadd.s32 $0x80, s23  }
0x9f: {  	[sflag:s15] =	ssyncadd.s32 $0xFFFFC000;
	s26 =	smov.u32 s24;
	s28 =	sadd.s32 $0x400, s24  }
0xa0: {  	[tilespmem:s19], [sflag:$0x2] =	stream.indirect.gather [hbm4b:s4+s17], $0x80, s25, s17, $0xb8;
	[tilespmem:$0x1EC00] =	vst v63  }
0xa1: {  	p0 =	sne.s32 s24, $0x4C00;
	_ =	swait.ge [sflag:s20], $0x4000  }
0xa2: {  	[sflag:s20] =	ssyncset.done $0x0  }
0xa3: {  	s24 =	sadd.s32 $0x1800, s23;
	[sflag:s20] =	ssyncadd.s32 $0xFFFFC000  }
0xa4: {  	[spmem:s1] =	stream.indirect.scatter.add.f32 [tilespmem:s18], [sflag:$0x3], $0x80, s24, s17, $0xb8;
	[tilespmem:$0x1EC00] =	vst v63  }
0xa5: {  	_ =	swait.ge [sflag:s15], $0x4000  }
0xa6: {  	[sflag:s15] =	ssyncset.done $0x0  }
0xa7: {  	s24 =	sadd.s32 $0x100, s23;
	[sflag:s15] =	ssyncadd.s32 $0xFFFFC000  }
0xa8: {  	[tilespmem:s18], [sflag:$0x1] =	stream.indirect.gather [hbm4b:s4+s17], $0x80, s24, s17, $0xb8;
	[tilespmem:$0x1EC00] =	vst v63  }
0xa9: {  	_ =	swait.ge [sflag:s21], $0x4000  }
.Ltmp3:
0xaa: {  	[sflag:s21] =	ssyncset.done $0x0;
	(pc) =	sbr.rel @p0 .LBB2_8-.Ltmp3, $4  }
0xab: {  	s23 =	sadd.s32 $0x1880, s23;
	[sflag:s21] =	ssyncadd.s32 $0xFFFFC000  }
0xac: {  	[spmem:s1] =	stream.indirect.scatter.add.f32 [tilespmem:s19], [sflag:$0x3], $0x80, s23, s17, $0xb8;
	[tilespmem:$0x1EC00] =	vst v63  }
0xad: {  	_ =	swait.ge [sflag:s15], $0x4000  }
0xae: {  	s24 =	smov.u32 s28;
	s23 =	sshra.s32 s26, $0x2;
	[sflag:s15] =	ssyncset.done $0x0  }
0xaf: {  	s24 =	sadd.s32 $0x80, s23;
	[sflag:s15] =	ssyncadd.s32 $0xFFFFC000  }
0xb0: {  	[tilespmem:s19], [sflag:$0x2] =	stream.indirect.gather [hbm4b:s4+s17], $0x80, s24, s17, $0xb8;
	[tilespmem:$0x1EC00] =	vst v63  }
0xb1: {  	_ =	swait.ge [sflag:s20], $0x4000  }
0xb2: {  	[sflag:s20] =	ssyncset.done $0x0  }
0xb3: {  	s28 =	sadd.s32 $0x1800, s23;
	[sflag:s20] =	ssyncadd.s32 $0xFFFFC000  }
0xb4: {  	[spmem:s1] =	stream.indirect.scatter.add.f32 [tilespmem:s18], [sflag:$0x3], $0x80, s28, s17, $0xb8;
	[tilespmem:$0x1EC00] =	vst v63  }
0xb5: {  	_ =	swait.ge [sflag:s15], $0x4000  }
0xb6: {  	[sflag:s15] =	ssyncset.done $0x0  }
0xb7: {  	s29 =	sadd.s32 $0x100, s23;
	[sflag:s15] =	ssyncadd.s32 $0xFFFFC000  }
0xb8: {  	[tilespmem:s18], [sflag:$0x1] =	stream.indirect.gather [hbm4b:s4+s17], $0x80, s29, s17, $0xb8;
	[tilespmem:$0x1EC00] =	vst v63  }
0xb9: {  	_ =	swait.ge [sflag:s21], $0x4000  }
0xba: {  	[sflag:s21] =	ssyncset.done $0x0  }
0xbb: {  	s30 =	sadd.s32 $0x1880, s23;
	[sflag:s21] =	ssyncadd.s32 $0xFFFFC000  }
0xbc: {  	[spmem:s1] =	stream.indirect.scatter.add.f32 [tilespmem:s19], [sflag:$0x3], $0x80, s30, s17, $0xb8;
	[tilespmem:$0x1EC00] =	vst v63  }
0xbd: {  	_ =	swait.ge [sflag:s15], $0x4000  }
0xbe: {  	[sflag:s15] =	ssyncset.done $0x0  }
0xbf: {  	[sflag:s15] =	ssyncadd.s32 $0xFFFFC000  }
0xc0: {  	_ =	swait.ge [sflag:s20], $0x4000  }
0xc1: {  	[sflag:s20] =	ssyncset.done $0x0  }
0xc2: {  	[sflag:s20] =	ssyncadd.s32 $0xFFFFC000  }
0xc3: {  	[bflag:$0x0] =	sbarrier.arrive $0xFFFF  }
0xc4: {  	[hbm:s11], [sflag:s6] =	dma.local [spmem:s14], $0x2800  }
0xc5: {  	_ =	swait.ge [sflag:s15], $0x2800  }
0xc6: {  	[sflag:s15] =	ssyncset.done $0x0  }
0xc7: {  	[sflag:s15] =	ssyncadd.s32 $0xFFFFD800  }
0xc8: {  	[bflag:$0x0] =	sbarrier.arrive $0xFFFF  }
0xc9: {  	[spmem:s14], [sflag:s6] =	dma.local [hbm:s5], $0x2800  }
0xca: {  	_ =	swait.ge [sflag:s15], $0x2800  }
0xcb: {  	[sflag:s15] =	ssyncset.done $0x0  }
0xcc: {  	[sflag:s15] =	ssyncadd.s32 $0xFFFFD800  }
0xcd: {  	s31 =	simm.s32 $0x0;
	[bflag:$0x0] =	sbarrier.arrive $0xFFFF  }
0xce: {  	[tilespmem:s31], [sflag:$0x3] =	stream.linear.gather [hbm4b:s7+s31], $0x1800, $0x38;
	[tilespmem:$0x1EC00] =	vst v63  }
0xcf: {  	_ =	swait.ge [sflag:s15], $0x1800  }
0xd0: {  	[sflag:s15] =	ssyncset.done $0x0  }
0xd1: {  	[sflag:s15] =	ssyncadd.s32 $0xFFFFE800  }
0xd2: {  	[tilespmem:s16], [sflag:$0x3] =	stream.linear.gather [hbm4b:s8+s31], $0x1400, $0x38;
	[tilespmem:$0x1EC00] =	vst v63  }
0xd3: {  	_ =	swait.ge [sflag:s15], $0x1400  }
0xd4: {  	[sflag:s15] =	ssyncset.done $0x0  }
0xd5: {  	s23 =	simm.s32 $0x0;
	[sflag:s15] =	ssyncadd.s32 $0xFFFFEC00  }
0xd6: {  	v3 =	vld [tilespmem:s23+$0x0]  }
0xd7: {  	v4 =	vld [tilespmem:s23+$0x10]  }
0xd8: {  	v6 =	vld [tilespmem:s23+$0x20]  }
0xd9: {  	v5 =	vld [tilespmem:s23+$0x30]  }
0xda: {  	v2 =	vld [tilespmem:s23+$0x40]  }
0xdb: {  	v7 =	vshll.u32 v3, $0x2;
	v3 =	vld [tilespmem:s23+$0x50]  }
0xdc: {  	s24 =	simm.s32 $0x200;
	v8 =	vshll.u32 v4, $0x2;
	v4 =	vld [tilespmem:s23+$0x60];
	v7 =	vor.u32 v1, v7  }
.LBB2_10:
0xdd: {  	s25 =	sshra.s32 s24, $0x2;
	p0 =	sne.s32 s24, $0x5E00;
	[tilespmem:s23+$0x0] =	vst v7;
	v7 =	vor.u32 v1, v8;
	v6 =	vshll.u32 v6, $0x2;
	v8 =	vld [tilespmem:s23+$0x70]  }
0xde: {  	v9 =	vld [tilespmem:s25+$0x0];
	[tilespmem:s23+$0x10] =	vst v7;
	v6 =	vor.u32 v1, v6;
	v5 =	vshll.u32 v5, $0x2  }
0xdf: {  	v10 =	vld [tilespmem:s25+$0x10];
	[tilespmem:s23+$0x20] =	vst v6;
	v5 =	vor.u32 v1, v5;
	v2 =	vshll.u32 v2, $0x2  }
.Ltmp4:
0xe0: {  	v6 =	vld [tilespmem:s25+$0x20];
	[tilespmem:s23+$0x30] =	vst v5;
	v2 =	vor.u32 v1, v2;
	v3 =	vshll.u32 v3, $0x2;
	(pc) =	sbr.rel @p0 .LBB2_10-.Ltmp4, $4  }
0xe1: {  	v5 =	vld [tilespmem:s25+$0x30];
	[tilespmem:s23+$0x40] =	vst v2;
	v3 =	vor.u32 v1, v3;
	v4 =	vshll.u32 v4, $0x2  }
0xe2: {  	v2 =	vld [tilespmem:s25+$0x40];
	[tilespmem:s23+$0x50] =	vst v3;
	v4 =	vor.u32 v1, v4;
	v7 =	vshll.u32 v8, $0x2  }
0xe3: {  	v8 =	vshll.u32 v9, $0x2;
	v3 =	vld [tilespmem:s25+$0x50];
	[tilespmem:s23+$0x60] =	vst v4;
	v9 =	vor.u32 v1, v7  }
0xe4: {  	s24 =	sadd.s32 $0x200, s24;
	v7 =	vor.u32 v1, v8;
	v8 =	vshll.u32 v10, $0x2;
	v4 =	vld [tilespmem:s25+$0x60];
	[tilespmem:s23+$0x70] =	vst v9;
	s23 =	smov.u32 s25  }
0xe5: {  	[tilespmem:s23+$0x0] =	vst v7;
	v62 =	vor.u32 v1, v8;
	v6 =	vshll.u32 v6, $0x2;
	v63 =	vld [tilespmem:s23+$0x70]  }
0xe6: {  	[tilespmem:s23+$0x10] =	vst v62;
	v6 =	vor.u32 v1, v6;
	v5 =	vshll.u32 v5, $0x2  }
0xe7: {  	[tilespmem:s23+$0x20] =	vst v6;
	v5 =	vor.u32 v1, v5;
	v2 =	vshll.u32 v2, $0x2  }
0xe8: {  	[tilespmem:s23+$0x30] =	vst v5;
	v2 =	vor.u32 v1, v2;
	v3 =	vshll.u32 v3, $0x2  }
0xe9: {  	[tilespmem:s23+$0x40] =	vst v2;
	v2 =	vor.u32 v1, v3;
	v3 =	vshll.u32 v4, $0x2  }
0xea: {  	[tilespmem:s23+$0x50] =	vst v2;
	v2 =	vor.u32 v1, v3;
	v3 =	vshll.u32 v63, $0x2  }
0xeb: {  	[tilespmem:s23+$0x60] =	vst v2;
	v2 =	vor.u32 v1, v3  }
0xec: {  	s26 =	simm.s32 $0x0;
	[tilespmem:s23+$0x70] =	vst v2  }
0xed: {  	[tilespmem:s18], [sflag:$0x1] =	stream.indirect.gather [hbm4b:s4+s17], $0x80, s26, s17, $0xb8;
	[tilespmem:$0x1EC00] =	vst v63  }
0xee: {  	s28 =	simm.s32 $0x80  }
0xef: {  	[tilespmem:s19], [sflag:$0x2] =	stream.indirect.gather [hbm4b:s4+s17], $0x80, s28, s17, $0xb8;
	[tilespmem:$0x1EC00] =	vst v63  }
0xf0: {  	_ =	swait.ge [sflag:s20], $0x4000  }
0xf1: {  	[sflag:s20] =	ssyncset.done $0x0  }
0xf2: {  	s29 =	simm.s32 $0x1800;
	[sflag:s20] =	ssyncadd.s32 $0xFFFFC000  }
0xf3: {  	[spmem:s1] =	stream.indirect.scatter.add.f32 [tilespmem:s18], [sflag:$0x3], $0x80, s29, s17, $0xb8;
	[tilespmem:$0x1EC00] =	vst v63  }
0xf4: {  	_ =	swait.ge [sflag:s15], $0x4000  }
0xf5: {  	[sflag:s15] =	ssyncset.done $0x0  }
0xf6: {  	s30 =	simm.s32 $0x100;
	[sflag:s15] =	ssyncadd.s32 $0xFFFFC000  }
0xf7: {  	[tilespmem:s18], [sflag:$0x1] =	stream.indirect.gather [hbm4b:s4+s17], $0x80, s30, s17, $0xb8;
	[tilespmem:$0x1EC00] =	vst v63  }
0xf8: {  	_ =	swait.ge [sflag:s21], $0x4000  }
0xf9: {  	[sflag:s21] =	ssyncset.done $0x0  }
0xfa: {  	s31 =	simm.s32 $0x1880;
	[sflag:s21] =	ssyncadd.s32 $0xFFFFC000  }
0xfb: {  	[spmem:s1] =	stream.indirect.scatter.add.f32 [tilespmem:s19], [sflag:$0x3], $0x80, s31, s17, $0xb8;
	[tilespmem:$0x1EC00] =	vst v63  }
0xfc: {  	_ =	swait.ge [sflag:s15], $0x4000  }
0xfd: {  	s24 =	simm.s32 $0x800;
	s23 =	simm.s32 $0x100;
	[sflag:s15] =	ssyncset.done $0x0  }
.LBB2_12:
0xfe: {  	s25 =	sadd.s32 $0x80, s23  }
0xff: {  	[sflag:s15] =	ssyncadd.s32 $0xFFFFC000;
	s26 =	smov.u32 s24;
	s28 =	sadd.s32 $0x400, s24  }
0x100: {  	[tilespmem:s19], [sflag:$0x2] =	stream.indirect.gather [hbm4b:s4+s17], $0x80, s25, s17, $0xb8;
	[tilespmem:$0x1EC00] =	vst v63  }
0x101: {  	p0 =	sne.s32 s24, $0x4C00;
	_ =	swait.ge [sflag:s20], $0x4000  }
0x102: {  	[sflag:s20] =	ssyncset.done $0x0  }
0x103: {  	s24 =	sadd.s32 $0x1800, s23;
	[sflag:s20] =	ssyncadd.s32 $0xFFFFC000  }
0x104: {  	[spmem:s1] =	stream.indirect.scatter.add.f32 [tilespmem:s18], [sflag:$0x3], $0x80, s24, s17, $0xb8;
	[tilespmem:$0x1EC00] =	vst v63  }
0x105: {  	_ =	swait.ge [sflag:s15], $0x4000  }
0x106: {  	[sflag:s15] =	ssyncset.done $0x0  }
0x107: {  	s24 =	sadd.s32 $0x100, s23;
	[sflag:s15] =	ssyncadd.s32 $0xFFFFC000  }
0x108: {  	[tilespmem:s18], [sflag:$0x1] =	stream.indirect.gather [hbm4b:s4+s17], $0x80, s24, s17, $0xb8;
	[tilespmem:$0x1EC00] =	vst v63  }
0x109: {  	_ =	swait.ge [sflag:s21], $0x4000  }
.Ltmp5:
0x10a: {  	[sflag:s21] =	ssyncset.done $0x0;
	(pc) =	sbr.rel @p0 .LBB2_12-.Ltmp5, $4  }
0x10b: {  	s23 =	sadd.s32 $0x1880, s23;
	[sflag:s21] =	ssyncadd.s32 $0xFFFFC000  }
0x10c: {  	[spmem:s1] =	stream.indirect.scatter.add.f32 [tilespmem:s19], [sflag:$0x3], $0x80, s23, s17, $0xb8;
	[tilespmem:$0x1EC00] =	vst v63  }
0x10d: {  	_ =	swait.ge [sflag:s15], $0x4000  }
0x10e: {  	s24 =	smov.u32 s28;
	s23 =	sshra.s32 s26, $0x2;
	[sflag:s15] =	ssyncset.done $0x0  }
0x10f: {  	s24 =	sadd.s32 $0x80, s23;
	[sflag:s15] =	ssyncadd.s32 $0xFFFFC000  }
0x110: {  	[tilespmem:s19], [sflag:$0x2] =	stream.indirect.gather [hbm4b:s4+s17], $0x80, s24, s17, $0xb8;
	[tilespmem:$0x1EC00] =	vst v63  }
0x111: {  	_ =	swait.ge [sflag:s20], $0x4000  }
0x112: {  	[sflag:s20] =	ssyncset.done $0x0  }
0x113: {  	s28 =	sadd.s32 $0x1800, s23;
	[sflag:s20] =	ssyncadd.s32 $0xFFFFC000  }
0x114: {  	[spmem:s1] =	stream.indirect.scatter.add.f32 [tilespmem:s18], [sflag:$0x3], $0x80, s28, s17, $0xb8;
	[tilespmem:$0x1EC00] =	vst v63  }
0x115: {  	_ =	swait.ge [sflag:s15], $0x4000  }
0x116: {  	[sflag:s15] =	ssyncset.done $0x0  }
0x117: {  	s29 =	sadd.s32 $0x100, s23;
	[sflag:s15] =	ssyncadd.s32 $0xFFFFC000  }
0x118: {  	[tilespmem:s18], [sflag:$0x1] =	stream.indirect.gather [hbm4b:s4+s17], $0x80, s29, s17, $0xb8;
	[tilespmem:$0x1EC00] =	vst v63  }
0x119: {  	_ =	swait.ge [sflag:s21], $0x4000  }
0x11a: {  	[sflag:s21] =	ssyncset.done $0x0  }
0x11b: {  	s30 =	sadd.s32 $0x1880, s23;
	[sflag:s21] =	ssyncadd.s32 $0xFFFFC000  }
0x11c: {  	[spmem:s1] =	stream.indirect.scatter.add.f32 [tilespmem:s19], [sflag:$0x3], $0x80, s30, s17, $0xb8;
	[tilespmem:$0x1EC00] =	vst v63  }
0x11d: {  	_ =	swait.ge [sflag:s15], $0x4000  }
0x11e: {  	[sflag:s15] =	ssyncset.done $0x0  }
0x11f: {  	[sflag:s15] =	ssyncadd.s32 $0xFFFFC000  }
0x120: {  	_ =	swait.ge [sflag:s20], $0x4000  }
0x121: {  	[sflag:s20] =	ssyncset.done $0x0  }
0x122: {  	s31 =	simm.s32 $0x0;
	[sflag:s20] =	ssyncadd.s32 $0xFFFFC000  }
0x123: {  	[tilespmem:s31], [sflag:$0x3] =	stream.linear.gather [hbm4b:s9+s31], $0x1800, $0x38;
	[tilespmem:$0x1EC00] =	vst v63  }
0x124: {  	_ =	swait.ge [sflag:s15], $0x1800  }
0x125: {  	[sflag:s15] =	ssyncset.done $0x0  }
0x126: {  	[sflag:s15] =	ssyncadd.s32 $0xFFFFE800  }
0x127: {  	[tilespmem:s16], [sflag:$0x3] =	stream.linear.gather [hbm4b:s10+s31], $0x1400, $0x38;
	[tilespmem:$0x1EC00] =	vst v63  }
0x128: {  	_ =	swait.ge [sflag:s15], $0x1400  }
0x129: {  	[sflag:s15] =	ssyncset.done $0x0  }
0x12a: {  	s23 =	simm.s32 $0x0;
	[sflag:s15] =	ssyncadd.s32 $0xFFFFEC00  }
0x12b: {  	v3 =	vld [tilespmem:s23+$0x0]  }
0x12c: {  	v4 =	vld [tilespmem:s23+$0x10]  }
0x12d: {  	v6 =	vld [tilespmem:s23+$0x20]  }
0x12e: {  	v5 =	vld [tilespmem:s23+$0x30]  }
0x12f: {  	v2 =	vld [tilespmem:s23+$0x40]  }
0x130: {  	v7 =	vshll.u32 v3, $0x2;
	v3 =	vld [tilespmem:s23+$0x50]  }
0x131: {  	s24 =	simm.s32 $0x200;
	v8 =	vshll.u32 v4, $0x2;
	v4 =	vld [tilespmem:s23+$0x60];
	v7 =	vor.u32 v1, v7  }
.LBB2_14:
0x132: {  	s25 =	sshra.s32 s24, $0x2;
	p0 =	sne.s32 s24, $0x5E00;
	[tilespmem:s23+$0x0] =	vst v7;
	v7 =	vor.u32 v1, v8;
	v6 =	vshll.u32 v6, $0x2;
	v8 =	vld [tilespmem:s23+$0x70]  }
0x133: {  	v9 =	vld [tilespmem:s25+$0x0];
	[tilespmem:s23+$0x10] =	vst v7;
	v6 =	vor.u32 v1, v6;
	v5 =	vshll.u32 v5, $0x2  }
0x134: {  	v10 =	vld [tilespmem:s25+$0x10];
	[tilespmem:s23+$0x20] =	vst v6;
	v5 =	vor.u32 v1, v5;
	v2 =	vshll.u32 v2, $0x2  }
.Ltmp6:
0x135: {  	v6 =	vld [tilespmem:s25+$0x20];
	[tilespmem:s23+$0x30] =	vst v5;
	v2 =	vor.u32 v1, v2;
	v3 =	vshll.u32 v3, $0x2;
	(pc) =	sbr.rel @p0 .LBB2_14-.Ltmp6, $4  }
0x136: {  	v5 =	vld [tilespmem:s25+$0x30];
	[tilespmem:s23+$0x40] =	vst v2;
	v3 =	vor.u32 v1, v3;
	v4 =	vshll.u32 v4, $0x2  }
0x137: {  	v2 =	vld [tilespmem:s25+$0x40];
	[tilespmem:s23+$0x50] =	vst v3;
	v4 =	vor.u32 v1, v4;
	v7 =	vshll.u32 v8, $0x2  }
0x138: {  	v8 =	vshll.u32 v9, $0x2;
	v3 =	vld [tilespmem:s25+$0x50];
	[tilespmem:s23+$0x60] =	vst v4;
	v9 =	vor.u32 v1, v7  }
0x139: {  	s24 =	sadd.s32 $0x200, s24;
	v7 =	vor.u32 v1, v8;
	v8 =	vshll.u32 v10, $0x2;
	v4 =	vld [tilespmem:s25+$0x60];
	[tilespmem:s23+$0x70] =	vst v9;
	s23 =	smov.u32 s25  }
0x13a: {  	[tilespmem:s23+$0x0] =	vst v7;
	v62 =	vor.u32 v1, v8;
	v6 =	vshll.u32 v6, $0x2;
	v63 =	vld [tilespmem:s23+$0x70]  }
0x13b: {  	[tilespmem:s23+$0x10] =	vst v62;
	v6 =	vor.u32 v1, v6;
	v5 =	vshll.u32 v5, $0x2  }
0x13c: {  	[tilespmem:s23+$0x20] =	vst v6;
	v5 =	vor.u32 v1, v5;
	v2 =	vshll.u32 v2, $0x2  }
0x13d: {  	[tilespmem:s23+$0x30] =	vst v5;
	v2 =	vor.u32 v1, v2;
	v3 =	vshll.u32 v3, $0x2  }
0x13e: {  	[tilespmem:s23+$0x40] =	vst v2;
	v2 =	vor.u32 v1, v3;
	v3 =	vshll.u32 v4, $0x2  }
0x13f: {  	[tilespmem:s23+$0x50] =	vst v2;
	v2 =	vor.u32 v1, v3;
	v3 =	vshll.u32 v63, $0x2  }
0x140: {  	[tilespmem:s23+$0x60] =	vst v2;
	v2 =	vor.u32 v1, v3  }
0x141: {  	s26 =	simm.s32 $0x0;
	[tilespmem:s23+$0x70] =	vst v2  }
0x142: {  	[tilespmem:s18], [sflag:$0x1] =	stream.indirect.gather [hbm4b:s4+s17], $0x80, s26, s17, $0xb8;
	[tilespmem:$0x1EC00] =	vst v63  }
0x143: {  	s28 =	simm.s32 $0x80  }
0x144: {  	[tilespmem:s19], [sflag:$0x2] =	stream.indirect.gather [hbm4b:s4+s17], $0x80, s28, s17, $0xb8;
	[tilespmem:$0x1EC00] =	vst v63  }
0x145: {  	_ =	swait.ge [sflag:s20], $0x4000  }
0x146: {  	[sflag:s20] =	ssyncset.done $0x0  }
0x147: {  	s29 =	simm.s32 $0x1800;
	[sflag:s20] =	ssyncadd.s32 $0xFFFFC000  }
0x148: {  	[spmem:s1] =	stream.indirect.scatter.add.f32 [tilespmem:s18], [sflag:$0x3], $0x80, s29, s17, $0xb8;
	[tilespmem:$0x1EC00] =	vst v63  }
0x149: {  	_ =	swait.ge [sflag:s15], $0x4000  }
0x14a: {  	[sflag:s15] =	ssyncset.done $0x0  }
0x14b: {  	s30 =	simm.s32 $0x100;
	[sflag:s15] =	ssyncadd.s32 $0xFFFFC000  }
0x14c: {  	[tilespmem:s18], [sflag:$0x1] =	stream.indirect.gather [hbm4b:s4+s17], $0x80, s30, s17, $0xb8;
	[tilespmem:$0x1EC00] =	vst v63  }
0x14d: {  	_ =	swait.ge [sflag:s21], $0x4000  }
0x14e: {  	[sflag:s21] =	ssyncset.done $0x0  }
0x14f: {  	s31 =	simm.s32 $0x1880;
	[sflag:s21] =	ssyncadd.s32 $0xFFFFC000  }
0x150: {  	[spmem:s1] =	stream.indirect.scatter.add.f32 [tilespmem:s19], [sflag:$0x3], $0x80, s31, s17, $0xb8;
	[tilespmem:$0x1EC00] =	vst v63  }
0x151: {  	_ =	swait.ge [sflag:s15], $0x4000  }
0x152: {  	s24 =	simm.s32 $0x800;
	s23 =	simm.s32 $0x100;
	[sflag:s15] =	ssyncset.done $0x0  }
.LBB2_16:
0x153: {  	s25 =	sadd.s32 $0x80, s23  }
0x154: {  	[sflag:s15] =	ssyncadd.s32 $0xFFFFC000;
	s26 =	smov.u32 s24;
	s28 =	sadd.s32 $0x400, s24  }
0x155: {  	[tilespmem:s19], [sflag:$0x2] =	stream.indirect.gather [hbm4b:s4+s17], $0x80, s25, s17, $0xb8;
	[tilespmem:$0x1EC00] =	vst v63  }
0x156: {  	p0 =	sne.s32 s24, $0x4C00;
	_ =	swait.ge [sflag:s20], $0x4000  }
0x157: {  	[sflag:s20] =	ssyncset.done $0x0  }
0x158: {  	s24 =	sadd.s32 $0x1800, s23;
	[sflag:s20] =	ssyncadd.s32 $0xFFFFC000  }
0x159: {  	[spmem:s1] =	stream.indirect.scatter.add.f32 [tilespmem:s18], [sflag:$0x3], $0x80, s24, s17, $0xb8;
	[tilespmem:$0x1EC00] =	vst v63  }
0x15a: {  	_ =	swait.ge [sflag:s15], $0x4000  }
0x15b: {  	[sflag:s15] =	ssyncset.done $0x0  }
0x15c: {  	s24 =	sadd.s32 $0x100, s23;
	[sflag:s15] =	ssyncadd.s32 $0xFFFFC000  }
0x15d: {  	[tilespmem:s18], [sflag:$0x1] =	stream.indirect.gather [hbm4b:s4+s17], $0x80, s24, s17, $0xb8;
	[tilespmem:$0x1EC00] =	vst v63  }
0x15e: {  	_ =	swait.ge [sflag:s21], $0x4000  }
.Ltmp7:
0x15f: {  	[sflag:s21] =	ssyncset.done $0x0;
	(pc) =	sbr.rel @p0 .LBB2_16-.Ltmp7, $4  }
0x160: {  	s23 =	sadd.s32 $0x1880, s23;
	[sflag:s21] =	ssyncadd.s32 $0xFFFFC000  }
0x161: {  	[spmem:s1] =	stream.indirect.scatter.add.f32 [tilespmem:s19], [sflag:$0x3], $0x80, s23, s17, $0xb8;
	[tilespmem:$0x1EC00] =	vst v63  }
0x162: {  	_ =	swait.ge [sflag:s15], $0x4000  }
0x163: {  	s24 =	smov.u32 s28;
	s23 =	sshra.s32 s26, $0x2;
	[sflag:s15] =	ssyncset.done $0x0  }
0x164: {  	s24 =	sadd.s32 $0x80, s23;
	[sflag:s15] =	ssyncadd.s32 $0xFFFFC000  }
0x165: {  	[tilespmem:s19], [sflag:$0x2] =	stream.indirect.gather [hbm4b:s4+s17], $0x80, s24, s17, $0xb8;
	[tilespmem:$0x1EC00] =	vst v63  }
0x166: {  	_ =	swait.ge [sflag:s20], $0x4000  }
0x167: {  	[sflag:s20] =	ssyncset.done $0x0  }
0x168: {  	s29 =	sadd.s32 $0x1800, s23;
	[sflag:s20] =	ssyncadd.s32 $0xFFFFC000  }
0x169: {  	[spmem:s1] =	stream.indirect.scatter.add.f32 [tilespmem:s18], [sflag:$0x3], $0x80, s29, s17, $0xb8;
	[tilespmem:$0x1EC00] =	vst v63  }
0x16a: {  	_ =	swait.ge [sflag:s15], $0x4000  }
0x16b: {  	[sflag:s15] =	ssyncset.done $0x0  }
0x16c: {  	s30 =	sadd.s32 $0x100, s23;
	[sflag:s15] =	ssyncadd.s32 $0xFFFFC000  }
0x16d: {  	[tilespmem:s18], [sflag:$0x1] =	stream.indirect.gather [hbm4b:s4+s17], $0x80, s30, s17, $0xb8;
	[tilespmem:$0x1EC00] =	vst v63  }
0x16e: {  	_ =	swait.ge [sflag:s21], $0x4000  }
0x16f: {  	[sflag:s21] =	ssyncset.done $0x0  }
0x170: {  	s31 =	sadd.s32 $0x1880, s23;
	[sflag:s21] =	ssyncadd.s32 $0xFFFFC000  }
0x171: {  	[spmem:s1] =	stream.indirect.scatter.add.f32 [tilespmem:s19], [sflag:$0x3], $0x80, s31, s17, $0xb8;
	[tilespmem:$0x1EC00] =	vst v63  }
0x172: {  	_ =	swait.ge [sflag:s15], $0x4000  }
0x173: {  	[sflag:s15] =	ssyncset.done $0x0  }
0x174: {  	[sflag:s15] =	ssyncadd.s32 $0xFFFFC000  }
0x175: {  	_ =	swait.ge [sflag:s20], $0x4000  }
0x176: {  	[sflag:s20] =	ssyncset.done $0x0  }
0x177: {  	s22 =	sadd.s32 $0x1, s22;
	[sflag:s20] =	ssyncadd.s32 $0xFFFFC000  }
0x178: {  	p0 =	sne.s32 s22, s13;
	[bflag:$0x0] =	sbarrier.arrive $0xFFFF  }
0x179: {  	[hbm:s12], [sflag:s6] =	dma.local [spmem:s14], $0x2800  }
.Ltmp8:
0x17a: {  	_ =	swait.ge [sflag:s15], $0x2800;
	(pc) =	sbr.rel @p0 .LBB2_1-.Ltmp8, $3  }
0x17b: {  	[sflag:s15] =	ssyncset.done $0x0  }
0x17c: {  	[sflag:s15] =	ssyncadd.s32 $0xFFFFD800  }
0x17d: {  	[bflag:$0x0] =	sbarrier.arrive $0xFFFF;
	_ =	sdelay $0x1  }
0x17e: {  	_ =	sfence.sel $0x180000  }
0x17f: {  	[bflag:$0x0] =	sbarrier.arrive $0xFFFF  }
0x180: {  	p0 =	sne.s32 s2, $0x0;
	_ =	strace $0x9000004A  }
0x181: {  	s0 =	sadd.s32 @!p0 $0x100000, s0;
	[bflag:$0x2] =	sbarrier.arrive $0xFFFF  }
0x182: {  	[sflag:s0] =	ssyncadd.tile.s32 @!p0 $0x1;
	_ =	shalt  }
.Lfunc_end2:
_tile_overlayer_lowered:
.L_overlay_start_2:
0x183: {  	(tag) =	ssettag $0x2  }
0x184: {  	s0 =	rddreg [dreg:$0x0];
	s2 =	stileid.u32  }
0x185: {  	s1 =	rddreg [dreg:$0x1];
	p0 =	sne.s32 s2, $0x0  }
0x186: {  	s3 =	rddreg [dreg:$0x2];
	[bflag:$0x3] =	sbarrier.arrive $0xFFFF;
	s2 =	simm.s32 @!p0 $0x1C03  }
0x187: {  	[timem:s3], [sflag:s2] =	dma.local @!p0 [hbm:s0], s1  }
0x188: {  	s0 =	simm.s32 @!p0 $0x3  }
0x189: {  	_ =	swait.ge @!p0 [sflag:s0], s1  }
0x18a: {  	s1 =	ssub.s32 @!p0 $0x0, s1;
	[sflag:s0] =	ssyncset.done @!p0 $0x0  }
0x18b: {  	[sflag:s0] =	ssyncadd.s32 @!p0 s1  }
0x18c: {  	[bflag:$0x3] =	sbarrier.arrive $0xFFFF  }
0x18d: {  	_ =	shalt  }

// kernel: kernel.14.cloned.1.call-start
scs
__scs_entry_jumppad:
0x0: {  	(pc) =	sbr.rel $0x88, $3  }
0x1: {  	(tag) =	ssettag $0x0;
	lr =	simm.s32 $0x1  }
0x2: {  	[smem:$0x3F96] =	sst lr;
	_ =	strace $0xD0000000  }
0x3: {  	_ = 	snop  }
0x4: {  	_ = 	snop  }
0x5: {  	_ = 	snop  }
0x6: {  	_ = 	snop  }
0x7: {  	_ = 	snop  }
__scs_overlays_trampoline_lowered:
0x8: {  	[smem:$0x3FA5] =	sst s0  }
0x9: {  	[smem:$0x3FA6] =	sst s1  }
0xa: {  	[smem:$0x3FA7] =	sst s2  }
0xb: {  	[smem:$0x3FA8] =	sst s3  }
0xc: {  	[smem:$0x3FA9] =	sst s4  }
0xd: {  	[smem:$0x3FAA] =	sst s5  }
0xe: {  	[smem:$0x3FAB] =	sst s6  }
0xf: {  	[smem:$0x3FAC] =	sst s7  }
0x10: {  	[smem:$0x3FAD] =	sst s8  }
0x11: {  	[smem:$0x3FAE] =	sst s9;
	s0 =	simm.s32 @!p0 $0x0  }
0x12: {  	s1 =	sld [smem:$0x3F94];
	s0 =	simm.s32 @p0 $0x1  }
0x13: {  	[smem:$0x3FAF] =	sst s0;
	s0 =	simm.s32 @!p1 $0x0  }
0x14: {  	s2 =	sld [smem:$0x3F93];
	s0 =	simm.s32 @p1 $0x1  }
0x15: {  	[smem:$0x3FB0] =	sst s0;
	s0 =	simm.s32 @!p2 $0x0  }
0x16: {  	s3 =	sld [smem:$0x3FDB];
	s0 =	simm.s32 @p2 $0x1  }
0x17: {  	s4 =	simm.s32 $0x1BF5;
	[smem:$0x3FB2] =	sst s0  }
0x18: {  	s0 =	sld [smem:$0x3F95];
	_ =	swait.ge [sflag:s4], $0x0  }
0x19: {  	s7 =	sld [smem:$0x3F96]  }
0x1a: {  	s8 =	sadd.s32 $0xFFFFE003, lr  }
0x1b: {  	s9 =	sadd.s32 $0xFFFFFEF7, lr;
	s5 =	simm.s32 $0xFFFFFFFF;
	p2 =	slt.u32 s8, $0xFFFFF086  }
0x1c: {  	p1 =	slt.u32 s9, $0xF7A;
	s5 =	simm.s32 @!p2 $0x0  }
0x1d: {  	s5 =	simm.s32 @p1 $0x1;
	p0 =	seq.s32 s7, s2  }
0x1e: {  	s7 =	smul.u32 @!p0 $0xF7A, s2;
	p2 =	seq.s32 @!p0 s5, $0x0  }
0x1f: {  	s9 =	smul.u32 $0xF7A, s1;
	s8 =	simm.s32 @!p0 $0x1BF5;
	p2 =	por !p2, p0  }
0x20: {  	[sflag:s8] =	ssyncset.s32 @!p0 $0xFFFFF086;
	s6 =	sadd.s32 @!p0 s3, s7;
	s7 =	simm.s32 @!p0 $0x108  }
0x21: {  	s3 =	sadd.s32 s3, s9;
	s6 =	sadd.s32 @!p0 $0x88, s6;
	s7 =	simm.s32 @p2 $0x1082  }
0x22: {  	[simem:s7], [sflag:s8] =	dma.local @!p0 [hbm:s6], $0xF7A  }
0x23: {  	s9 =	sor.u32 $0xD0000000, s2;
	s6 =	simm.s32 $0x108;
	_ =	swait.ge @!p0 [sflag:s8], $0x0  }
0x24: {  	s3 =	sadd.s32 $0x88, s3;
	s6 =	simm.s32 @!p1 $0x1082;
	[sflag:s4] =	ssyncset.s32 $0xFFFFF086  }
0x25: {  	[simem:s6], [sflag:s4] =	dma.local [hbm:s3], $0xF7A  }
0x26: {  	[smem:$0x3F96] =	sst s1;
	(tag) =	ssettag s2;
	_ =	strace s9  }
0x27: {  	s1 =	sld [smem:$0x3FA6]  }
0x28: {  	s2 =	sld [smem:$0x3FA7]  }
0x29: {  	s4 =	sld [smem:$0x3FA9]  }
0x2a: {  	p0 =	seq.s32 s5, $0x0;
	s5 =	sld [smem:$0x3FAA]  }
0x2b: {  	s6 =	sld [smem:$0x3FAB]  }
0x2c: {  	s7 =	sld [smem:$0x3FAC]  }
0x2d: {  	s3 =	simm.s32 $0x108;
	s8 =	sld [smem:$0x3FAD]  }
0x2e: {  	s3 =	simm.s32 @!p0 $0x1082;
	s9 =	sld [smem:$0x3FAE]  }
0x2f: {  	lr =	sadd.s32 s0, s3;
	s0 =	sld [smem:$0x3FA5]  }
0x30: {  	s3 =	sld [smem:$0x3FA8]  }
0x31: {  	[smem:$0x3FB1] =	sst s10  }
0x32: {  	s10 =	sld [smem:$0x3FAF];
	_ =	sdelay $0x3  }
0x33: {  	p0 =	seq.s32 s10, $0x1;
	s10 =	sld [smem:$0x3FB1];
	_ =	sdelay $0x3  }
0x34: {  	[smem:$0x3FB1] =	sst s10  }
0x35: {  	s10 =	sld [smem:$0x3FB0];
	_ =	sdelay $0x3  }
0x36: {  	p1 =	seq.s32 s10, $0x1;
	s10 =	sld [smem:$0x3FB1];
	_ =	sdelay $0x3  }
0x37: {  	[smem:$0x3FB1] =	sst s10  }
0x38: {  	s10 =	sld [smem:$0x3FB2]  }
0x39: {  	_ = 	snop;
	(pc) =	sbr.ind lr, $3  }
0x3a: {  	_ = 	snop  }
0x3b: {  	_ = 	snop  }
0x3c: {  	p2 =	seq.s32 s10, $0x1;
	s10 =	sld [smem:$0x3FB1]  }
0x3d: {  	_ =	shalt  }
0x3e: {  	_ =	shalt  }
0x3f: {  	_ =	shalt  }
0x40: {  	_ =	shalt  }
0x41: {  	_ =	shalt  }
0x42: {  	_ =	shalt  }
0x43: {  	_ =	shalt  }
0x44: {  	_ =	shalt  }
0x45: {  	_ =	shalt  }
0x46: {  	_ =	shalt  }
0x47: {  	_ =	shalt  }
0x48: {  	_ =	shalt  }
0x49: {  	_ =	shalt  }
0x4a: {  	_ =	shalt  }
0x4b: {  	_ =	shalt  }
0x4c: {  	_ =	shalt  }
0x4d: {  	_ =	shalt  }
0x4e: {  	_ =	shalt  }
0x4f: {  	_ =	shalt  }
0x50: {  	_ =	shalt  }
0x51: {  	_ =	shalt  }
0x52: {  	_ =	shalt  }
0x53: {  	_ =	shalt  }
0x54: {  	_ =	shalt  }
0x55: {  	_ =	shalt  }
0x56: {  	_ =	shalt  }
0x57: {  	_ =	shalt  }
0x58: {  	_ =	shalt  }
0x59: {  	_ =	shalt  }
0x5a: {  	_ =	shalt  }
0x5b: {  	_ =	shalt  }
0x5c: {  	_ =	shalt  }
0x5d: {  	_ =	shalt  }
0x5e: {  	_ =	shalt  }
0x5f: {  	_ =	shalt  }
0x60: {  	_ =	shalt  }
0x61: {  	_ =	shalt  }
0x62: {  	_ =	shalt  }
0x63: {  	_ =	shalt  }
0x64: {  	_ =	shalt  }
0x65: {  	_ =	shalt  }
0x66: {  	_ =	shalt  }
0x67: {  	_ =	shalt  }
0x68: {  	_ =	shalt  }
0x69: {  	_ =	shalt  }
0x6a: {  	_ =	shalt  }
0x6b: {  	_ =	shalt  }
0x6c: {  	_ =	shalt  }
0x6d: {  	_ =	shalt  }
0x6e: {  	_ =	shalt  }
0x6f: {  	_ =	shalt  }
0x70: {  	_ =	shalt  }
0x71: {  	_ =	shalt  }
0x72: {  	_ =	shalt  }
0x73: {  	_ =	shalt  }
0x74: {  	_ =	shalt  }
0x75: {  	_ =	shalt  }
0x76: {  	_ =	shalt  }
0x77: {  	_ =	shalt  }
0x78: {  	_ =	shalt  }
0x79: {  	_ =	shalt  }
0x7a: {  	_ =	shalt  }
0x7b: {  	_ =	shalt  }
0x7c: {  	_ =	shalt  }
0x7d: {  	_ =	shalt  }
0x7e: {  	_ =	shalt  }
0x7f: {  	_ =	shalt  }
0x80: {  	_ =	shalt  }
0x81: {  	_ =	shalt  }
0x82: {  	_ =	shalt  }
0x83: {  	_ =	shalt  }
0x84: {  	_ =	shalt  }
0x85: {  	_ =	shalt  }
0x86: {  	_ =	shalt  }
0x87: {  	_ =	shalt  }
.Lfunc_end0:
.L_simem_size_0:
called_computation.2_lowered:
.L_overlay_start_0:
0x88: {  	s2 =	sld [smem:$0x3FD9]  }
0x89: {  	s3 =	sld [smem:$0x3FFE];
	_ =	sdelay $0x1  }
0x8a: {  	s1 =	srdreg.scid  }
0x8b: {  	s0 =	sand.u32 $0x1, s1  }
0x8c: {  	s16 =	sshll.u32 s0, $0xA;
	s2 =	sadd.s32 s3, s2  }
0x8d: {  	s2 =	sadd.s32 s2, s16  }
0x8e: {  	[smem:$0x3FBD] =	sst s2  }
0x8f: {  	_ = 	snop  }
0x90: {  	(tm) =	ssettm $0x1  }
0x91: {  	s17 =	sld [smem:$0x3FFB];
	_ =	sdelay $0x3  }
0x92: {  	_ =	strace s17  }
0x93: {  	s2 =	sld [smem:$0x3FFC];
	_ =	sdelay $0x3  }
0x94: {  	_ =	strace s2  }
0x95: {  	s2 =	sld [smem:$0x3FFD];
	_ =	sdelay $0x3  }
0x96: {  	_ =	strace s2  }
0x97: {  	_ =	strace $0x8FFFFFFF  }
0x98: {  	s18 =	sld [smem:$0x3FDB];
	_ =	sdelay $0x1  }
0x99: {  	s19 =	simm.s32 $_scs_section_size  }
0x9a: {  	s4 =	simm.s32 $_size__tile_overlayer_lowered;
	s5 =	simm.s32 $_tile_overlayer_lowered  }
0x9b: {  	s22 =	simm.s32 $0x1BFF;
	s21 =	sshll.u32 s5, $0x1;
	s2 =	sadd.s32 s19, s18  }
0x9c: {  	s6 =	simm.s32 $0x0;
	s20 =	sshll.u32 s4, $0x1;
	s4 =	sadd.s32 s21, s2  }
0x9d: {  	[timem:s6], [sflag:s22] =	dma.local [hbm:s4], s20  }
0x9e: {  	_ =	swait.ge [sflag:s22], s20  }
0x9f: {  	s3 =	ssub.s32 $0x0, s20;
	[sflag:s22] =	ssyncset.done $0x0  }
0xa0: {  	[sflag:s22] =	ssyncadd.s32 s3;
	_ =	sdelay $0x1  }
0xa1: {  	s23 =	simm.s32 $0x1B8B  }
0xa2: {  	_ =	swait.ge [sflag:s23], $0x1  }
0xa3: {  	[sflag:s23] =	ssyncset.done $0x0  }
0xa4: {  	s25 =	simm.s32 $0x1B8E;
	s24 =	sld [smem:$0x3FFE];
	[sflag:s23] =	ssyncadd.s32 $0xFFFFFFFF  }
0xa5: {  	s26 =	simm.s32 $execute0_lowered;
	[smem:$0x3FD2] =	sst s25  }
0xa6: {  	s4 =	sshll.u32 s26, $0x1;
	_ =	strace $0x8000004C;
	[dreg:$0x1] =	wrdreg $0xFFFFFFFF  }
0xa7: {  	s28 =	simm.s32 $_size_execute0_lowered;
	s2 =	sadd.s32 s2, s4;
	[dreg:$0x0] =	wrdreg $0x0  }
0xa8: {  	s4 =	sshll.u32 s28, $0x1;
	[dreg:$0x2] =	wrdreg s2  }
0xa9: {  	[dreg:$0x3] =	wrdreg s4  }
0xaa: {  	[dreg:$0x4] =	wrdreg $0xC0  }
0xab: {  	_ =	task [dreg:s6], $0x5FFFF  }
0xac: {  	[dreg:$0x1] =	wrdreg $0xFFFFFFFF  }
0xad: {  	[dreg:$0x0] =	wrdreg $0x60  }
0xae: {  	[dreg:$0x2] =	wrdreg s24  }
0xaf: {  	[dreg:$0x3] =	wrdreg $0xAC000  }
0xb0: {  	[dreg:$0x4] =	wrdreg $0x9  }
0xb1: {  	_ =	task.clear_ibuf [dreg:s6], $0x5FFFF;
	_ =	strace $0x9000004C  }
0xb2: {  	s29 =	simm.s32 $0x9;
	_ =	strace $0x8000004E  }
0xb3: {  	_ =	swait.ge [sflag:s29], $0x1  }
0xb4: {  	[sflag:s29] =	ssyncadd.s32 $0xFFFFFFFF  }
0xb5: {  	_ =	strace $0x9000004E  }
0xb6: {  	_ =	sfence  }
0xb7: {  	s30 =	sld [smem:$0x0];
	_ =	sdelay $0x2  }
0xb8: {  	s31 =	sshll.u32 s1, $0xD;
	s1 =	sshrl.u32 s1, $0x2  }
0xb9: {  	s3 =	sand.u32 $0x4000, s31;
	s1 =	sadd.s32 s1, s30  }
0xba: {  	s0 =	sor.u32 s3, s0;
	s1 =	sshll.u32 s1, $0x11  }
0xbb: {  	s0 =	sor.u32 s1, s0  }
0xbc: {  	s0 =	sadd.s32 $0x8F2B, s0  }
0xbd: {  	[sflag:s0] =	ssyncadd.remote.s32 $0x1  }
0xbe: {  	_ =	sfence.sel $0xFFFF  }
0xbf: {  	[dreg:$0x0] =	wrdreg $0xFFFFFFFF;
	(pc) =	sbr.abs _section_cstart, $3  }
0xc0: {  	[dreg:$0x1] =	wrdreg $0xFFFFFFFF  }
0xc1: {  	_ =	task.clear_ibuf [dreg:s6], $0x2FFFF;
	_ =	strace $0x9FFFFFFF  }
0xc2: {  	(tm) =	ssettm $0x7FFFFFFF  }
0xc3: {  	_ =	shalt  }
tec
execute0_lowered:
.L_overlay_start_1:
0x0: {  	(tag) =	ssettag $0x1  }
0x1: {  	s6 =	rddreg [dreg:$0x0]  }
0x2: {  	s0 =	srdreg.scid;
	s2 =	rddreg [dreg:$0x1];
	s3 =	simm.s32 $0x0  }
0x3: {  	s14 =	simm.s32 $0x80;
	s15 =	simm.s32 $0x2C00;
	s16 =	simm.s32 $0x6C00  }
0x4: {  	s17 =	simm.s32 $0x1;
	s5 =	sand.u32 $0x1, s0;
	s0 =	stileid.u32  }
0x5: {  	s18 =	simm.s32 $0x2;
	s19 =	simm.s32 $0x0;
	s8 =	smul.u32 $0x14000, s0  }
0x6: {  	[smem:$0x7FF] =	sst s3;
	s4 =	sadd.s32 $0xDC00, s6;
	s9 =	smul.u32 $0x140000, s5  }
0x7: {  	s1 =	sshll.u32 s5, $0x4;
	s28 =	smul.u32 $0x50000, s0;
	s5 =	ssub.s32 $0x2, s5  }
0x8: {  	s31 =	sshll.u32 s0, $0x6;
	s1 =	sor.u32 s0, s1;
	s29 =	sshrl.u32 s5, $0x1  }
0x9: {  	s7 =	smul.u32 $0x280, s1;
	s1 =	rddreg [dreg:$0x2];
	_ =	strace $0x8000004D  }
0xa: {  	s26 =	sshrl.u32 s8, $0x3;
	s8 =	sadd.s32 s8, s9;
	s30 =	sshrl.u32 s28, $0x2  }
0xb: {  	s12 =	ssub.s32 s5, s29;
	s8 =	sshrl.u32 s8, $0x3;
	s13 =	sadd.s32 s30, s2  }
0xc: {  	s10 =	sadd.s32 s7, s6;
	s7 =	sadd.s32 s26, s6;
	s11 =	sadd.s32 s8, s6  }
0xd: {  	s6 =	sor.u32 $0x1C03, s31;
	s5 =	sadd.s32 $0x35C00, s7;
	s7 =	sadd.s32 $0x3A00, s10  }
0xe: {  	s8 =	sadd.s32 $0x8C00, s10;
	s9 =	sadd.s32 $0x5DC00, s11;
	s10 =	smax.u32 s12, $0x1  }
0xf: {  	s11 =	sshrl.u32 s13, $0x3;
	s12 =	simm.s32 $0x3;
	s13 =	simm.s32 $0x1800  }
.LBB2_1:
0x10: {  	[spmem:s11], [sflag:s6] =	dma.local [hbm:s5], $0x2800  }
0x11: {  	_ =	swait.ge [sflag:s12], $0x2800  }
0x12: {  	[sflag:s12] =	ssyncset.done $0x0  }
0x13: {  	[sflag:s12] =	ssyncadd.s32 $0xFFFFD800  }
0x14: {  	[tilespmem:s3], [sflag:$0x3] =	stream.linear.gather [hbm4b:s7+s3], $0x1800, $0x38;
	[tilespmem:$0x1EC00] =	vst v63  }
0x15: {  	_ =	swait.ge [sflag:s12], $0x1800  }
0x16: {  	[sflag:s12] =	ssyncset.done $0x0  }
0x17: {  	[sflag:s12] =	ssyncadd.s32 $0xFFFFE800  }
0x18: {  	[tilespmem:s13], [sflag:$0x3] =	stream.linear.gather [hbm4b:s8+s3], $0x1400, $0x38;
	[tilespmem:$0x1EC00] =	vst v63  }
0x19: {  	_ =	swait.ge [sflag:s12], $0x1400  }
0x1a: {  	[sflag:s12] =	ssyncset.done $0x0  }
0x1b: {  	[sflag:s12] =	ssyncadd.s32 $0xFFFFEC00  }
0x1c: {  	[bflag:$0x0] =	sbarrier.arrive $0xFFFF  }
0x1d: {  	[tilespmem:s15], [sflag:$0x1] =	stream.indirect.gather [hbm4b:s4+s14], $0x80, s3, s14, $0xb8;
	[tilespmem:$0x1EC00] =	vst v63  }
0x1e: {  	s20 =	simm.s32 $0x80  }
0x1f: {  	[tilespmem:s16], [sflag:$0x2] =	stream.indirect.gather [hbm4b:s4+s14], $0x80, s20, s14, $0xb8;
	[tilespmem:$0x1EC00] =	vst v63  }
0x20: {  	_ =	swait.ge [sflag:s17], $0x4000  }
0x21: {  	[sflag:s17] =	ssyncset.done $0x0  }
0x22: {  	s29 =	simm.s32 $0x1800;
	[sflag:s17] =	ssyncadd.s32 $0xFFFFC000  }
0x23: {  	[spmem:s2] =	stream.indirect.scatter.add.f32 [tilespmem:s15], [sflag:$0x3], $0x80, s29, s14, $0xb8;
	[tilespmem:$0x1EC00] =	vst v63  }
0x24: {  	_ =	swait.ge [sflag:s12], $0x4000  }
0x25: {  	[sflag:s12] =	ssyncset.done $0x0  }
0x26: {  	s30 =	simm.s32 $0x100;
	[sflag:s12] =	ssyncadd.s32 $0xFFFFC000  }
0x27: {  	[tilespmem:s15], [sflag:$0x1] =	stream.indirect.gather [hbm4b:s4+s14], $0x80, s30, s14, $0xb8;
	[tilespmem:$0x1EC00] =	vst v63  }
0x28: {  	_ =	swait.ge [sflag:s18], $0x4000  }
0x29: {  	[sflag:s18] =	ssyncset.done $0x0  }
0x2a: {  	s31 =	simm.s32 $0x1880;
	[sflag:s18] =	ssyncadd.s32 $0xFFFFC000  }
0x2b: {  	[spmem:s2] =	stream.indirect.scatter.add.f32 [tilespmem:s16], [sflag:$0x3], $0x80, s31, s14, $0xb8;
	[tilespmem:$0x1EC00] =	vst v63  }
0x2c: {  	_ =	swait.ge [sflag:s12], $0x4000  }
0x2d: {  	s21 =	simm.s32 $0x800;
	s20 =	simm.s32 $0x100;
	[sflag:s12] =	ssyncset.done $0x0  }
.LBB2_2:
0x2e: {  	s22 =	sadd.s32 $0x80, s20  }
0x2f: {  	[sflag:s12] =	ssyncadd.s32 $0xFFFFC000;
	s23 =	smov.u32 s21;
	s24 =	sadd.s32 $0x400, s21  }
0x30: {  	[tilespmem:s16], [sflag:$0x2] =	stream.indirect.gather [hbm4b:s4+s14], $0x80, s22, s14, $0xb8;
	[tilespmem:$0x1EC00] =	vst v63  }
0x31: {  	p0 =	sne.s32 s21, $0x4C00;
	_ =	swait.ge [sflag:s17], $0x4000  }
0x32: {  	[sflag:s17] =	ssyncset.done $0x0  }
0x33: {  	s21 =	sadd.s32 $0x1800, s20;
	[sflag:s17] =	ssyncadd.s32 $0xFFFFC000  }
0x34: {  	[spmem:s2] =	stream.indirect.scatter.add.f32 [tilespmem:s15], [sflag:$0x3], $0x80, s21, s14, $0xb8;
	[tilespmem:$0x1EC00] =	vst v63  }
0x35: {  	_ =	swait.ge [sflag:s12], $0x4000  }
0x36: {  	[sflag:s12] =	ssyncset.done $0x0  }
0x37: {  	s21 =	sadd.s32 $0x100, s20;
	[sflag:s12] =	ssyncadd.s32 $0xFFFFC000  }
0x38: {  	[tilespmem:s15], [sflag:$0x1] =	stream.indirect.gather [hbm4b:s4+s14], $0x80, s21, s14, $0xb8;
	[tilespmem:$0x1EC00] =	vst v63  }
0x39: {  	_ =	swait.ge [sflag:s18], $0x4000  }
.Ltmp0:
0x3a: {  	[sflag:s18] =	ssyncset.done $0x0;
	(pc) =	sbr.rel @p0 .LBB2_2-.Ltmp0, $4  }
0x3b: {  	s20 =	sadd.s32 $0x1880, s20;
	[sflag:s18] =	ssyncadd.s32 $0xFFFFC000  }
0x3c: {  	[spmem:s2] =	stream.indirect.scatter.add.f32 [tilespmem:s16], [sflag:$0x3], $0x80, s20, s14, $0xb8;
	[tilespmem:$0x1EC00] =	vst v63  }
0x3d: {  	_ =	swait.ge [sflag:s12], $0x4000  }
0x3e: {  	s21 =	smov.u32 s24;
	s20 =	sshra.s32 s23, $0x2;
	[sflag:s12] =	ssyncset.done $0x0  }
0x3f: {  	s21 =	sadd.s32 $0x80, s20;
	[sflag:s12] =	ssyncadd.s32 $0xFFFFC000  }
0x40: {  	[tilespmem:s16], [sflag:$0x2] =	stream.indirect.gather [hbm4b:s4+s14], $0x80, s21, s14, $0xb8;
	[tilespmem:$0x1EC00] =	vst v63  }
0x41: {  	_ =	swait.ge [sflag:s17], $0x4000  }
0x42: {  	[sflag:s17] =	ssyncset.done $0x0  }
0x43: {  	s29 =	sadd.s32 $0x1800, s20;
	[sflag:s17] =	ssyncadd.s32 $0xFFFFC000  }
0x44: {  	[spmem:s2] =	stream.indirect.scatter.add.f32 [tilespmem:s15], [sflag:$0x3], $0x80, s29, s14, $0xb8;
	[tilespmem:$0x1EC00] =	vst v63  }
0x45: {  	_ =	swait.ge [sflag:s12], $0x4000  }
0x46: {  	[sflag:s12] =	ssyncset.done $0x0  }
0x47: {  	s30 =	sadd.s32 $0x100, s20;
	[sflag:s12] =	ssyncadd.s32 $0xFFFFC000  }
0x48: {  	[tilespmem:s15], [sflag:$0x1] =	stream.indirect.gather [hbm4b:s4+s14], $0x80, s30, s14, $0xb8;
	[tilespmem:$0x1EC00] =	vst v63  }
0x49: {  	_ =	swait.ge [sflag:s18], $0x4000  }
0x4a: {  	[sflag:s18] =	ssyncset.done $0x0  }
0x4b: {  	s31 =	sadd.s32 $0x1880, s20;
	[sflag:s18] =	ssyncadd.s32 $0xFFFFC000  }
0x4c: {  	[spmem:s2] =	stream.indirect.scatter.add.f32 [tilespmem:s16], [sflag:$0x3], $0x80, s31, s14, $0xb8;
	[tilespmem:$0x1EC00] =	vst v63  }
0x4d: {  	_ =	swait.ge [sflag:s12], $0x4000  }
0x4e: {  	[sflag:s12] =	ssyncset.done $0x0  }
0x4f: {  	[sflag:s12] =	ssyncadd.s32 $0xFFFFC000  }
0x50: {  	_ =	swait.ge [sflag:s17], $0x4000  }
0x51: {  	s19 =	sadd.s32 $0x1, s19;
	[sflag:s17] =	ssyncset.done $0x0  }
0x52: {  	p0 =	sne.s32 s19, s10;
	[sflag:s17] =	ssyncadd.s32 $0xFFFFC000  }
.Ltmp1:
0x53: {  	[bflag:$0x0] =	sbarrier.arrive $0xFFFF;
	(pc) =	sbr.rel @p0 .LBB2_1-.Ltmp1, $4  }
0x54: {  	[hbm:s9], [sflag:s6] =	dma.local [spmem:s11], $0x2800  }
0x55: {  	_ =	swait.ge [sflag:s12], $0x2800  }
0x56: {  	[sflag:s12] =	ssyncset.done $0x0  }
0x57: {  	[sflag:s12] =	ssyncadd.s32 $0xFFFFD800  }
0x58: {  	_ =	sfence.sel $0x180000  }
0x59: {  	[bflag:$0x0] =	sbarrier.arrive $0xFFFF  }
0x5a: {  	p0 =	sne.s32 s0, $0x0;
	_ =	strace $0x9000004D  }
0x5b: {  	s0 =	sadd.s32 @!p0 $0x100000, s1;
	[bflag:$0x2] =	sbarrier.arrive $0xFFFF  }
0x5c: {  	[sflag:s0] =	ssyncadd.tile.s32 @!p0 $0x1;
	_ =	shalt  }
.Lfunc_end2:
_tile_overlayer_lowered:
.L_overlay_start_2:
0x5d: {  	(tag) =	ssettag $0x2  }
0x5e: {  	s0 =	rddreg [dreg:$0x0];
	s2 =	stileid.u32  }
0x5f: {  	s1 =	rddreg [dreg:$0x1];
	p0 =	sne.s32 s2, $0x0  }
0x60: {  	s3 =	rddreg [dreg:$0x2];
	[bflag:$0x3] =	sbarrier.arrive $0xFFFF;
	s2 =	simm.s32 @!p0 $0x1C03  }
0x61: {  	[timem:s3], [sflag:s2] =	dma.local @!p0 [hbm:s0], s1  }
0x62: {  	s0 =	simm.s32 @!p0 $0x3  }
0x63: {  	_ =	swait.ge @!p0 [sflag:s0], s1  }
0x64: {  	s1 =	ssub.s32 @!p0 $0x0, s1;
	[sflag:s0] =	ssyncset.done @!p0 $0x0  }
0x65: {  	[sflag:s0] =	ssyncadd.s32 @!p0 s1  }
0x66: {  	[bflag:$0x3] =	sbarrier.arrive $0xFFFF  }
0x67: {  	_ =	shalt  }

// kernel: kernel.8.cloned.1.call-start
scs
__scs_entry_jumppad:
0x0: {  	(pc) =	sbr.rel $0x88, $3  }
0x1: {  	(tag) =	ssettag $0x0;
	lr =	simm.s32 $0x1  }
0x2: {  	[smem:$0x3F96] =	sst lr;
	_ =	strace $0xD0000000  }
0x3: {  	_ = 	snop  }
0x4: {  	_ = 	snop  }
0x5: {  	_ = 	snop  }
0x6: {  	_ = 	snop  }
0x7: {  	_ = 	snop  }
__scs_overlays_trampoline_lowered:
0x8: {  	[smem:$0x3FA5] =	sst s0  }
0x9: {  	[smem:$0x3FA6] =	sst s1  }
0xa: {  	[smem:$0x3FA7] =	sst s2  }
0xb: {  	[smem:$0x3FA8] =	sst s3  }
0xc: {  	[smem:$0x3FA9] =	sst s4  }
0xd: {  	[smem:$0x3FAA] =	sst s5  }
0xe: {  	[smem:$0x3FAB] =	sst s6  }
0xf: {  	[smem:$0x3FAC] =	sst s7  }
0x10: {  	[smem:$0x3FAD] =	sst s8  }
0x11: {  	[smem:$0x3FAE] =	sst s9;
	s0 =	simm.s32 @!p0 $0x0  }
0x12: {  	s1 =	sld [smem:$0x3F94];
	s0 =	simm.s32 @p0 $0x1  }
0x13: {  	[smem:$0x3FAF] =	sst s0;
	s0 =	simm.s32 @!p1 $0x0  }
0x14: {  	s2 =	sld [smem:$0x3F93];
	s0 =	simm.s32 @p1 $0x1  }
0x15: {  	[smem:$0x3FB0] =	sst s0;
	s0 =	simm.s32 @!p2 $0x0  }
0x16: {  	s3 =	sld [smem:$0x3FDB];
	s0 =	simm.s32 @p2 $0x1  }
0x17: {  	s4 =	simm.s32 $0x1BF5;
	[smem:$0x3FB2] =	sst s0  }
0x18: {  	s0 =	sld [smem:$0x3F95];
	_ =	swait.ge [sflag:s4], $0x0  }
0x19: {  	s7 =	sld [smem:$0x3F96]  }
0x1a: {  	s8 =	sadd.s32 $0xFFFFE003, lr  }
0x1b: {  	s9 =	sadd.s32 $0xFFFFFEF7, lr;
	s5 =	simm.s32 $0xFFFFFFFF;
	p2 =	slt.u32 s8, $0xFFFFF086  }
0x1c: {  	p1 =	slt.u32 s9, $0xF7A;
	s5 =	simm.s32 @!p2 $0x0  }
0x1d: {  	s5 =	simm.s32 @p1 $0x1;
	p0 =	seq.s32 s7, s2  }
0x1e: {  	s7 =	smul.u32 @!p0 $0xF7A, s2;
	p2 =	seq.s32 @!p0 s5, $0x0  }
0x1f: {  	s9 =	smul.u32 $0xF7A, s1;
	s8 =	simm.s32 @!p0 $0x1BF5;
	p2 =	por !p2, p0  }
0x20: {  	[sflag:s8] =	ssyncset.s32 @!p0 $0xFFFFF086;
	s6 =	sadd.s32 @!p0 s3, s7;
	s7 =	simm.s32 @!p0 $0x108  }
0x21: {  	s3 =	sadd.s32 s3, s9;
	s6 =	sadd.s32 @!p0 $0x88, s6;
	s7 =	simm.s32 @p2 $0x1082  }
0x22: {  	[simem:s7], [sflag:s8] =	dma.local @!p0 [hbm:s6], $0xF7A  }
0x23: {  	s9 =	sor.u32 $0xD0000000, s2;
	s6 =	simm.s32 $0x108;
	_ =	swait.ge @!p0 [sflag:s8], $0x0  }
0x24: {  	s3 =	sadd.s32 $0x88, s3;
	s6 =	simm.s32 @!p1 $0x1082;
	[sflag:s4] =	ssyncset.s32 $0xFFFFF086  }
0x25: {  	[simem:s6], [sflag:s4] =	dma.local [hbm:s3], $0xF7A  }
0x26: {  	[smem:$0x3F96] =	sst s1;
	(tag) =	ssettag s2;
	_ =	strace s9  }
0x27: {  	s1 =	sld [smem:$0x3FA6]  }
0x28: {  	s2 =	sld [smem:$0x3FA7]  }
0x29: {  	s4 =	sld [smem:$0x3FA9]  }
0x2a: {  	p0 =	seq.s32 s5, $0x0;
	s5 =	sld [smem:$0x3FAA]  }
0x2b: {  	s6 =	sld [smem:$0x3FAB]  }
0x2c: {  	s7 =	sld [smem:$0x3FAC]  }
0x2d: {  	s3 =	simm.s32 $0x108;
	s8 =	sld [smem:$0x3FAD]  }
0x2e: {  	s3 =	simm.s32 @!p0 $0x1082;
	s9 =	sld [smem:$0x3FAE]  }
0x2f: {  	lr =	sadd.s32 s0, s3;
	s0 =	sld [smem:$0x3FA5]  }
0x30: {  	s3 =	sld [smem:$0x3FA8]  }
0x31: {  	[smem:$0x3FB1] =	sst s10  }
0x32: {  	s10 =	sld [smem:$0x3FAF];
	_ =	sdelay $0x3  }
0x33: {  	p0 =	seq.s32 s10, $0x1;
	s10 =	sld [smem:$0x3FB1];
	_ =	sdelay $0x3  }
0x34: {  	[smem:$0x3FB1] =	sst s10  }
0x35: {  	s10 =	sld [smem:$0x3FB0];
	_ =	sdelay $0x3  }
0x36: {  	p1 =	seq.s32 s10, $0x1;
	s10 =	sld [smem:$0x3FB1];
	_ =	sdelay $0x3  }
0x37: {  	[smem:$0x3FB1] =	sst s10  }
0x38: {  	s10 =	sld [smem:$0x3FB2]  }
0x39: {  	_ = 	snop;
	(pc) =	sbr.ind lr, $3  }
0x3a: {  	_ = 	snop  }
0x3b: {  	_ = 	snop  }
0x3c: {  	p2 =	seq.s32 s10, $0x1;
	s10 =	sld [smem:$0x3FB1]  }
0x3d: {  	_ =	shalt  }
0x3e: {  	_ =	shalt  }
0x3f: {  	_ =	shalt  }
0x40: {  	_ =	shalt  }
0x41: {  	_ =	shalt  }
0x42: {  	_ =	shalt  }
0x43: {  	_ =	shalt  }
0x44: {  	_ =	shalt  }
0x45: {  	_ =	shalt  }
0x46: {  	_ =	shalt  }
0x47: {  	_ =	shalt  }
0x48: {  	_ =	shalt  }
0x49: {  	_ =	shalt  }
0x4a: {  	_ =	shalt  }
0x4b: {  	_ =	shalt  }
0x4c: {  	_ =	shalt  }
0x4d: {  	_ =	shalt  }
0x4e: {  	_ =	shalt  }
0x4f: {  	_ =	shalt  }
0x50: {  	_ =	shalt  }
0x51: {  	_ =	shalt  }
0x52: {  	_ =	shalt  }
0x53: {  	_ =	shalt  }
0x54: {  	_ =	shalt  }
0x55: {  	_ =	shalt  }
0x56: {  	_ =	shalt  }
0x57: {  	_ =	shalt  }
0x58: {  	_ =	shalt  }
0x59: {  	_ =	shalt  }
0x5a: {  	_ =	shalt  }
0x5b: {  	_ =	shalt  }
0x5c: {  	_ =	shalt  }
0x5d: {  	_ =	shalt  }
0x5e: {  	_ =	shalt  }
0x5f: {  	_ =	shalt  }
0x60: {  	_ =	shalt  }
0x61: {  	_ =	shalt  }
0x62: {  	_ =	shalt  }
0x63: {  	_ =	shalt  }
0x64: {  	_ =	shalt  }
0x65: {  	_ =	shalt  }
0x66: {  	_ =	shalt  }
0x67: {  	_ =	shalt  }
0x68: {  	_ =	shalt  }
0x69: {  	_ =	shalt  }
0x6a: {  	_ =	shalt  }
0x6b: {  	_ =	shalt  }
0x6c: {  	_ =	shalt  }
0x6d: {  	_ =	shalt  }
0x6e: {  	_ =	shalt  }
0x6f: {  	_ =	shalt  }
0x70: {  	_ =	shalt  }
0x71: {  	_ =	shalt  }
0x72: {  	_ =	shalt  }
0x73: {  	_ =	shalt  }
0x74: {  	_ =	shalt  }
0x75: {  	_ =	shalt  }
0x76: {  	_ =	shalt  }
0x77: {  	_ =	shalt  }
0x78: {  	_ =	shalt  }
0x79: {  	_ =	shalt  }
0x7a: {  	_ =	shalt  }
0x7b: {  	_ =	shalt  }
0x7c: {  	_ =	shalt  }
0x7d: {  	_ =	shalt  }
0x7e: {  	_ =	shalt  }
0x7f: {  	_ =	shalt  }
0x80: {  	_ =	shalt  }
0x81: {  	_ =	shalt  }
0x82: {  	_ =	shalt  }
0x83: {  	_ =	shalt  }
0x84: {  	_ =	shalt  }
0x85: {  	_ =	shalt  }
0x86: {  	_ =	shalt  }
0x87: {  	_ =	shalt  }
.Lfunc_end0:
.L_simem_size_0:
called_computation_lowered:
.L_overlay_start_0:
0x88: {  	s2 =	sld [smem:$0x3FD9]  }
0x89: {  	s3 =	sld [smem:$0x3FFE];
	_ =	sdelay $0x1  }
0x8a: {  	s1 =	srdreg.scid  }
0x8b: {  	s0 =	sand.u32 $0x1, s1  }
0x8c: {  	s17 =	sshll.u32 s0, $0xA;
	s2 =	sadd.s32 s3, s2  }
0x8d: {  	s2 =	sadd.s32 s2, s17  }
0x8e: {  	[smem:$0x3FBD] =	sst s2  }
0x8f: {  	_ = 	snop  }
0x90: {  	s2 =	sld [smem:$0x3FD0];
	(tm) =	ssettm $0x1  }
0x91: {  	s18 =	sld [smem:$0x3FFB];
	_ =	sdelay $0x3  }
0x92: {  	_ =	strace s18  }
0x93: {  	s3 =	sld [smem:$0x3FFC];
	_ =	sdelay $0x3  }
0x94: {  	_ =	strace s3  }
0x95: {  	s3 =	sld [smem:$0x3FFD];
	_ =	sdelay $0x3  }
0x96: {  	_ =	strace s3  }
0x97: {  	_ =	strace $0x8FFFFFFF  }
0x98: {  	s19 =	sld [smem:$0x3FDB];
	_ =	sdelay $0x1  }
0x99: {  	s4 =	simm.s32 $_scs_section_size  }
0x9a: {  	s5 =	simm.s32 $_size__tile_overlayer_lowered;
	s6 =	simm.s32 $_tile_overlayer_lowered  }
0x9b: {  	s22 =	simm.s32 $0x1BFF;
	s21 =	sshll.u32 s6, $0x1;
	s3 =	sadd.s32 s4, s19  }
0x9c: {  	s7 =	simm.s32 $0x0;
	s20 =	sshll.u32 s5, $0x1;
	s5 =	sadd.s32 s21, s3  }
0x9d: {  	[timem:s7], [sflag:s22] =	dma.local [hbm:s5], s20  }
0x9e: {  	_ =	swait.ge [sflag:s22], s20  }
0x9f: {  	s4 =	ssub.s32 $0x0, s20;
	[sflag:s22] =	ssyncset.done $0x0  }
0xa0: {  	[sflag:s22] =	ssyncadd.s32 s4;
	_ =	sdelay $0x1  }
0xa1: {  	s23 =	simm.s32 $0x1B8B  }
0xa2: {  	_ =	swait.ge [sflag:s23], $0x1  }
0xa3: {  	[sflag:s23] =	ssyncset.done $0x0  }
0xa4: {  	s25 =	simm.s32 $0x1B8E;
	s24 =	sld [smem:$0x3FFE];
	[sflag:s23] =	ssyncadd.s32 $0xFFFFFFFF  }
0xa5: {  	s26 =	simm.s32 $execute0_lowered;
	[smem:$0x3FD2] =	sst s25  }
0xa6: {  	s5 =	sshll.u32 s26, $0x1;
	_ =	strace $0x80000046;
	[dreg:$0x1] =	wrdreg $0xFFFFFFFF  }
0xa7: {  	s28 =	simm.s32 $_size_execute0_lowered;
	s3 =	sadd.s32 s3, s5;
	[dreg:$0x0] =	wrdreg $0x0  }
0xa8: {  	s5 =	sshll.u32 s28, $0x1;
	[dreg:$0x2] =	wrdreg s3  }
0xa9: {  	[dreg:$0x3] =	wrdreg s5  }
0xaa: {  	[dreg:$0x4] =	wrdreg $0xC0  }
0xab: {  	_ =	task [dreg:s7], $0x5FFFF  }
0xac: {  	[dreg:$0x1] =	wrdreg $0xFFFFFFFF  }
0xad: {  	[dreg:$0x0] =	wrdreg $0x60  }
0xae: {  	[dreg:$0x2] =	wrdreg s24  }
0xaf: {  	[dreg:$0x3] =	wrdreg s2  }
0xb0: {  	[dreg:$0x4] =	wrdreg $0xAC800  }
0xb1: {  	[dreg:$0x5] =	wrdreg $0x1EC800  }
0xb2: {  	[dreg:$0x6] =	wrdreg $0x9  }
0xb3: {  	_ =	task.clear_ibuf [dreg:s7], $0x7FFFF;
	_ =	strace $0x90000046  }
0xb4: {  	s29 =	simm.s32 $0x9;
	_ =	strace $0x80000048  }
0xb5: {  	_ =	swait.ge [sflag:s29], $0x1  }
0xb6: {  	[sflag:s29] =	ssyncadd.s32 $0xFFFFFFFF  }
0xb7: {  	_ =	strace $0x90000048  }
0xb8: {  	_ =	sfence  }
0xb9: {  	s30 =	sld [smem:$0x0];
	_ =	sdelay $0x2  }
0xba: {  	s31 =	sshll.u32 s1, $0xD;
	s1 =	sshrl.u32 s1, $0x2  }
0xbb: {  	s3 =	sand.u32 $0x4000, s31;
	s1 =	sadd.s32 s1, s30  }
0xbc: {  	s0 =	sor.u32 s3, s0;
	s1 =	sshll.u32 s1, $0x11  }
0xbd: {  	s0 =	sor.u32 s1, s0  }
0xbe: {  	s0 =	sadd.s32 $0x8F2B, s0  }
0xbf: {  	[sflag:s0] =	ssyncadd.remote.s32 $0x1  }
0xc0: {  	_ =	sfence.sel $0xFFFF  }
0xc1: {  	[dreg:$0x0] =	wrdreg $0xFFFFFFFF;
	(pc) =	sbr.abs _section_cstart, $3  }
0xc2: {  	[dreg:$0x1] =	wrdreg $0xFFFFFFFF  }
0xc3: {  	_ =	task.clear_ibuf [dreg:s7], $0x2FFFF;
	_ =	strace $0x9FFFFFFF  }
0xc4: {  	(tm) =	ssettm $0x7FFFFFFF  }
0xc5: {  	_ =	shalt  }
tec
execute0_lowered:
.L_overlay_start_1:
0x0: {  	(tag) =	ssettag $0x1  }
0x1: {  	s6 =	rddreg [dreg:$0x0]  }
0x2: {  	s8 =	rddreg [dreg:$0x1]  }
0x3: {  	s0 =	srdreg.scid;
	s2 =	rddreg [dreg:$0x2]  }
0x4: {  	s3 =	rddreg [dreg:$0x3];
	s7 =	sand.u32 $0x1, s0;
	s0 =	stileid.u32  }
0x5: {  	s4 =	simm.s32 $0x0;
	s20 =	simm.s32 $0x6C00;
	s10 =	smul.u32 $0x14000, s0  }
0x6: {  	s21 =	simm.s32 $0x1;
	s22 =	simm.s32 $0xAC00;
	s11 =	smul.u32 $0x140000, s7  }
0x7: {  	s23 =	simm.s32 $0x2;
	[smem:$0x7FF] =	sst s4;
	s13 =	smul.u32 $0x500, s0  }
0x8: {  	s1 =	sshll.u32 s7, $0x4;
	_ =	strace $0x80000047;
	s26 =	smul.u32 $0x50000, s0  }
0x9: {  	s25 =	sshll.u32 s7, $0x7;
	s7 =	ssub.s32 $0x2, s7;
	s15 =	smul.u32 $0x280, s0  }
0xa: {  	s30 =	sshll.u32 s0, $0x6;
	s5 =	sor.u32 s0, s1;
	s29 =	sshrl.u32 s7, $0x1  }
0xb: {  	s9 =	smul.u32 $0x280, s5;
	s5 =	sadd.s32 $0xDC00, s6;
	s24 =	sshrl.u32 s10, $0x3  }
0xc: {  	s10 =	sadd.s32 s10, s11;
	s11 =	sor.u32 s25, s13;
	s13 =	sshrl.u32 s26, $0x2  }
0xd: {  	s17 =	ssub.s32 s7, s29;
	s31 =	sshrl.u32 s15, $0x3;
	s7 =	sor.u32 $0x1C03, s30  }
0xe: {  	s19 =	sadd.s32 s15, s3;
	s15 =	simm.s32 $0x3;
	s25 =	simm.s32 $0x10  }
0xf: {  	s26 =	simm.s32 $0x0;
	s10 =	sshrl.u32 s10, $0x3;
	s28 =	sshrl.u32 s11, $0x3  }
0x10: {  	s18 =	sadd.s32 s13, s2;
	s8 =	sadd.s32 s8, s31;
	s13 =	smax.u32 s17, $0x1  }
0x11: {  	s17 =	simm.s32 $0x1800;
	s12 =	sadd.s32 s9, s6;
	s9 =	sadd.s32 s24, s6  }
0x12: {  	s14 =	sadd.s32 s10, s6;
	s16 =	sadd.s32 s28, s6;
	s24 =	simm.s32 $0x20  }
0x13: {  	s6 =	sadd.s32 $0x35C00, s9;
	s9 =	sadd.s32 $0x3A00, s12;
	s10 =	sadd.s32 $0x8C00, s12  }
0x14: {  	s11 =	sadd.s32 $0x5E600, s14;
	s12 =	sadd.s32 $0x5DC00, s16;
	s14 =	sshrl.u32 s18, $0x3  }
0x15: {  	v0 =	vimm.f32 $1.000000000e+00;
	s16 =	sshrl.u32 s19, $0x3;
	s18 =	simm.s32 $0x80;
	s19 =	simm.s32 $0x2C00  }
.LBB2_1:
0x16: {  	[spmem:s14], [sflag:s7] =	dma.local [hbm:s6], $0x2800  }
0x17: {  	_ =	swait.ge [sflag:s15], $0x2800  }
0x18: {  	[sflag:s15] =	ssyncset.done $0x0  }
0x19: {  	[sflag:s15] =	ssyncadd.s32 $0xFFFFD800  }
0x1a: {  	[spmem:s16], [sflag:s7] =	dma.local [hbm:s8], $0x50  }
0x1b: {  	_ =	swait.ge [sflag:s15], $0x50  }
0x1c: {  	[sflag:s15] =	ssyncset.done $0x0  }
0x1d: {  	[sflag:s15] =	ssyncadd.s32 $0xFFFFFFB0  }
0x1e: {  	[tilespmem:$0xAC00] =	vst v0  }
0x1f: {  	[tilespmem:$0xAC10] =	vst v0  }
0x20: {  	[tilespmem:$0xAC20] =	vst v0  }
0x21: {  	[tilespmem:$0xAC30] =	vst v0  }
0x22: {  	[tilespmem:$0xAC40] =	vst v0  }
0x23: {  	[tilespmem:$0xAC50] =	vst v0  }
0x24: {  	[tilespmem:$0xAC60] =	vst v0  }
0x25: {  	[tilespmem:$0xAC70] =	vst v0  }
0x26: {  	[tilespmem:s4], [sflag:$0x3] =	stream.linear.gather [hbm4b:s9+s4], $0x1800, $0x38;
	[tilespmem:$0x1EF00] =	vst v63  }
0x27: {  	_ =	swait.ge [sflag:s15], $0x1800  }
0x28: {  	[sflag:s15] =	ssyncset.done $0x0  }
0x29: {  	[sflag:s15] =	ssyncadd.s32 $0xFFFFE800  }
0x2a: {  	[tilespmem:s17], [sflag:$0x3] =	stream.linear.gather [hbm4b:s10+s4], $0x1400, $0x38;
	[tilespmem:$0x1EF00] =	vst v63  }
0x2b: {  	_ =	swait.ge [sflag:s15], $0x1400  }
0x2c: {  	[sflag:s15] =	ssyncset.done $0x0  }
0x2d: {  	[sflag:s15] =	ssyncadd.s32 $0xFFFFEC00  }
0x2e: {  	[bflag:$0x0] =	sbarrier.arrive $0xFFFF  }
0x2f: {  	[tilespmem:s19], [sflag:$0x1] =	stream.indirect.gather [hbm4b:s5+s18], $0x80, s4, s18, $0xb8;
	[tilespmem:$0x1EF00] =	vst v63  }
0x30: {  	s28 =	simm.s32 $0x80  }
0x31: {  	[tilespmem:s20], [sflag:$0x2] =	stream.indirect.gather [hbm4b:s5+s18], $0x80, s28, s18, $0xb8;
	[tilespmem:$0x1EF00] =	vst v63  }
0x32: {  	_ =	swait.ge [sflag:s21], $0x4000  }
0x33: {  	[sflag:s21] =	ssyncset.done $0x0  }
0x34: {  	s28 =	simm.s32 $0x1800;
	[sflag:s21] =	ssyncadd.s32 $0xFFFFC000  }
0x35: {  	[spmem:s2] =	stream.indirect.scatter.add.f32 [tilespmem:s19], [sflag:$0x3], $0x80, s28, s18, $0xb8;
	[tilespmem:$0x1EF00] =	vst v63  }
0x36: {  	_ =	swait.ge [sflag:s15], $0x4000  }
0x37: {  	[sflag:s15] =	ssyncset.done $0x0  }
0x38: {  	[sflag:s15] =	ssyncadd.s32 $0xFFFFC000  }
0x39: {  	[spmem:s3] =	stream.indirect.scatter.add.f32 [tilespmem:s22], [sflag:$0x3], $0x1, s28, s18, $0xb8;
	[tilespmem:$0x1EF00] =	vst v63  }
0x3a: {  	_ =	swait.ge [sflag:s15], $0x80  }
0x3b: {  	[sflag:s15] =	ssyncset.done $0x0  }
0x3c: {  	s28 =	simm.s32 $0x100;
	[sflag:s15] =	ssyncadd.s32 $0xFFFFFF80  }
0x3d: {  	[tilespmem:s19], [sflag:$0x1] =	stream.indirect.gather [hbm4b:s5+s18], $0x80, s28, s18, $0xb8;
	[tilespmem:$0x1EF00] =	vst v63  }
0x3e: {  	_ =	swait.ge [sflag:s23], $0x4000  }
0x3f: {  	[sflag:s23] =	ssyncset.done $0x0  }
0x40: {  	s28 =	simm.s32 $0x1880;
	[sflag:s23] =	ssyncadd.s32 $0xFFFFC000  }
0x41: {  	[spmem:s2] =	stream.indirect.scatter.add.f32 [tilespmem:s20], [sflag:$0x3], $0x80, s28, s18, $0xb8;
	[tilespmem:$0x1EF00] =	vst v63  }
0x42: {  	_ =	swait.ge [sflag:s15], $0x4000  }
0x43: {  	[sflag:s15] =	ssyncset.done $0x0  }
0x44: {  	[sflag:s15] =	ssyncadd.s32 $0xFFFFC000  }
0x45: {  	[spmem:s3] =	stream.indirect.scatter.add.f32 [tilespmem:s22], [sflag:$0x3], $0x1, s28, s18, $0xb8;
	[tilespmem:$0x1EF00] =	vst v63  }
0x46: {  	_ =	swait.ge [sflag:s15], $0x80  }
0x47: {  	s29 =	simm.s32 $0x800;
	s28 =	simm.s32 $0x100;
	[sflag:s15] =	ssyncset.done $0x0  }
.LBB2_2:
0x48: {  	s30 =	sadd.s32 $0x80, s28  }
0x49: {  	[sflag:s15] =	ssyncadd.s32 $0xFFFFFF80;
	s31 =	smov.u32 s29;
	s1 =	sadd.s32 $0x400, s29  }
0x4a: {  	[tilespmem:s20], [sflag:$0x2] =	stream.indirect.gather [hbm4b:s5+s18], $0x80, s30, s18, $0xb8;
	[tilespmem:$0x1EF00] =	vst v63  }
0x4b: {  	p0 =	sne.s32 s29, $0x4C00;
	_ =	swait.ge [sflag:s21], $0x4000  }
0x4c: {  	[sflag:s21] =	ssyncset.done $0x0  }
0x4d: {  	s29 =	sadd.s32 $0x1800, s28;
	[sflag:s21] =	ssyncadd.s32 $0xFFFFC000  }
0x4e: {  	[spmem:s2] =	stream.indirect.scatter.add.f32 [tilespmem:s19], [sflag:$0x3], $0x80, s29, s18, $0xb8;
	[tilespmem:$0x1EF00] =	vst v63  }
0x4f: {  	_ =	swait.ge [sflag:s15], $0x4000  }
0x50: {  	[sflag:s15] =	ssyncset.done $0x0  }
0x51: {  	[sflag:s15] =	ssyncadd.s32 $0xFFFFC000  }
0x52: {  	[spmem:s3] =	stream.indirect.scatter.add.f32 [tilespmem:s22], [sflag:$0x3], $0x1, s29, s18, $0xb8;
	[tilespmem:$0x1EF00] =	vst v63  }
0x53: {  	_ =	swait.ge [sflag:s15], $0x80  }
0x54: {  	[sflag:s15] =	ssyncset.done $0x0  }
0x55: {  	s29 =	sadd.s32 $0x100, s28;
	[sflag:s15] =	ssyncadd.s32 $0xFFFFFF80  }
0x56: {  	[tilespmem:s19], [sflag:$0x1] =	stream.indirect.gather [hbm4b:s5+s18], $0x80, s29, s18, $0xb8;
	[tilespmem:$0x1EF00] =	vst v63  }
0x57: {  	_ =	swait.ge [sflag:s23], $0x4000  }
0x58: {  	[sflag:s23] =	ssyncset.done $0x0  }
0x59: {  	s28 =	sadd.s32 $0x1880, s28;
	[sflag:s23] =	ssyncadd.s32 $0xFFFFC000  }
0x5a: {  	[spmem:s2] =	stream.indirect.scatter.add.f32 [tilespmem:s20], [sflag:$0x3], $0x80, s28, s18, $0xb8;
	[tilespmem:$0x1EF00] =	vst v63  }
0x5b: {  	_ =	swait.ge [sflag:s15], $0x4000  }
.Ltmp0:
0x5c: {  	[sflag:s15] =	ssyncset.done $0x0;
	(pc) =	sbr.rel @p0 .LBB2_2-.Ltmp0, $4  }
0x5d: {  	[sflag:s15] =	ssyncadd.s32 $0xFFFFC000  }
0x5e: {  	[spmem:s3] =	stream.indirect.scatter.add.f32 [tilespmem:s22], [sflag:$0x3], $0x1, s28, s18, $0xb8;
	[tilespmem:$0x1EF00] =	vst v63  }
0x5f: {  	_ =	swait.ge [sflag:s15], $0x80  }
0x60: {  	s29 =	smov.u32 s1;
	s28 =	sshra.s32 s31, $0x2;
	[sflag:s15] =	ssyncset.done $0x0  }
0x61: {  	s1 =	sadd.s32 $0x80, s28;
	[sflag:s15] =	ssyncadd.s32 $0xFFFFFF80  }
0x62: {  	[tilespmem:s20], [sflag:$0x2] =	stream.indirect.gather [hbm4b:s5+s18], $0x80, s1, s18, $0xb8;
	[tilespmem:$0x1EF00] =	vst v63  }
0x63: {  	_ =	swait.ge [sflag:s21], $0x4000  }
0x64: {  	[sflag:s21] =	ssyncset.done $0x0  }
0x65: {  	s29 =	sadd.s32 $0x1800, s28;
	[sflag:s21] =	ssyncadd.s32 $0xFFFFC000  }
0x66: {  	[spmem:s2] =	stream.indirect.scatter.add.f32 [tilespmem:s19], [sflag:$0x3], $0x80, s29, s18, $0xb8;
	[tilespmem:$0x1EF00] =	vst v63  }
0x67: {  	_ =	swait.ge [sflag:s15], $0x4000  }
0x68: {  	[sflag:s15] =	ssyncset.done $0x0  }
0x69: {  	[sflag:s15] =	ssyncadd.s32 $0xFFFFC000  }
0x6a: {  	[spmem:s3] =	stream.indirect.scatter.add.f32 [tilespmem:s22], [sflag:$0x3], $0x1, s29, s18, $0xb8;
	[tilespmem:$0x1EF00] =	vst v63  }
0x6b: {  	_ =	swait.ge [sflag:s15], $0x80  }
0x6c: {  	[sflag:s15] =	ssyncset.done $0x0  }
0x6d: {  	s30 =	sadd.s32 $0x100, s28;
	[sflag:s15] =	ssyncadd.s32 $0xFFFFFF80  }
0x6e: {  	[tilespmem:s19], [sflag:$0x1] =	stream.indirect.gather [hbm4b:s5+s18], $0x80, s30, s18, $0xb8;
	[tilespmem:$0x1EF00] =	vst v63  }
0x6f: {  	_ =	swait.ge [sflag:s23], $0x4000  }
0x70: {  	[sflag:s23] =	ssyncset.done $0x0  }
0x71: {  	s31 =	sadd.s32 $0x1880, s28;
	[sflag:s23] =	ssyncadd.s32 $0xFFFFC000  }
0x72: {  	[spmem:s2] =	stream.indirect.scatter.add.f32 [tilespmem:s20], [sflag:$0x3], $0x80, s31, s18, $0xb8;
	[tilespmem:$0x1EF00] =	vst v63  }
0x73: {  	_ =	swait.ge [sflag:s15], $0x4000  }
0x74: {  	[sflag:s15] =	ssyncset.done $0x0  }
0x75: {  	[sflag:s15] =	ssyncadd.s32 $0xFFFFC000  }
0x76: {  	[spmem:s3] =	stream.indirect.scatter.add.f32 [tilespmem:s22], [sflag:$0x3], $0x1, s31, s18, $0xb8;
	[tilespmem:$0x1EF00] =	vst v63  }
0x77: {  	_ =	swait.ge [sflag:s15], $0x80  }
0x78: {  	[sflag:s15] =	ssyncset.done $0x0  }
0x79: {  	[sflag:s15] =	ssyncadd.s32 $0xFFFFFF80  }
0x7a: {  	_ =	swait.ge [sflag:s21], $0x4000  }
0x7b: {  	[sflag:s21] =	ssyncset.done $0x0  }
0x7c: {  	[sflag:s21] =	ssyncadd.s32 $0xFFFFC000  }
0x7d: {  	[bflag:$0x0] =	sbarrier.arrive $0xFFFF  }
0x7e: {  	[hbm:s11], [sflag:s7] =	dma.local [spmem:s14], $0x2800  }
0x7f: {  	s26 =	sadd.s32 $0x1, s26;
	_ =	swait.ge [sflag:s15], $0x2800  }
0x80: {  	p0 =	sne.s32 s26, s13;
	[sflag:s15] =	ssyncset.done $0x0  }
.Ltmp1:
0x81: {  	[sflag:s15] =	ssyncadd.s32 $0xFFFFD800;
	(pc) =	sbr.rel @p0 .LBB2_1-.Ltmp1, $4  }
0x82: {  	[hbm:s12@s24], [sflag:s7] =	dma.strided [spmem:s16@s25], $0x50, s21, $0x10   }
0x83: {  	_ =	swait.ge [sflag:s15], $0x50  }
0x84: {  	[sflag:s15] =	ssyncset.done $0x0  }
0x85: {  	[sflag:s15] =	ssyncadd.s32 $0xFFFFFFB0  }
0x86: {  	_ =	sfence.sel $0x180000  }
0x87: {  	[bflag:$0x0] =	sbarrier.arrive $0xFFFF  }
0x88: {  	_ =	strace $0x90000047  }
0x89: {  	[bflag:$0x2] =	sbarrier.arrive $0xFFFF  }
0x8a: {  	p0 =	sne.s32 s0, $0x0;
	s0 =	rddreg [dreg:$0x4]  }
0x8b: {  	s0 =	sadd.s32 @!p0 $0x100000, s0  }
0x8c: {  	[sflag:s0] =	ssyncadd.tile.s32 @!p0 $0x1;
	_ =	shalt  }
.Lfunc_end2:
_tile_overlayer_lowered:
.L_overlay_start_2:
0x8d: {  	(tag) =	ssettag $0x2  }
0x8e: {  	s0 =	rddreg [dreg:$0x0];
	s2 =	stileid.u32  }
0x8f: {  	s1 =	rddreg [dreg:$0x1];
	p0 =	sne.s32 s2, $0x0  }
0x90: {  	s3 =	rddreg [dreg:$0x2];
	[bflag:$0x3] =	sbarrier.arrive $0xFFFF;
	s2 =	simm.s32 @!p0 $0x1C03  }
0x91: {  	[timem:s3], [sflag:s2] =	dma.local @!p0 [hbm:s0], s1  }
0x92: {  	s0 =	simm.s32 @!p0 $0x3  }
0x93: {  	_ =	swait.ge @!p0 [sflag:s0], s1  }
0x94: {  	s1 =	ssub.s32 @!p0 $0x0, s1;
	[sflag:s0] =	ssyncset.done @!p0 $0x0  }
0x95: {  	[sflag:s0] =	ssyncadd.s32 @!p0 s1  }
0x96: {  	[bflag:$0x3] =	sbarrier.arrive $0xFFFF  }
0x97: {  	_ =	shalt  }

</sc_bundles>
